<compile_context>
chip_gen: v7x
topology: tpu7x:2x2x1
jax: 0.10.2.dev20260603
libtpu: 0.0.44.dev20260713+nightly
codegen_flags: <defaults>
</compile_context>

<pallas_src>
import functools

import jax
import jax.numpy as jnp
from jax import lax
from jax.experimental import pallas as pl
from jax.experimental.pallas import tpu as pltpu
from jax.experimental.pallas import tpu_sc as plsc

H = 16
LN_EPS = 1e-5
NC, NS = 2, 16
NW = NC * NS
MT = 256
NITEMS = 24
_INTERPRET = False


def _pcall(*args, **kwargs):
    return pl.pallas_call(*args, interpret=_INTERPRET, **kwargs)


def _ln(x, g, b):
    m = x.mean(-1, keepdims=True)
    v = ((x - m) ** 2).mean(-1, keepdims=True)
    return (x - m) / jnp.sqrt(v + LN_EPS) * g + b


def _dot(a, b, precision=None):
    return lax.dot_general(a, b, (((1,), (0,)), ((), ())),
                           preferred_element_type=jnp.float32,
                           precision=precision)


def _k1(x_ref, w_ref, g_ref, b_ref, o_ref):
    n = _ln(x_ref[...], g_ref[...], b_ref[...])
    o_ref[...] = _dot(n.astype(jnp.bfloat16), w_ref[...]).astype(jnp.bfloat16)


def _k2(q_ref, k_ref, v_ref, o_ref, *, scale):
    s = lax.dot_general(q_ref[0], k_ref[0], (((1,), (1,)), ((), ())),
                        preferred_element_type=jnp.float32) * scale
    s = s - jnp.max(s, axis=-1, keepdims=True)
    p = jnp.exp(s)
    p = p / jnp.sum(p, axis=-1, keepdims=True)
    o_ref[0] = _dot(p.astype(jnp.bfloat16), v_ref[0]).astype(jnp.bfloat16)


def _k3(xs_ref, z_ref, w_ref, cb_ref, o_ref):
    x = xs_ref[...].astype(jnp.float32)
    w = w_ref[...]
    acc = x * w[3:4, :]
    for k in (1, 2, 3):
        shifted = jnp.concatenate(
            [jnp.zeros((k, x.shape[1]), jnp.float32), x[:-k, :]], axis=0)
        acc = acc + shifted * w[3 - k:4 - k, :]
    acc = acc + cb_ref[...]
    z = z_ref[...].astype(jnp.float32)
    o_ref[...] = (acc * jax.nn.sigmoid(acc) * jax.nn.sigmoid(z)
                  ).astype(jnp.bfloat16)


def _k4(x_ref, mg_ref, h_ref, gp_ref, al_ref, wo_ref, wp_ref, wg_ref,
        g2_ref, b2_ref, ls1_ref, s_ref, y2_ref, lg_ref):
    a_out = _dot(mg_ref[...], wo_ref[...])
    a_out = a_out * jax.nn.sigmoid(gp_ref[...].astype(jnp.float32))
    s_out = _dot(h_ref[...], wp_ref[...])
    alpha = jax.nn.sigmoid(al_ref[...][:, 0:1].astype(jnp.float32))
    blended = ((1.0 - alpha) * s_out + alpha * a_out) * ls1_ref[...]
    x = x_ref[...]
    y = x + blended
    s_ref[...] = x + y
    y2 = _ln(y, g2_ref[...], b2_ref[...]).astype(jnp.bfloat16)
    y2_ref[...] = y2
    lg_ref[...] = _dot(y2, wg_ref[...])


def _k5(lg_ref, wc_ref, dest_ref, off_ref, cnt_ref, mof_ref, eof_ref,
        vf_ref, *, n_e, n_m):
    lg = lg_ref[...]
    L = lg.shape[0]
    mx = jnp.max(lg, axis=-1, keepdims=True)
    ex = jnp.exp(lg - mx)
    probs = ex / jnp.sum(ex, axis=-1, keepdims=True)
    iota8 = lax.broadcasted_iota(jnp.int32, probs.shape, 1)
    m1 = jnp.max(probs, axis=-1, keepdims=True)
    i1 = jnp.min(jnp.where(probs == m1, iota8, n_e), axis=-1, keepdims=True)
    p2 = jnp.where(iota8 == i1, -jnp.inf, probs)
    m2 = jnp.max(p2, axis=-1, keepdims=True)
    i2 = jnp.min(jnp.where(p2 == m2, iota8, n_e), axis=-1, keepdims=True)
    s12 = m1 + m2 + 1e-8
    wc_ref[...] = jnp.concatenate([m1 / s12, m2 / s12], axis=1)

    sel1 = (iota8 == i1).astype(jnp.float32)
    sel2 = (iota8 == i2).astype(jnp.float32)
    c = sel1 + sel2
    r = lax.broadcasted_iota(jnp.int32, (L, L), 0)
    cc = lax.broadcasted_iota(jnp.int32, (L, L), 1)
    tri = (r > cc).astype(jnp.bfloat16)
    rank = _dot(tri, c.astype(jnp.bfloat16))
    tot = jnp.sum(c, axis=0, keepdims=True)
    r8 = lax.broadcasted_iota(jnp.int32, (n_e, n_e), 0)
    c8 = lax.broadcasted_iota(jnp.int32, (n_e, n_e), 1)
    u8 = (r8 < c8).astype(jnp.float32)
    off = _dot(tot, u8, precision=lax.Precision.HIGHEST)
    off_ref[...] = off.astype(jnp.int32)
    cnt_ref[...] = tot.astype(jnp.int32)

    pos = off + rank
    d0 = jnp.sum(jnp.where(iota8 == i1, pos, 0.0), axis=-1, keepdims=True)
    d1 = jnp.sum(jnp.where(iota8 == i2, pos, 0.0), axis=-1, keepdims=True)
    dest_ref[...] = jnp.concatenate([d0, d1], axis=1).astype(jnp.int32)

    mstart = lax.broadcasted_iota(jnp.int32, (n_m, 1), 0).astype(
        jnp.float32) * MT
    ov = ((off < mstart + MT) & (off + tot > mstart) & (tot > 0)
          ).astype(jnp.float32)
    colpre = _dot(ov, u8)
    rm = lax.broadcasted_iota(jnp.int32, (n_m, n_m), 0)
    cm = lax.broadcasted_iota(jnp.int32, (n_m, n_m), 1)
    lm = (rm > cm).astype(jnp.float32)
    cumrow = jnp.sum(_dot(lm, ov), axis=-1, keepdims=True)
    rnk = cumrow + colpre
    mvals = lax.broadcasted_iota(jnp.int32, (n_m, n_e), 0).astype(jnp.float32)
    evals = lax.broadcasted_iota(jnp.int32, (n_m, n_e), 1).astype(jnp.float32)
    nvalid = jnp.sum(ov)
    iota_j = lax.broadcasted_iota(jnp.int32, (1, NITEMS), 1).astype(
        jnp.float32)
    mof = jnp.zeros((1, NITEMS), jnp.float32)
    eof = jnp.zeros((1, NITEMS), jnp.float32)
    for j in range(NITEMS):
        mask_j = (rnk == j) & (ov > 0)
        mj = jnp.sum(jnp.where(mask_j, mvals, 0.0))
        ej = jnp.sum(jnp.where(mask_j, evals, 0.0))
        mof = mof + jnp.where(iota_j == j, mj, 0.0)
        eof = eof + jnp.where(iota_j == j, ej, 0.0)
    validm = iota_j < nvalid
    m_last = jnp.max(jnp.where(validm, mof, 0.0))
    e_last = jnp.sum(jnp.where(iota_j == nvalid - 1.0, eof, 0.0))
    mof_ref[...] = jnp.where(validm, mof, m_last).astype(jnp.int32)
    eof_ref[...] = jnp.where(validm, eof, e_last).astype(jnp.int32)
    vf_ref[...] = validm.astype(jnp.int32)


def _k6(off_ref, cnt_ref, mof_ref, eof_ref, vf_ref,
        xs_ref, w1_ref, w3_ref, w2_ref, o_ref):
    j = pl.program_id(0)
    k = pl.program_id(1)
    f = xs_ref[...]
    t1 = _dot(f, w1_ref[0])
    t1 = t1 * jax.nn.sigmoid(t1)
    t = (t1 * _dot(f, w3_ref[0])).astype(jnp.bfloat16)
    part = _dot(t, w2_ref[0])

    m = mof_ref[j]
    e = eof_ref[j]
    rows = m * MT + lax.broadcasted_iota(jnp.int32, (MT, 1), 0)
    off = off_ref[e]
    cnt = cnt_ref[e]
    inb = (rows >= off) & (rows < off + cnt) & (vf_ref[j] > 0)
    contrib = jnp.where(inb, part, 0.0).astype(jnp.bfloat16)

    prev_m = mof_ref[jnp.maximum(j - 1, 0)]
    first = (k == 0) & ((j == 0) | (m != prev_m))

    @pl.when(first)
    def _():
        o_ref[...] = contrib

    @pl.when(jnp.logical_not(first))
    def _():
        o_ref[...] += contrib


def _k7(s_ref, a_ref, b_ref, wc_ref, ls2_ref, o_ref):
    wc = wc_ref[...]
    moe = (wc[:, 0:1] * a_ref[...].astype(jnp.float32)
           + wc[:, 1:2] * b_ref[...].astype(jnp.float32))
    o_ref[...] = s_ref[...] + ls2_ref[...] * moe


def _sc_dispatch(y2_3d, d0, d1):
    L, sl, _ = y2_3d.shape
    rpw = L // NW
    mesh = plsc.VectorSubcoreMesh(core_axis_name="c", subcore_axis_name="s")

    def body(y2_hbm, d0_hbm, d1_hbm, xs_hbm, idx_v, rows_v, sem):
        wid = lax.axis_index("s") * NC + lax.axis_index("c")
        base = wid * rpw
        pltpu.sync_copy(y2_hbm.at[pl.ds(base, rpw)], rows_v)
        pltpu.sync_copy(d0_hbm.at[pl.ds(base, rpw)], idx_v)
        pltpu.async_copy(rows_v, xs_hbm.at[idx_v], sem).wait()
        pltpu.sync_copy(d1_hbm.at[pl.ds(base, rpw)], idx_v)
        pltpu.async_copy(rows_v, xs_hbm.at[idx_v], sem).wait()

    return pl.kernel(
        body,
        out_type=jax.ShapeDtypeStruct((2 * L, sl, 128), jnp.int32),
        mesh=mesh,
        compiler_params=pltpu.CompilerParams(use_tc_tiling_on_sc=True),
        scratch_types=[
            pltpu.VMEM((rpw,), jnp.int32),
            pltpu.VMEM((rpw, sl, 128), jnp.int32),
            pltpu.SemaphoreType.DMA,
        ],
    )(y2_3d, d0, d1)


def _sc_combine(ys_3d, d0, d1):
    L = ys_3d.shape[0] // 2
    sl = ys_3d.shape[1]
    rpw = L // NW
    mesh = plsc.VectorSubcoreMesh(core_axis_name="c", subcore_axis_name="s")

    def body(ys_hbm, d0_hbm, d1_hbm, a_hbm, b_hbm, idx_v, rows_v, sem):
        wid = lax.axis_index("s") * NC + lax.axis_index("c")
        base = wid * rpw
        pltpu.sync_copy(d0_hbm.at[pl.ds(base, rpw)], idx_v)
        pltpu.async_copy(ys_hbm.at[idx_v], rows_v, sem).wait()
        pltpu.sync_copy(rows_v, a_hbm.at[pl.ds(base, rpw)])
        pltpu.sync_copy(d1_hbm.at[pl.ds(base, rpw)], idx_v)
        pltpu.async_copy(ys_hbm.at[idx_v], rows_v, sem).wait()
        pltpu.sync_copy(rows_v, b_hbm.at[pl.ds(base, rpw)])

    return pl.kernel(
        body,
        out_type=[jax.ShapeDtypeStruct((L, sl, 128), jnp.int32),
                  jax.ShapeDtypeStruct((L, sl, 128), jnp.int32)],
        mesh=mesh,
        compiler_params=pltpu.CompilerParams(use_tc_tiling_on_sc=True),
        scratch_types=[
            pltpu.VMEM((rpw,), jnp.int32),
            pltpu.VMEM((rpw, sl, 128), jnp.int32),
            pltpu.SemaphoreType.DMA,
        ],
    )(ys_3d, d0, d1)


def kernel(x, Wa, Wh, Wqkv, Wout, Wgate, Wproj_in, conv_w, conv_b, Wproj_out,
           Wg_moe, w1, w2, w3, g1, b1, g2, b2, ls1g, ls2g):
    del Wh
    B, L, D = x.shape
    DH = D // H
    E, _, DFF = w1.shape
    bf = jnp.bfloat16

    LT = 256
    FT = 512
    NM = 2 * L // MT
    xf = x.reshape(L, D)

    wcat = jnp.concatenate(
        [Wqkv, Wproj_in, Wgate,
         jnp.pad(Wa, ((0, 0), (0, 127))), jnp.zeros((D, 128), jnp.float32)],
        axis=1).astype(bf)
    NP = 6 * D + 256
    proj = _pcall(
        _k1,
        grid=(L // LT,),
        in_specs=[
            pl.BlockSpec((LT, D), lambda i: (i, 0)),
            pl.BlockSpec((D, NP), lambda i: (0, 0)),
            pl.BlockSpec((1, D), lambda i: (0, 0)),
            pl.BlockSpec((1, D), lambda i: (0, 0)),
        ],
        out_specs=pl.BlockSpec((LT, NP), lambda i: (i, 0)),
        out_shape=jax.ShapeDtypeStruct((L, NP), bf),
    )(xf, wcat, g1.reshape(1, D), b1.reshape(1, D))

    qh = proj[:, 0 * D:1 * D].reshape(L, H, DH).transpose(1, 0, 2)
    kh = proj[:, 1 * D:2 * D].reshape(L, H, DH).transpose(1, 0, 2)
    vh = proj[:, 2 * D:3 * D].reshape(L, H, DH).transpose(1, 0, 2)
    xs_c = proj[:, 3 * D:4 * D]
    zg = proj[:, 4 * D:5 * D]
    gate_pre = proj[:, 5 * D:6 * D]
    alpha_col = proj[:, 6 * D:6 * D + 128]

    attn = _pcall(
        functools.partial(_k2, scale=DH ** -0.5),
        grid=(H, L // LT),
        in_specs=[
            pl.BlockSpec((1, LT, DH), lambda h, i: (h, i, 0)),
            pl.BlockSpec((1, L, DH), lambda h, i: (h, 0, 0)),
            pl.BlockSpec((1, L, DH), lambda h, i: (h, 0, 0)),
        ],
        out_specs=pl.BlockSpec((1, LT, DH), lambda h, i: (h, i, 0)),
        out_shape=jax.ShapeDtypeStruct((H, L, DH), bf),
    )(qh, kh, vh)
    merged = attn.transpose(1, 0, 2).reshape(L, D)

    CT = 256
    cwp = jnp.pad(conv_w[:, 0, :].T, ((0, 4), (0, 0)))
    hconv = _pcall(
        _k3,
        grid=(D // CT,),
        in_specs=[
            pl.BlockSpec((L, CT), lambda i: (0, i)),
            pl.BlockSpec((L, CT), lambda i: (0, i)),
            pl.BlockSpec((8, CT), lambda i: (0, i)),
            pl.BlockSpec((1, CT), lambda i: (0, i)),
        ],
        out_specs=pl.BlockSpec((L, CT), lambda i: (0, i)),
        out_shape=jax.ShapeDtypeStruct((L, D), bf),
    )(xs_c, zg, cwp, conv_b.reshape(1, D))

    wg_pad = jnp.pad(Wg_moe, ((0, 0), (0, 128 - E))).astype(bf)
    s_res, y2, logits = _pcall(
        _k4,
        grid=(L // LT,),
        in_specs=[
            pl.BlockSpec((LT, D), lambda i: (i, 0)),
            pl.BlockSpec((LT, D), lambda i: (i, 0)),
            pl.BlockSpec((LT, D), lambda i: (i, 0)),
            pl.BlockSpec((LT, D), lambda i: (i, 0)),
            pl.BlockSpec((LT, 128), lambda i: (i, 0)),
            pl.BlockSpec((D, D), lambda i: (0, 0)),
            pl.BlockSpec((D, D), lambda i: (0, 0)),
            pl.BlockSpec((D, 128), lambda i: (0, 0)),
            pl.BlockSpec((1, D), lambda i: (0, 0)),
            pl.BlockSpec((1, D), lambda i: (0, 0)),
            pl.BlockSpec((1, D), lambda i: (0, 0)),
        ],
        out_specs=[
            pl.BlockSpec((LT, D), lambda i: (i, 0)),
            pl.BlockSpec((LT, D), lambda i: (i, 0)),
            pl.BlockSpec((LT, 128), lambda i: (i, 0)),
        ],
        out_shape=[
            jax.ShapeDtypeStruct((L, D), jnp.float32),
            jax.ShapeDtypeStruct((L, D), bf),
            jax.ShapeDtypeStruct((L, 128), jnp.float32),
        ],
    )(xf, merged, hconv, gate_pre, alpha_col, Wout.astype(bf),
      Wproj_out.astype(bf), wg_pad, g2.reshape(1, D), b2.reshape(1, D),
      ls1g.reshape(1, D))
    logits8 = logits[:, :E]

    wc, dest, offs, cnts, mof, eof, vf = _pcall(
        functools.partial(_k5, n_e=E, n_m=NM),
        grid=(1,),
        in_specs=[pl.BlockSpec((L, E), lambda i: (0, 0))],
        out_specs=[
            pl.BlockSpec((L, 2), lambda i: (0, 0)),
            pl.BlockSpec((L, 2), lambda i: (0, 0)),
            pl.BlockSpec((1, E), lambda i: (0, 0)),
            pl.BlockSpec((1, E), lambda i: (0, 0)),
            pl.BlockSpec((1, NITEMS), lambda i: (0, 0)),
            pl.BlockSpec((1, NITEMS), lambda i: (0, 0)),
            pl.BlockSpec((1, NITEMS), lambda i: (0, 0)),
        ],
        out_shape=[
            jax.ShapeDtypeStruct((L, 2), jnp.float32),
            jax.ShapeDtypeStruct((L, 2), jnp.int32),
            jax.ShapeDtypeStruct((1, E), jnp.int32),
            jax.ShapeDtypeStruct((1, E), jnp.int32),
            jax.ShapeDtypeStruct((1, NITEMS), jnp.int32),
            jax.ShapeDtypeStruct((1, NITEMS), jnp.int32),
            jax.ShapeDtypeStruct((1, NITEMS), jnp.int32),
        ],
    )(logits8)

    d0 = dest[:, 0]
    d1 = dest[:, 1]

    y2_i = lax.bitcast_convert_type(
        y2.reshape(L, D // 2, 2), jnp.int32).reshape(L, D // 256, 128)
    xs_i = _sc_dispatch(y2_i, d0, d1)
    xs_sorted = lax.bitcast_convert_type(
        xs_i.reshape(2 * L, D // 2), jnp.bfloat16).reshape(2 * L, D)

    ys = pl.pallas_call(
        _k6,
        grid_spec=pltpu.PrefetchScalarGridSpec(
            num_scalar_prefetch=5,
            grid=(NITEMS, DFF // FT),
            in_specs=[
                pl.BlockSpec((MT, D), lambda j, k, off, cnt, mof, eof, vf:
                             (mof[j], 0)),
                pl.BlockSpec((1, D, FT), lambda j, k, off, cnt, mof, eof, vf:
                             (eof[j], 0, k)),
                pl.BlockSpec((1, D, FT), lambda j, k, off, cnt, mof, eof, vf:
                             (eof[j], 0, k)),
                pl.BlockSpec((1, FT, D), lambda j, k, off, cnt, mof, eof, vf:
                             (eof[j], k, 0)),
            ],
            out_specs=pl.BlockSpec((MT, D), lambda j, k, off, cnt, mof, eof,
                                   vf: (mof[j], 0)),
        ),
        out_shape=jax.ShapeDtypeStruct((2 * L, D), bf),
        interpret=_INTERPRET,
    )(offs.reshape(E), cnts.reshape(E), mof.reshape(NITEMS),
      eof.reshape(NITEMS), vf.reshape(NITEMS),
      xs_sorted.reshape(2 * L, D), w1.astype(bf), w3.astype(bf),
      w2.astype(bf))

    ys_i = lax.bitcast_convert_type(
        ys.reshape(2 * L, D // 2, 2), jnp.int32).reshape(2 * L, D // 256, 128)
    a3_i, b3_i = _sc_combine(ys_i, d0, d1)
    a3 = lax.bitcast_convert_type(
        a3_i.reshape(L, D // 2), jnp.bfloat16).reshape(L, D)
    b3 = lax.bitcast_convert_type(
        b3_i.reshape(L, D // 2), jnp.bfloat16).reshape(L, D)

    out = _pcall(
        _k7,
        grid=(L // LT,),
        in_specs=[
            pl.BlockSpec((LT, D), lambda i: (i, 0)),
            pl.BlockSpec((LT, D), lambda i: (i, 0)),
            pl.BlockSpec((LT, D), lambda i: (i, 0)),
            pl.BlockSpec((LT, 2), lambda i: (i, 0)),
            pl.BlockSpec((1, D), lambda i: (0, 0)),
        ],
        out_specs=pl.BlockSpec((LT, D), lambda i: (i, 0)),
        out_shape=jax.ShapeDtypeStruct((L, D), jnp.float32),
    )(s_res, a3.reshape(L, D), b3.reshape(L, D), wc, ls2g.reshape(1, D))

    return out.reshape(B, L, D)

# --- scband reference (transcript-rebuilt; emitter-appended) ---
"""Pipeline reference for scband-eshloop-block-41128606827161 (READ-ONLY COPY).

The authoritative reference and input builder live on the scoring server;
editing this copy changes nothing except your own understanding.
"""

import jax, jax.numpy as jnp
import numpy as np
from jax import lax

B, L, D, H = 1, 2048, 1024, 16
E, DFF, TOPK, STEPS = 8, 2048, 2, 2


def setup_inputs(seed: int = 0) -> dict:
    key = jax.random.key(seed)
    ks = jax.random.split(key, 16)
    s = 0.02
    def rn(k, shape, scale=s):
        return scale * jax.random.normal(k, shape, dtype=jnp.float32)
    return {
        "x": jax.random.normal(ks[0], (B, L, D), dtype=jnp.float32),
        "Wa": rn(ks[1], (D, 1)),
        "Wh": rn(ks[2], (D, 1)),
        "Wqkv": rn(ks[3], (D, 3 * D)),
        "Wout": rn(ks[4], (D, D)),
        "Wgate": rn(ks[5], (D, D)),
        "Wproj_in": rn(ks[6], (D, 2 * D)),
        "conv_w": rn(ks[7], (D, 1, 4)),
        "conv_b": jnp.zeros((D,), jnp.float32),
        "Wproj_out": rn(ks[8], (D, D)),
        "Wg_moe": rn(ks[9], (D, E)),
        "w1": rn(ks[10], (E, D, DFF)),
        "w2": rn(ks[11], (E, DFF, D)),
        "w3": rn(ks[12], (E, D, DFF)),
        "g1": jnp.ones((D,), jnp.float32),
        "b1": jnp.zeros((D,), jnp.float32),
        "g2": jnp.ones((D,), jnp.float32),
        "b2": jnp.zeros((D,), jnp.float32),
        "ls1g": 1e-05 * jnp.ones((D,), jnp.float32),
        "ls2g": 1e-05 * jnp.ones((D,), jnp.float32),
    }


def _layernorm(x, g, b):
    m = x.mean(-1, keepdims=True)
    v = ((x - m) ** 2).mean(-1, keepdims=True)
    return (x - m) / jnp.sqrt(v + 1e-5) * g + b


def _attention(x, Wqkv, Wout, Wgate):
    b, l, d = x.shape
    dh = d // H
    scale = dh ** (-0.5)
    qkv = (x @ Wqkv).reshape(b, l, 3, H, dh).transpose(2, 0, 3, 1, 4)
    q, k, v = qkv[0], qkv[1], qkv[2]
    attn = jax.nn.softmax(q @ k.transpose(0, 1, 3, 2) * scale, axis=-1)
    out = (attn @ v).transpose(0, 2, 1, 3).reshape(b, l, d)
    gate = jax.nn.sigmoid(x @ Wgate)
    return (out @ Wout) * gate


def _ssm(x, Wpi, cw, cb, Wpo):
    b, l, d = x.shape
    xz = x @ Wpi
    xs, z = xz[..., :d], xz[..., d:]
    xt = xs.transpose(0, 2, 1)
    conv = lax.conv_general_dilated(xt, cw, (1,), [(3, 3)], feature_group_count=d, dimension_numbers=("NCH", "OIH", "NCH")) + cb[None, :, None]
    conv = conv[:, :, :l].transpose(0, 2, 1)
    out = jax.nn.silu(conv) * jax.nn.sigmoid(z)
    return out @ Wpo


def _moe(x, Wg, w1, w2, w3):
    b, l, d = x.shape
    f = x.reshape(-1, d)
    probs = jax.nn.softmax(f @ Wg, axis=-1)
    tp, ti = lax.top_k(probs, TOPK)
    tp = tp / (tp.sum(-1, keepdims=True) + 1e-8)
    out = jnp.zeros_like(f)
    for e in range(E):
        w = (tp * (ti == e).astype(f.dtype)).sum(-1)
        eo = (jax.nn.silu(f @ w1[e]) * (f @ w3[e])) @ w2[e]
        out = out + w[:, None] * eo
    return out.reshape(b, l, d)


def reference(x, Wa, Wh, Wqkv, Wout, Wgate, Wproj_in, conv_w, conv_b, Wproj_out, Wg_moe, w1, w2, w3, g1, b1, g2, b2, ls1g, ls2g):
    residual = x
    accumulated = jnp.zeros_like(x)
    remainder = jnp.ones((x.shape[0], x.shape[1], 1), x.dtype)
    halt_cum = jnp.zeros_like(remainder)
    for step in range(STEPS):
        normed = _layernorm(x, g1, b1)
        alpha = jax.nn.sigmoid(normed @ Wa)
        halt_prob = jax.nn.sigmoid(normed @ Wh + float(step))
        ssm_out = _ssm(normed, Wproj_in, conv_w, conv_b, Wproj_out)
        attn_out = _attention(normed, Wqkv, Wout, Wgate)
        blended = ((1.0 - alpha) * ssm_out + alpha * attn_out) * ls1g
        moe_out = _moe(_layernorm(x + blended, g2, b2), Wg_moe, w1, w2, w3)
        step_output = x + blended + ls2g * moe_out
        if step == STEPS - 1:
            weight = remainder
        else:
            weight = halt_prob * remainder
        accumulated = accumulated + weight * step_output
        halt_cum = halt_cum + weight
        remainder = jnp.clip(remainder - weight, 0.0, None)
    return accumulated + residual

if __name__ == "__main__":
    import jax
    _d = setup_inputs()
    print(jax.jit(kernel)(*tuple(_d.values())))

</pallas_src>

<mosaic_0001>
#map = affine_map<(d0, d1) -> (0, 0, 0)>
#map1 = affine_map<(d0, d1) -> (0)>
module attributes {stable_mosaic.version = 14 : i64} {
  func.func @body(%arg0: i32, %arg1: i32, %arg2: memref<4096x4x128xi32, #tpu.memory_space<hbm>>, %arg3: memref<2048xi32, #tpu.memory_space<hbm>>, %arg4: memref<2048xi32, #tpu.memory_space<hbm>>, %arg5: memref<2048x4x128xi32, #tpu.memory_space<hbm>>, %arg6: memref<2048x4x128xi32, #tpu.memory_space<hbm>>, %arg7: memref<64xi32, #tpu.memory_space<vmem>>, %arg8: memref<64x4x128xi32, #tpu.memory_space<vmem>>, %arg9: memref<!tpu.dma_semaphore, #tpu.memory_space<semaphore_mem>>) attributes {dimension_semantics = [#tpu.dimension_semantics<core_parallel>, #tpu.dimension_semantics<subcore_parallel>], iteration_bounds = array<i64: 2, 16>, scalar_prefetch = 0 : i64, scratch_operands = 3 : i64, tpu.core_type = #tpu.core_type<sc_vector_subcore>, window_params = [{transform_indices = #map}, {transform_indices = #map1}, {transform_indices = #map1}, {transform_indices = #map}, {transform_indices = #map}]} {
    %mul3A = arith.constant 2 : i32
    %mul3A_0 = arith.muli %arg1, %mul3A : i32
    %add3A = arith.addi %mul3A_0, %arg0 : i32
    %mul3A_1 = arith.constant 64 : i32
    %mul3A_2 = arith.muli %add3A, %mul3A_1 : i32
    "tpu.region"() ({
      %run_scoped3A = tpu.sem_alloc : memref<!tpu.dma_semaphore, #tpu.memory_space<semaphore_mem>>
      %dma_start3A_17 = tpu.memref_slice %arg3[%mul3A_2] : memref<2048xi32, #tpu.memory_space<hbm>> -> memref<64xi32, #tpu.memory_space<hbm>>
      %dma_start3A_18 = tpu.memref_slice %arg3[%mul3A_2] : memref<2048xi32, #tpu.memory_space<hbm>> -> memref<64xi32, #tpu.memory_space<hbm>>
      tpu.enqueue_dma source(%dma_start3A_18 : memref<64xi32, #tpu.memory_space<hbm>>) target(%arg7 : memref<64xi32, #tpu.memory_space<vmem>>) target_semaphore(%run_scoped3A : memref<!tpu.dma_semaphore, #tpu.memory_space<semaphore_mem>>)
      %dma_wait3A_19 = tpu.memref_slice %arg3[%mul3A_2] : memref<2048xi32, #tpu.memory_space<hbm>> -> memref<64xi32, #tpu.memory_space<hbm>>
      %dma_wait3A_20 = tpu.memref_slice %arg3[%mul3A_2] : memref<2048xi32, #tpu.memory_space<hbm>> -> memref<64xi32, #tpu.memory_space<hbm>>
      tpu.wait_dma2 semaphore(%run_scoped3A : memref<!tpu.dma_semaphore, #tpu.memory_space<semaphore_mem>>) src(%dma_wait3A_20 : memref<64xi32, #tpu.memory_space<hbm>>) dst(%arg7 : memref<64xi32, #tpu.memory_space<vmem>>)
      tpu.yield
    }) : () -> ()
    %dma_start3A = arith.constant 0 : i32
    %dma_start3A_3 = arith.constant 0 : i32
    %dma_start3A_4 = arith.constant 0 : i32
    %dma_start3A_5 = tpu.memref_slice %arg2[%dma_start3A, %dma_start3A_3, %dma_start3A_4] : memref<4096x4x128xi32, #tpu.memory_space<hbm>> -> memref<4096x4x128xi32, #tpu.memory_space<hbm>>
    tpu.enqueue_indirect_dma source(%dma_start3A_5 : memref<4096x4x128xi32, #tpu.memory_space<hbm>>) target(%arg8 : memref<64x4x128xi32, #tpu.memory_space<vmem>>) offsets(%arg7 : memref<64xi32, #tpu.memory_space<vmem>>) semaphore(%arg9 : memref<!tpu.dma_semaphore, #tpu.memory_space<semaphore_mem>>)
    %dma_wait3A = arith.constant 0 : i32
    %dma_wait3A_6 = arith.constant 0 : i32
    %dma_wait3A_7 = arith.constant 0 : i32
    %dma_wait3A_8 = tpu.memref_slice %arg2[%dma_wait3A, %dma_wait3A_6, %dma_wait3A_7] : memref<4096x4x128xi32, #tpu.memory_space<hbm>> -> memref<4096x4x128xi32, #tpu.memory_space<hbm>>
    tpu.wait_indirect_dma semaphore(%arg9 : memref<!tpu.dma_semaphore, #tpu.memory_space<semaphore_mem>>) src(%dma_wait3A_8 : memref<4096x4x128xi32, #tpu.memory_space<hbm>>) dst(%arg8 : memref<64x4x128xi32, #tpu.memory_space<vmem>>)
    "tpu.region"() ({
      %run_scoped3A = tpu.sem_alloc : memref<!tpu.dma_semaphore, #tpu.memory_space<semaphore_mem>>
      %dma_start3A_17 = arith.constant 0 : i32
      %dma_start3A_18 = arith.constant 0 : i32
      %dma_start3A_19 = tpu.memref_slice %arg5[%mul3A_2, %dma_start3A_17, %dma_start3A_18] : memref<2048x4x128xi32, #tpu.memory_space<hbm>> -> memref<64x4x128xi32, #tpu.memory_space<hbm>>
      %dma_start3A_20 = arith.constant 0 : i32
      %dma_start3A_21 = arith.constant 0 : i32
      %dma_start3A_22 = tpu.memref_slice %arg5[%mul3A_2, %dma_start3A_20, %dma_start3A_21] : memref<2048x4x128xi32, #tpu.memory_space<hbm>> -> memref<64x4x128xi32, #tpu.memory_space<hbm>>
      tpu.enqueue_dma source(%arg8 : memref<64x4x128xi32, #tpu.memory_space<vmem>>) target(%dma_start3A_22 : memref<64x4x128xi32, #tpu.memory_space<hbm>>) target_semaphore(%run_scoped3A : memref<!tpu.dma_semaphore, #tpu.memory_space<semaphore_mem>>)
      %dma_wait3A_23 = arith.constant 0 : i32
      %dma_wait3A_24 = arith.constant 0 : i32
      %dma_wait3A_25 = tpu.memref_slice %arg5[%mul3A_2, %dma_wait3A_23, %dma_wait3A_24] : memref<2048x4x128xi32, #tpu.memory_space<hbm>> -> memref<64x4x128xi32, #tpu.memory_space<hbm>>
      %dma_wait3A_26 = arith.constant 0 : i32
      %dma_wait3A_27 = arith.constant 0 : i32
      %dma_wait3A_28 = tpu.memref_slice %arg5[%mul3A_2, %dma_wait3A_26, %dma_wait3A_27] : memref<2048x4x128xi32, #tpu.memory_space<hbm>> -> memref<64x4x128xi32, #tpu.memory_space<hbm>>
      tpu.wait_dma2 semaphore(%run_scoped3A : memref<!tpu.dma_semaphore, #tpu.memory_space<semaphore_mem>>) src(%arg8 : memref<64x4x128xi32, #tpu.memory_space<vmem>>) dst(%dma_wait3A_28 : memref<64x4x128xi32, #tpu.memory_space<hbm>>)
      tpu.yield
    }) : () -> ()
    "tpu.region"() ({
      %run_scoped3A = tpu.sem_alloc : memref<!tpu.dma_semaphore, #tpu.memory_space<semaphore_mem>>
      %dma_start3A_17 = tpu.memref_slice %arg4[%mul3A_2] : memref<2048xi32, #tpu.memory_space<hbm>> -> memref<64xi32, #tpu.memory_space<hbm>>
      %dma_start3A_18 = tpu.memref_slice %arg4[%mul3A_2] : memref<2048xi32, #tpu.memory_space<hbm>> -> memref<64xi32, #tpu.memory_space<hbm>>
      tpu.enqueue_dma source(%dma_start3A_18 : memref<64xi32, #tpu.memory_space<hbm>>) target(%arg7 : memref<64xi32, #tpu.memory_space<vmem>>) target_semaphore(%run_scoped3A : memref<!tpu.dma_semaphore, #tpu.memory_space<semaphore_mem>>)
      %dma_wait3A_19 = tpu.memref_slice %arg4[%mul3A_2] : memref<2048xi32, #tpu.memory_space<hbm>> -> memref<64xi32, #tpu.memory_space<hbm>>
      %dma_wait3A_20 = tpu.memref_slice %arg4[%mul3A_2] : memref<2048xi32, #tpu.memory_space<hbm>> -> memref<64xi32, #tpu.memory_space<hbm>>
      tpu.wait_dma2 semaphore(%run_scoped3A : memref<!tpu.dma_semaphore, #tpu.memory_space<semaphore_mem>>) src(%dma_wait3A_20 : memref<64xi32, #tpu.memory_space<hbm>>) dst(%arg7 : memref<64xi32, #tpu.memory_space<vmem>>)
      tpu.yield
    }) : () -> ()
    %dma_start3A_9 = arith.constant 0 : i32
    %dma_start3A_10 = arith.constant 0 : i32
    %dma_start3A_11 = arith.constant 0 : i32
    %dma_start3A_12 = tpu.memref_slice %arg2[%dma_start3A_9, %dma_start3A_10, %dma_start3A_11] : memref<4096x4x128xi32, #tpu.memory_space<hbm>> -> memref<4096x4x128xi32, #tpu.memory_space<hbm>>
    tpu.enqueue_indirect_dma source(%dma_start3A_12 : memref<4096x4x128xi32, #tpu.memory_space<hbm>>) target(%arg8 : memref<64x4x128xi32, #tpu.memory_space<vmem>>) offsets(%arg7 : memref<64xi32, #tpu.memory_space<vmem>>) semaphore(%arg9 : memref<!tpu.dma_semaphore, #tpu.memory_space<semaphore_mem>>)
    %dma_wait3A_13 = arith.constant 0 : i32
    %dma_wait3A_14 = arith.constant 0 : i32
    %dma_wait3A_15 = arith.constant 0 : i32
    %dma_wait3A_16 = tpu.memref_slice %arg2[%dma_wait3A_13, %dma_wait3A_14, %dma_wait3A_15] : memref<4096x4x128xi32, #tpu.memory_space<hbm>> -> memref<4096x4x128xi32, #tpu.memory_space<hbm>>
    tpu.wait_indirect_dma semaphore(%arg9 : memref<!tpu.dma_semaphore, #tpu.memory_space<semaphore_mem>>) src(%dma_wait3A_16 : memref<4096x4x128xi32, #tpu.memory_space<hbm>>) dst(%arg8 : memref<64x4x128xi32, #tpu.memory_space<vmem>>)
    "tpu.region"() ({
      %run_scoped3A = tpu.sem_alloc : memref<!tpu.dma_semaphore, #tpu.memory_space<semaphore_mem>>
      %dma_start3A_17 = arith.constant 0 : i32
      %dma_start3A_18 = arith.constant 0 : i32
      %dma_start3A_19 = tpu.memref_slice %arg6[%mul3A_2, %dma_start3A_17, %dma_start3A_18] : memref<2048x4x128xi32, #tpu.memory_space<hbm>> -> memref<64x4x128xi32, #tpu.memory_space<hbm>>
      %dma_start3A_20 = arith.constant 0 : i32
      %dma_start3A_21 = arith.constant 0 : i32
      %dma_start3A_22 = tpu.memref_slice %arg6[%mul3A_2, %dma_start3A_20, %dma_start3A_21] : memref<2048x4x128xi32, #tpu.memory_space<hbm>> -> memref<64x4x128xi32, #tpu.memory_space<hbm>>
      tpu.enqueue_dma source(%arg8 : memref<64x4x128xi32, #tpu.memory_space<vmem>>) target(%dma_start3A_22 : memref<64x4x128xi32, #tpu.memory_space<hbm>>) target_semaphore(%run_scoped3A : memref<!tpu.dma_semaphore, #tpu.memory_space<semaphore_mem>>)
      %dma_wait3A_23 = arith.constant 0 : i32
      %dma_wait3A_24 = arith.constant 0 : i32
      %dma_wait3A_25 = tpu.memref_slice %arg6[%mul3A_2, %dma_wait3A_23, %dma_wait3A_24] : memref<2048x4x128xi32, #tpu.memory_space<hbm>> -> memref<64x4x128xi32, #tpu.memory_space<hbm>>
      %dma_wait3A_26 = arith.constant 0 : i32
      %dma_wait3A_27 = arith.constant 0 : i32
      %dma_wait3A_28 = tpu.memref_slice %arg6[%mul3A_2, %dma_wait3A_26, %dma_wait3A_27] : memref<2048x4x128xi32, #tpu.memory_space<hbm>> -> memref<64x4x128xi32, #tpu.memory_space<hbm>>
      tpu.wait_dma2 semaphore(%run_scoped3A : memref<!tpu.dma_semaphore, #tpu.memory_space<semaphore_mem>>) src(%arg8 : memref<64x4x128xi32, #tpu.memory_space<vmem>>) dst(%dma_wait3A_28 : memref<64x4x128xi32, #tpu.memory_space<hbm>>)
      tpu.yield
    }) : () -> ()
    return
  }
}

#map = affine_map<(d0, d1) -> (0, 0, 0)>
#map1 = affine_map<(d0, d1) -> (0)>
module attributes {stable_mosaic.version = 14 : i64} {
  func.func @body(%arg0: i32, %arg1: i32, %arg2: memref<2048x4x128xi32, #tpu.memory_space<hbm>>, %arg3: memref<2048xi32, #tpu.memory_space<hbm>>, %arg4: memref<2048xi32, #tpu.memory_space<hbm>>, %arg5: memref<4096x4x128xi32, #tpu.memory_space<hbm>>, %arg6: memref<64xi32, #tpu.memory_space<vmem>>, %arg7: memref<64x4x128xi32, #tpu.memory_space<vmem>>, %arg8: memref<!tpu.dma_semaphore, #tpu.memory_space<semaphore_mem>>) attributes {dimension_semantics = [#tpu.dimension_semantics<core_parallel>, #tpu.dimension_semantics<subcore_parallel>], iteration_bounds = array<i64: 2, 16>, scalar_prefetch = 0 : i64, scratch_operands = 3 : i64, tpu.core_type = #tpu.core_type<sc_vector_subcore>, window_params = [{transform_indices = #map}, {transform_indices = #map1}, {transform_indices = #map1}, {transform_indices = #map}]} {
    %mul3A = arith.constant 2 : i32
    %mul3A_0 = arith.muli %arg1, %mul3A : i32
    %add3A = arith.addi %mul3A_0, %arg0 : i32
    %mul3A_1 = arith.constant 64 : i32
    %mul3A_2 = arith.muli %add3A, %mul3A_1 : i32
    "tpu.region"() ({
      %run_scoped3A = tpu.sem_alloc : memref<!tpu.dma_semaphore, #tpu.memory_space<semaphore_mem>>
      %dma_start3A_17 = arith.constant 0 : i32
      %dma_start3A_18 = arith.constant 0 : i32
      %dma_start3A_19 = tpu.memref_slice %arg2[%mul3A_2, %dma_start3A_17, %dma_start3A_18] : memref<2048x4x128xi32, #tpu.memory_space<hbm>> -> memref<64x4x128xi32, #tpu.memory_space<hbm>>
      %dma_start3A_20 = arith.constant 0 : i32
      %dma_start3A_21 = arith.constant 0 : i32
      %dma_start3A_22 = tpu.memref_slice %arg2[%mul3A_2, %dma_start3A_20, %dma_start3A_21] : memref<2048x4x128xi32, #tpu.memory_space<hbm>> -> memref<64x4x128xi32, #tpu.memory_space<hbm>>
      tpu.enqueue_dma source(%dma_start3A_22 : memref<64x4x128xi32, #tpu.memory_space<hbm>>) target(%arg7 : memref<64x4x128xi32, #tpu.memory_space<vmem>>) target_semaphore(%run_scoped3A : memref<!tpu.dma_semaphore, #tpu.memory_space<semaphore_mem>>)
      %dma_wait3A_23 = arith.constant 0 : i32
      %dma_wait3A_24 = arith.constant 0 : i32
      %dma_wait3A_25 = tpu.memref_slice %arg2[%mul3A_2, %dma_wait3A_23, %dma_wait3A_24] : memref<2048x4x128xi32, #tpu.memory_space<hbm>> -> memref<64x4x128xi32, #tpu.memory_space<hbm>>
      %dma_wait3A_26 = arith.constant 0 : i32
      %dma_wait3A_27 = arith.constant 0 : i32
      %dma_wait3A_28 = tpu.memref_slice %arg2[%mul3A_2, %dma_wait3A_26, %dma_wait3A_27] : memref<2048x4x128xi32, #tpu.memory_space<hbm>> -> memref<64x4x128xi32, #tpu.memory_space<hbm>>
      tpu.wait_dma2 semaphore(%run_scoped3A : memref<!tpu.dma_semaphore, #tpu.memory_space<semaphore_mem>>) src(%dma_wait3A_28 : memref<64x4x128xi32, #tpu.memory_space<hbm>>) dst(%arg7 : memref<64x4x128xi32, #tpu.memory_space<vmem>>)
      tpu.yield
    }) : () -> ()
    "tpu.region"() ({
      %run_scoped3A = tpu.sem_alloc : memref<!tpu.dma_semaphore, #tpu.memory_space<semaphore_mem>>
      %dma_start3A_17 = tpu.memref_slice %arg3[%mul3A_2] : memref<2048xi32, #tpu.memory_space<hbm>> -> memref<64xi32, #tpu.memory_space<hbm>>
      %dma_start3A_18 = tpu.memref_slice %arg3[%mul3A_2] : memref<2048xi32, #tpu.memory_space<hbm>> -> memref<64xi32, #tpu.memory_space<hbm>>
      tpu.enqueue_dma source(%dma_start3A_18 : memref<64xi32, #tpu.memory_space<hbm>>) target(%arg6 : memref<64xi32, #tpu.memory_space<vmem>>) target_semaphore(%run_scoped3A : memref<!tpu.dma_semaphore, #tpu.memory_space<semaphore_mem>>)
      %dma_wait3A_19 = tpu.memref_slice %arg3[%mul3A_2] : memref<2048xi32, #tpu.memory_space<hbm>> -> memref<64xi32, #tpu.memory_space<hbm>>
      %dma_wait3A_20 = tpu.memref_slice %arg3[%mul3A_2] : memref<2048xi32, #tpu.memory_space<hbm>> -> memref<64xi32, #tpu.memory_space<hbm>>
      tpu.wait_dma2 semaphore(%run_scoped3A : memref<!tpu.dma_semaphore, #tpu.memory_space<semaphore_mem>>) src(%dma_wait3A_20 : memref<64xi32, #tpu.memory_space<hbm>>) dst(%arg6 : memref<64xi32, #tpu.memory_space<vmem>>)
      tpu.yield
    }) : () -> ()
    %dma_start3A = arith.constant 0 : i32
    %dma_start3A_3 = arith.constant 0 : i32
    %dma_start3A_4 = arith.constant 0 : i32
    %dma_start3A_5 = tpu.memref_slice %arg5[%dma_start3A, %dma_start3A_3, %dma_start3A_4] : memref<4096x4x128xi32, #tpu.memory_space<hbm>> -> memref<4096x4x128xi32, #tpu.memory_space<hbm>>
    tpu.enqueue_indirect_dma source(%arg7 : memref<64x4x128xi32, #tpu.memory_space<vmem>>) target(%dma_start3A_5 : memref<4096x4x128xi32, #tpu.memory_space<hbm>>) offsets(%arg6 : memref<64xi32, #tpu.memory_space<vmem>>) semaphore(%arg8 : memref<!tpu.dma_semaphore, #tpu.memory_space<semaphore_mem>>)
    %dma_wait3A = arith.constant 0 : i32
    %dma_wait3A_6 = arith.constant 0 : i32
    %dma_wait3A_7 = arith.constant 0 : i32
    %dma_wait3A_8 = tpu.memref_slice %arg5[%dma_wait3A, %dma_wait3A_6, %dma_wait3A_7] : memref<4096x4x128xi32, #tpu.memory_space<hbm>> -> memref<4096x4x128xi32, #tpu.memory_space<hbm>>
    tpu.wait_indirect_dma semaphore(%arg8 : memref<!tpu.dma_semaphore, #tpu.memory_space<semaphore_mem>>) src(%arg7 : memref<64x4x128xi32, #tpu.memory_space<vmem>>) dst(%dma_wait3A_8 : memref<4096x4x128xi32, #tpu.memory_space<hbm>>)
    "tpu.region"() ({
      %run_scoped3A = tpu.sem_alloc : memref<!tpu.dma_semaphore, #tpu.memory_space<semaphore_mem>>
      %dma_start3A_17 = tpu.memref_slice %arg4[%mul3A_2] : memref<2048xi32, #tpu.memory_space<hbm>> -> memref<64xi32, #tpu.memory_space<hbm>>
      %dma_start3A_18 = tpu.memref_slice %arg4[%mul3A_2] : memref<2048xi32, #tpu.memory_space<hbm>> -> memref<64xi32, #tpu.memory_space<hbm>>
      tpu.enqueue_dma source(%dma_start3A_18 : memref<64xi32, #tpu.memory_space<hbm>>) target(%arg6 : memref<64xi32, #tpu.memory_space<vmem>>) target_semaphore(%run_scoped3A : memref<!tpu.dma_semaphore, #tpu.memory_space<semaphore_mem>>)
      %dma_wait3A_19 = tpu.memref_slice %arg4[%mul3A_2] : memref<2048xi32, #tpu.memory_space<hbm>> -> memref<64xi32, #tpu.memory_space<hbm>>
      %dma_wait3A_20 = tpu.memref_slice %arg4[%mul3A_2] : memref<2048xi32, #tpu.memory_space<hbm>> -> memref<64xi32, #tpu.memory_space<hbm>>
      tpu.wait_dma2 semaphore(%run_scoped3A : memref<!tpu.dma_semaphore, #tpu.memory_space<semaphore_mem>>) src(%dma_wait3A_20 : memref<64xi32, #tpu.memory_space<hbm>>) dst(%arg6 : memref<64xi32, #tpu.memory_space<vmem>>)
      tpu.yield
    }) : () -> ()
    %dma_start3A_9 = arith.constant 0 : i32
    %dma_start3A_10 = arith.constant 0 : i32
    %dma_start3A_11 = arith.constant 0 : i32
    %dma_start3A_12 = tpu.memref_slice %arg5[%dma_start3A_9, %dma_start3A_10, %dma_start3A_11] : memref<4096x4x128xi32, #tpu.memory_space<hbm>> -> memref<4096x4x128xi32, #tpu.memory_space<hbm>>
    tpu.enqueue_indirect_dma source(%arg7 : memref<64x4x128xi32, #tpu.memory_space<vmem>>) target(%dma_start3A_12 : memref<4096x4x128xi32, #tpu.memory_space<hbm>>) offsets(%arg6 : memref<64xi32, #tpu.memory_space<vmem>>) semaphore(%arg8 : memref<!tpu.dma_semaphore, #tpu.memory_space<semaphore_mem>>)
    %dma_wait3A_13 = arith.constant 0 : i32
    %dma_wait3A_14 = arith.constant 0 : i32
    %dma_wait3A_15 = arith.constant 0 : i32
    %dma_wait3A_16 = tpu.memref_slice %arg5[%dma_wait3A_13, %dma_wait3A_14, %dma_wait3A_15] : memref<4096x4x128xi32, #tpu.memory_space<hbm>> -> memref<4096x4x128xi32, #tpu.memory_space<hbm>>
    tpu.wait_indirect_dma semaphore(%arg8 : memref<!tpu.dma_semaphore, #tpu.memory_space<semaphore_mem>>) src(%arg7 : memref<64x4x128xi32, #tpu.memory_space<vmem>>) dst(%dma_wait3A_16 : memref<4096x4x128xi32, #tpu.memory_space<hbm>>)
    return
  }
}

module attributes {stable_mosaic.version = 14 : i64} {
  func.func @_k1(%arg0: i32, %arg1: memref<256x1024xf32, #tpu.memory_space<vmem>>, %arg2: memref<1024x6400xbf16, #tpu.memory_space<vmem>>, %arg3: memref<1x1024xf32, #tpu.memory_space<vmem>>, %arg4: memref<1x1024xf32, #tpu.memory_space<vmem>>, %arg5: memref<256x6400xbf16, #tpu.memory_space<vmem>>) attributes {dimension_semantics = [#tpu.dimension_semantics<arbitrary>], iteration_bounds = array<i64: 8>, scalar_prefetch = 0 : i64, scratch_operands = 0 : i64, tpu.core_type = #tpu.core_type<tc>, window_params = [{transform_indices = @transform_0, window_bounds = array<i64: 256, 1024>}, {pipeline_mode = #tpu.pipeline_mode<synchronous>, transform_indices = @transform_1, window_bounds = array<i64: 1024, 6400>}, {pipeline_mode = #tpu.pipeline_mode<synchronous>, transform_indices = @transform_2, window_bounds = array<i64: 1, 1024>}, {pipeline_mode = #tpu.pipeline_mode<synchronous>, transform_indices = @transform_3, window_bounds = array<i64: 1, 1024>}, {transform_indices = @transform_4, window_bounds = array<i64: 256, 6400>}]} {
    %get3A = arith.constant 0 : index
    %get3A_0 = arith.constant 0 : index
    %get3A_1 = vector.load %arg1[%get3A, %get3A_0] : memref<256x1024xf32, #tpu.memory_space<vmem>>, vector<256x1024xf32>
    %get3A_2 = arith.constant 0 : index
    %get3A_3 = arith.constant 0 : index
    %get3A_4 = vector.load %arg3[%get3A_2, %get3A_3] : memref<1x1024xf32, #tpu.memory_space<vmem>>, vector<1x1024xf32>
    %get3A_5 = arith.constant 0 : index
    %get3A_6 = arith.constant 0 : index
    %get3A_7 = vector.load %arg4[%get3A_5, %get3A_6] : memref<1x1024xf32, #tpu.memory_space<vmem>>, vector<1x1024xf32>
    %reduce_sum3A = arith.constant dense<0.000000e+00> : vector<256xf32>
    %reduce_sum3A_8 = vector.multi_reduction <add>, %get3A_1, %reduce_sum3A [1] : vector<256x1024xf32> to vector<256xf32>
    %broadcast_in_dim3A = vector.shape_cast %reduce_sum3A_8 : vector<256xf32> to vector<256x1xf32>
    %div3A = arith.constant 1.024000e+03 : f32
    %div3A_9 = vector.broadcast %div3A : f32 to vector<256x1xf32>
    %div3A_10 = arith.divf %broadcast_in_dim3A, %div3A_9 : vector<256x1xf32>
    %sub3A = vector.broadcast %div3A_10 : vector<256x1xf32> to vector<256x1024xf32>
    %sub3A_11 = arith.subf %get3A_1, %sub3A : vector<256x1024xf32>
    %integer_pow3A = arith.mulf %sub3A_11, %sub3A_11 : vector<256x1024xf32>
    %reduce_sum3A_12 = arith.constant dense<0.000000e+00> : vector<256xf32>
    %reduce_sum3A_13 = vector.multi_reduction <add>, %integer_pow3A, %reduce_sum3A_12 [1] : vector<256x1024xf32> to vector<256xf32>
    %broadcast_in_dim3A_14 = vector.shape_cast %reduce_sum3A_13 : vector<256xf32> to vector<256x1xf32>
    %div3A_15 = arith.constant 1.024000e+03 : f32
    %div3A_16 = vector.broadcast %div3A_15 : f32 to vector<256x1xf32>
    %div3A_17 = arith.divf %broadcast_in_dim3A_14, %div3A_16 : vector<256x1xf32>
    %sub3A_18 = vector.broadcast %div3A_10 : vector<256x1xf32> to vector<256x1024xf32>
    %sub3A_19 = arith.subf %get3A_1, %sub3A_18 : vector<256x1024xf32>
    %add3A = arith.constant 9.99999974E-6 : f32
    %add3A_20 = vector.broadcast %add3A : f32 to vector<256x1xf32>
    %add3A_21 = arith.addf %div3A_17, %add3A_20 : vector<256x1xf32>
    %sqrt3A = math.sqrt %add3A_21 : vector<256x1xf32>
    %div3A_22 = vector.broadcast %sqrt3A : vector<256x1xf32> to vector<256x1024xf32>
    %div3A_23 = arith.divf %sub3A_19, %div3A_22 : vector<256x1024xf32>
    %mul3A = vector.broadcast %get3A_4 : vector<1x1024xf32> to vector<256x1024xf32>
    %mul3A_24 = arith.mulf %div3A_23, %mul3A : vector<256x1024xf32>
    %add3A_25 = vector.broadcast %get3A_7 : vector<1x1024xf32> to vector<256x1024xf32>
    %add3A_26 = arith.addf %mul3A_24, %add3A_25 : vector<256x1024xf32>
    %convert_element_type3A = arith.truncf %add3A_26 : vector<256x1024xf32> to vector<256x1024xbf16>
    %get3A_27 = arith.constant 0 : index
    %get3A_28 = arith.constant 0 : index
    %get3A_29 = vector.load %arg2[%get3A_27, %get3A_28] : memref<1024x6400xbf16, #tpu.memory_space<vmem>>, vector<1024x6400xbf16>
    %dot_general3A = arith.constant dense<0.000000e+00> : vector<256x6400xf32>
    %dot_general3A_30 = tpu.matmul %convert_element_type3A, %get3A_29, %dot_general3A {dimension_numbers = #tpu.dot_dimension_numbers<[1], [0], [0], [1], [0, 0, 1, 1], [], []>, transpose_lhs_hint = false} : vector<256x1024xbf16>, vector<1024x6400xbf16>, vector<256x6400xf32> -> vector<256x6400xf32>
    %convert_element_type3A_31 = arith.truncf %dot_general3A_30 : vector<256x6400xf32> to vector<256x6400xbf16>
    %swap3A = arith.constant 0 : index
    %swap3A_32 = arith.constant 0 : index
    %swap3A_33 = vector.load %arg5[%swap3A, %swap3A_32] : memref<256x6400xbf16, #tpu.memory_space<vmem>>, vector<256x6400xbf16>
    tpu.vector_store %arg5[%swap3A, %swap3A_32], %convert_element_type3A_31 {strides = array<i32>} : memref<256x6400xbf16, #tpu.memory_space<vmem>>, vector<256x6400xbf16>,
    return
  }
  func.func @transform_0(%arg0: i32) -> (i32, i32) {
    %c0_i32 = arith.constant 0 : i32
    %c0_i32_0 = arith.constant 0 : i32
    return %arg0, %c0_i32 : i32, i32
  }
  func.func @transform_1(%arg0: i32) -> (i32, i32) {
    %c0_i32 = arith.constant 0 : i32
    %c0_i32_0 = arith.constant 0 : i32
    %c0_i32_1 = arith.constant 0 : i32
    return %c0_i32, %c0_i32_0 : i32, i32
  }
  func.func @transform_2(%arg0: i32) -> (i32, i32) {
    %c0_i32 = arith.constant 0 : i32
    %c0_i32_0 = arith.constant 0 : i32
    %c0_i32_1 = arith.constant 0 : i32
    return %c0_i32, %c0_i32_0 : i32, i32
  }
  func.func @transform_3(%arg0: i32) -> (i32, i32) {
    %c0_i32 = arith.constant 0 : i32
    %c0_i32_0 = arith.constant 0 : i32
    %c0_i32_1 = arith.constant 0 : i32
    return %c0_i32, %c0_i32_0 : i32, i32
  }
  func.func @transform_4(%arg0: i32) -> (i32, i32) {
    %c0_i32 = arith.constant 0 : i32
    %c0_i32_0 = arith.constant 0 : i32
    return %arg0, %c0_i32 : i32, i32
  }
}

module attributes {stable_mosaic.version = 14 : i64} {
  func.func @_k2(%arg0: i32, %arg1: i32, %arg2: memref<1x256x64xbf16, #tpu.memory_space<vmem>>, %arg3: memref<1x2048x64xbf16, #tpu.memory_space<vmem>>, %arg4: memref<1x2048x64xbf16, #tpu.memory_space<vmem>>, %arg5: memref<1x256x64xbf16, #tpu.memory_space<vmem>>) attributes {dimension_semantics = [#tpu.dimension_semantics<arbitrary>, #tpu.dimension_semantics<arbitrary>], iteration_bounds = array<i64: 16, 8>, scalar_prefetch = 0 : i64, scratch_operands = 0 : i64, tpu.core_type = #tpu.core_type<tc>, window_params = [{transform_indices = @transform_0, window_bounds = array<i64: 1, 256, 64>}, {transform_indices = @transform_1, window_bounds = array<i64: 1, 2048, 64>}, {transform_indices = @transform_2, window_bounds = array<i64: 1, 2048, 64>}, {transform_indices = @transform_3, window_bounds = array<i64: 1, 256, 64>}]} {
    %get3A = arith.constant 0 : index
    %get3A_0 = arith.constant 0 : index
    %get3A_1 = arith.constant 0 : index
    %get3A_2 = vector.load %arg2[%get3A, %get3A_0, %get3A_1] : memref<1x256x64xbf16, #tpu.memory_space<vmem>>, vector<1x256x64xbf16>
    %get3A_3 = vector.shape_cast %get3A_2 : vector<1x256x64xbf16> to vector<256x64xbf16>
    %get3A_4 = arith.constant 0 : index
    %get3A_5 = arith.constant 0 : index
    %get3A_6 = arith.constant 0 : index
    %get3A_7 = vector.load %arg3[%get3A_4, %get3A_5, %get3A_6] : memref<1x2048x64xbf16, #tpu.memory_space<vmem>>, vector<1x2048x64xbf16>
    %get3A_8 = vector.shape_cast %get3A_7 : vector<1x2048x64xbf16> to vector<2048x64xbf16>
    %dot_general3A = arith.constant dense<0.000000e+00> : vector<256x2048xf32>
    %dot_general3A_9 = tpu.matmul %get3A_3, %get3A_8, %dot_general3A {dimension_numbers = #tpu.dot_dimension_numbers<[1], [1], [0], [0], [0, 0, 1, 0], [], []>, transpose_lhs_hint = false} : vector<256x64xbf16>, vector<2048x64xbf16>, vector<256x2048xf32> -> vector<256x2048xf32>
    %mul3A = arith.constant 1.250000e-01 : f32
    %mul3A_10 = vector.broadcast %mul3A : f32 to vector<256x2048xf32>
    %mul3A_11 = arith.mulf %dot_general3A_9, %mul3A_10 : vector<256x2048xf32>
    %reduce_max3A = arith.constant dense<0xFF800000> : vector<256xf32>
    %reduce_max3A_12 = vector.multi_reduction <maximumf>, %mul3A_11, %reduce_max3A [1] : vector<256x2048xf32> to vector<256xf32>
    %broadcast_in_dim3A = vector.shape_cast %reduce_max3A_12 : vector<256xf32> to vector<256x1xf32>
    %sub3A = vector.broadcast %broadcast_in_dim3A : vector<256x1xf32> to vector<256x2048xf32>
    %sub3A_13 = arith.subf %mul3A_11, %sub3A : vector<256x2048xf32>
    %exp3A = math.exp %sub3A_13 : vector<256x2048xf32>
    %reduce_sum3A = arith.constant dense<0.000000e+00> : vector<256xf32>
    %reduce_sum3A_14 = vector.multi_reduction <add>, %exp3A, %reduce_sum3A [1] : vector<256x2048xf32> to vector<256xf32>
    %broadcast_in_dim3A_15 = vector.shape_cast %reduce_sum3A_14 : vector<256xf32> to vector<256x1xf32>
    %div3A = vector.broadcast %broadcast_in_dim3A_15 : vector<256x1xf32> to vector<256x2048xf32>
    %div3A_16 = arith.divf %exp3A, %div3A : vector<256x2048xf32>
    %convert_element_type3A = arith.truncf %div3A_16 : vector<256x2048xf32> to vector<256x2048xbf16>
    %get3A_17 = arith.constant 0 : index
    %get3A_18 = arith.constant 0 : index
    %get3A_19 = arith.constant 0 : index
    %get3A_20 = vector.load %arg4[%get3A_17, %get3A_18, %get3A_19] : memref<1x2048x64xbf16, #tpu.memory_space<vmem>>, vector<1x2048x64xbf16>
    %get3A_21 = vector.shape_cast %get3A_20 : vector<1x2048x64xbf16> to vector<2048x64xbf16>
    %dot_general3A_22 = arith.constant dense<0.000000e+00> : vector<256x64xf32>
    %dot_general3A_23 = tpu.matmul %convert_element_type3A, %get3A_21, %dot_general3A_22 {dimension_numbers = #tpu.dot_dimension_numbers<[1], [0], [0], [1], [0, 0, 1, 1], [], []>, transpose_lhs_hint = false} : vector<256x2048xbf16>, vector<2048x64xbf16>, vector<256x64xf32> -> vector<256x64xf32>
    %convert_element_type3A_24 = arith.truncf %dot_general3A_23 : vector<256x64xf32> to vector<256x64xbf16>
    %swap3A = arith.constant 0 : index
    %swap3A_25 = arith.constant 0 : index
    %swap3A_26 = arith.constant 0 : index
    %swap3A_27 = vector.load %arg5[%swap3A, %swap3A_25, %swap3A_26] : memref<1x256x64xbf16, #tpu.memory_space<vmem>>, vector<1x256x64xbf16>
    %swap3A_28 = vector.shape_cast %swap3A_27 : vector<1x256x64xbf16> to vector<256x64xbf16>
    %swap3A_29 = vector.shape_cast %convert_element_type3A_24 : vector<256x64xbf16> to vector<1x256x64xbf16>
    tpu.vector_store %arg5[%swap3A, %swap3A_25, %swap3A_26], %swap3A_29 {strides = array<i32>} : memref<1x256x64xbf16, #tpu.memory_space<vmem>>, vector<1x256x64xbf16>,
    return
  }
  func.func @transform_0(%arg0: i32, %arg1: i32) -> (i32, i32, i32) {
    %c0_i32 = arith.constant 0 : i32
    %c0_i32_0 = arith.constant 0 : i32
    return %arg0, %arg1, %c0_i32 : i32, i32, i32
  }
  func.func @transform_1(%arg0: i32, %arg1: i32) -> (i32, i32, i32) {
    %c0_i32 = arith.constant 0 : i32
    %c0_i32_0 = arith.constant 0 : i32
    %c0_i32_1 = arith.constant 0 : i32
    return %arg0, %c0_i32, %c0_i32_0 : i32, i32, i32
  }
  func.func @transform_2(%arg0: i32, %arg1: i32) -> (i32, i32, i32) {
    %c0_i32 = arith.constant 0 : i32
    %c0_i32_0 = arith.constant 0 : i32
    %c0_i32_1 = arith.constant 0 : i32
    return %arg0, %c0_i32, %c0_i32_0 : i32, i32, i32
  }
  func.func @transform_3(%arg0: i32, %arg1: i32) -> (i32, i32, i32) {
    %c0_i32 = arith.constant 0 : i32
    %c0_i32_0 = arith.constant 0 : i32
    return %arg0, %arg1, %c0_i32 : i32, i32, i32
  }
}

module attributes {stable_mosaic.version = 14 : i64} {
  func.func @_k3(%arg0: i32, %arg1: memref<2048x256xbf16, #tpu.memory_space<vmem>>, %arg2: memref<2048x256xbf16, #tpu.memory_space<vmem>>, %arg3: memref<8x256xf32, #tpu.memory_space<vmem>>, %arg4: memref<1x256xf32, #tpu.memory_space<vmem>>, %arg5: memref<2048x256xbf16, #tpu.memory_space<vmem>>) attributes {dimension_semantics = [#tpu.dimension_semantics<arbitrary>], iteration_bounds = array<i64: 4>, scalar_prefetch = 0 : i64, scratch_operands = 0 : i64, tpu.core_type = #tpu.core_type<tc>, window_params = [{transform_indices = @transform_0, window_bounds = array<i64: 2048, 256>}, {transform_indices = @transform_1, window_bounds = array<i64: 2048, 256>}, {transform_indices = @transform_2, window_bounds = array<i64: 8, 256>}, {transform_indices = @transform_3, window_bounds = array<i64: 1, 256>}, {transform_indices = @transform_4, window_bounds = array<i64: 2048, 256>}]} {
    %get3A = arith.constant 0 : index
    %get3A_0 = arith.constant 0 : index
    %get3A_1 = vector.load %arg1[%get3A, %get3A_0] : memref<2048x256xbf16, #tpu.memory_space<vmem>>, vector<2048x256xbf16>
    %convert_element_type3A = arith.extf %get3A_1 : vector<2048x256xbf16> to vector<2048x256xf32>
    %get3A_2 = arith.constant 0 : index
    %get3A_3 = arith.constant 0 : index
    %get3A_4 = vector.load %arg3[%get3A_2, %get3A_3] : memref<8x256xf32, #tpu.memory_space<vmem>>, vector<8x256xf32>
    %slice3A = vector.extract_strided_slice %get3A_4 {offsets = [3, 0], sizes = [1, 256], strides = [1, 1]} : vector<8x256xf32> to vector<1x256xf32>
    %mul3A = vector.broadcast %slice3A : vector<1x256xf32> to vector<2048x256xf32>
    %mul3A_5 = arith.mulf %convert_element_type3A, %mul3A : vector<2048x256xf32>
    %broadcast_in_dim3A = arith.constant 0.000000e+00 : f32
    %broadcast_in_dim3A_6 = vector.broadcast %broadcast_in_dim3A : f32 to vector<1x256xf32>
    %slice3A_7 = vector.extract_strided_slice %convert_element_type3A {offsets = [0, 0], sizes = [2047, 256], strides = [1, 1]} : vector<2048x256xf32> to vector<2047x256xf32>
    %concatenate3A = tpu.concatenate %broadcast_in_dim3A_6, %slice3A_7 in 0 : vector<1x256xf32>, vector<2047x256xf32> -> vector<2048x256xf32>
    %slice3A_8 = vector.extract_strided_slice %get3A_4 {offsets = [2, 0], sizes = [1, 256], strides = [1, 1]} : vector<8x256xf32> to vector<1x256xf32>
    %mul3A_9 = vector.broadcast %slice3A_8 : vector<1x256xf32> to vector<2048x256xf32>
    %mul3A_10 = arith.mulf %concatenate3A, %mul3A_9 : vector<2048x256xf32>
    %add3A = arith.addf %mul3A_5, %mul3A_10 : vector<2048x256xf32>
    %broadcast_in_dim3A_11 = arith.constant 0.000000e+00 : f32
    %broadcast_in_dim3A_12 = vector.broadcast %broadcast_in_dim3A_11 : f32 to vector<2x256xf32>
    %slice3A_13 = vector.extract_strided_slice %convert_element_type3A {offsets = [0, 0], sizes = [2046, 256], strides = [1, 1]} : vector<2048x256xf32> to vector<2046x256xf32>
    %concatenate3A_14 = tpu.concatenate %broadcast_in_dim3A_12, %slice3A_13 in 0 : vector<2x256xf32>, vector<2046x256xf32> -> vector<2048x256xf32>
    %slice3A_15 = vector.extract_strided_slice %get3A_4 {offsets = [1, 0], sizes = [1, 256], strides = [1, 1]} : vector<8x256xf32> to vector<1x256xf32>
    %mul3A_16 = vector.broadcast %slice3A_15 : vector<1x256xf32> to vector<2048x256xf32>
    %mul3A_17 = arith.mulf %concatenate3A_14, %mul3A_16 : vector<2048x256xf32>
    %add3A_18 = arith.addf %add3A, %mul3A_17 : vector<2048x256xf32>
    %broadcast_in_dim3A_19 = arith.constant 0.000000e+00 : f32
    %broadcast_in_dim3A_20 = vector.broadcast %broadcast_in_dim3A_19 : f32 to vector<3x256xf32>
    %slice3A_21 = vector.extract_strided_slice %convert_element_type3A {offsets = [0, 0], sizes = [2045, 256], strides = [1, 1]} : vector<2048x256xf32> to vector<2045x256xf32>
    %concatenate3A_22 = tpu.concatenate %broadcast_in_dim3A_20, %slice3A_21 in 0 : vector<3x256xf32>, vector<2045x256xf32> -> vector<2048x256xf32>
    %slice3A_23 = vector.extract_strided_slice %get3A_4 {offsets = [0, 0], sizes = [1, 256], strides = [1, 1]} : vector<8x256xf32> to vector<1x256xf32>
    %mul3A_24 = vector.broadcast %slice3A_23 : vector<1x256xf32> to vector<2048x256xf32>
    %mul3A_25 = arith.mulf %concatenate3A_22, %mul3A_24 : vector<2048x256xf32>
    %add3A_26 = arith.addf %add3A_18, %mul3A_25 : vector<2048x256xf32>
    %get3A_27 = arith.constant 0 : index
    %get3A_28 = arith.constant 0 : index
    %get3A_29 = vector.load %arg4[%get3A_27, %get3A_28] : memref<1x256xf32, #tpu.memory_space<vmem>>, vector<1x256xf32>
    %add3A_30 = vector.broadcast %get3A_29 : vector<1x256xf32> to vector<2048x256xf32>
    %add3A_31 = arith.addf %add3A_26, %add3A_30 : vector<2048x256xf32>
    %get3A_32 = arith.constant 0 : index
    %get3A_33 = arith.constant 0 : index
    %get3A_34 = vector.load %arg2[%get3A_32, %get3A_33] : memref<2048x256xbf16, #tpu.memory_space<vmem>>, vector<2048x256xbf16>
    %convert_element_type3A_35 = arith.extf %get3A_34 : vector<2048x256xbf16> to vector<2048x256xf32>
    %logistic3A = arith.negf %add3A_31 : vector<2048x256xf32>
    %logistic3A_36 = math.exp %logistic3A : vector<2048x256xf32>
    %logistic3A_37 = arith.constant 1.000000e+00 : f32
    %logistic3A_38 = vector.broadcast %logistic3A_37 : f32 to vector<2048x256xf32>
    %logistic3A_39 = arith.addf %logistic3A_38, %logistic3A_36 : vector<2048x256xf32>
    %logistic3A_40 = arith.divf %logistic3A_38, %logistic3A_39 : vector<2048x256xf32>
    %mul3A_41 = arith.mulf %add3A_31, %logistic3A_40 : vector<2048x256xf32>
    %logistic3A_42 = arith.negf %convert_element_type3A_35 : vector<2048x256xf32>
    %logistic3A_43 = math.exp %logistic3A_42 : vector<2048x256xf32>
    %logistic3A_44 = arith.constant 1.000000e+00 : f32
    %logistic3A_45 = vector.broadcast %logistic3A_44 : f32 to vector<2048x256xf32>
    %logistic3A_46 = arith.addf %logistic3A_45, %logistic3A_43 : vector<2048x256xf32>
    %logistic3A_47 = arith.divf %logistic3A_45, %logistic3A_46 : vector<2048x256xf32>
    %mul3A_48 = arith.mulf %mul3A_41, %logistic3A_47 : vector<2048x256xf32>
    %convert_element_type3A_49 = arith.truncf %mul3A_48 : vector<2048x256xf32> to vector<2048x256xbf16>
    %swap3A = arith.constant 0 : index
    %swap3A_50 = arith.constant 0 : index
    %swap3A_51 = vector.load %arg5[%swap3A, %swap3A_50] : memref<2048x256xbf16, #tpu.memory_space<vmem>>, vector<2048x256xbf16>
    tpu.vector_store %arg5[%swap3A, %swap3A_50], %convert_element_type3A_49 {strides = array<i32>} : memref<2048x256xbf16, #tpu.memory_space<vmem>>, vector<2048x256xbf16>,
    return
  }
  func.func @transform_0(%arg0: i32) -> (i32, i32) {
    %c0_i32 = arith.constant 0 : i32
    %c0_i32_0 = arith.constant 0 : i32
    return %c0_i32, %arg0 : i32, i32
  }
  func.func @transform_1(%arg0: i32) -> (i32, i32) {
    %c0_i32 = arith.constant 0 : i32
    %c0_i32_0 = arith.constant 0 : i32
    return %c0_i32, %arg0 : i32, i32
  }
  func.func @transform_2(%arg0: i32) -> (i32, i32) {
    %c0_i32 = arith.constant 0 : i32
    %c0_i32_0 = arith.constant 0 : i32
    return %c0_i32, %arg0 : i32, i32
  }
  func.func @transform_3(%arg0: i32) -> (i32, i32) {
    %c0_i32 = arith.constant 0 : i32
    %c0_i32_0 = arith.constant 0 : i32
    return %c0_i32, %arg0 : i32, i32
  }
  func.func @transform_4(%arg0: i32) -> (i32, i32) {
    %c0_i32 = arith.constant 0 : i32
    %c0_i32_0 = arith.constant 0 : i32
    return %c0_i32, %arg0 : i32, i32
  }
}

module attributes {stable_mosaic.version = 14 : i64} {
  func.func @_k4(%arg0: i32, %arg1: memref<256x1024xf32, #tpu.memory_space<vmem>>, %arg2: memref<256x1024xbf16, #tpu.memory_space<vmem>>, %arg3: memref<256x1024xbf16, #tpu.memory_space<vmem>>, %arg4: memref<256x1024xbf16, #tpu.memory_space<vmem>>, %arg5: memref<256x128xbf16, #tpu.memory_space<vmem>>, %arg6: memref<1024x1024xbf16, #tpu.memory_space<vmem>>, %arg7: memref<1024x1024xbf16, #tpu.memory_space<vmem>>, %arg8: memref<1024x128xbf16, #tpu.memory_space<vmem>>, %arg9: memref<1x1024xf32, #tpu.memory_space<vmem>>, %arg10: memref<1x1024xf32, #tpu.memory_space<vmem>>, %arg11: memref<1x1024xf32, #tpu.memory_space<vmem>>, %arg12: memref<256x1024xf32, #tpu.memory_space<vmem>>, %arg13: memref<256x1024xbf16, #tpu.memory_space<vmem>>, %arg14: memref<256x128xf32, #tpu.memory_space<vmem>>) attributes {dimension_semantics = [#tpu.dimension_semantics<arbitrary>], iteration_bounds = array<i64: 8>, scalar_prefetch = 0 : i64, scratch_operands = 0 : i64, tpu.core_type = #tpu.core_type<tc>, window_params = [{transform_indices = @transform_0, window_bounds = array<i64: 256, 1024>}, {transform_indices = @transform_1, window_bounds = array<i64: 256, 1024>}, {transform_indices = @transform_2, window_bounds = array<i64: 256, 1024>}, {transform_indices = @transform_3, window_bounds = array<i64: 256, 1024>}, {transform_indices = @transform_4, window_bounds = array<i64: 256, 128>}, {pipeline_mode = #tpu.pipeline_mode<synchronous>, transform_indices = @transform_5, window_bounds = array<i64: 1024, 1024>}, {pipeline_mode = #tpu.pipeline_mode<synchronous>, transform_indices = @transform_6, window_bounds = array<i64: 1024, 1024>}, {pipeline_mode = #tpu.pipeline_mode<synchronous>, transform_indices = @transform_7, window_bounds = array<i64: 1024, 128>}, {pipeline_mode = #tpu.pipeline_mode<synchronous>, transform_indices = @transform_8, window_bounds = array<i64: 1, 1024>}, {pipeline_mode = #tpu.pipeline_mode<synchronous>, transform_indices = @transform_9, window_bounds = array<i64: 1, 1024>}, {pipeline_mode = #tpu.pipeline_mode<synchronous>, transform_indices = @transform_10, window_bounds = array<i64: 1, 1024>}, {transform_indices = @transform_11, window_bounds = array<i64: 256, 1024>}, {transform_indices = @transform_12, window_bounds = array<i64: 256, 1024>}, {transform_indices = @transform_13, window_bounds = array<i64: 256, 128>}]} {
    %get3A = arith.constant 0 : index
    %get3A_0 = arith.constant 0 : index
    %get3A_1 = vector.load %arg2[%get3A, %get3A_0] : memref<256x1024xbf16, #tpu.memory_space<vmem>>, vector<256x1024xbf16>
    %get3A_2 = arith.constant 0 : index
    %get3A_3 = arith.constant 0 : index
    %get3A_4 = vector.load %arg6[%get3A_2, %get3A_3] : memref<1024x1024xbf16, #tpu.memory_space<vmem>>, vector<1024x1024xbf16>
    %dot_general3A = arith.constant dense<0.000000e+00> : vector<256x1024xf32>
    %dot_general3A_5 = tpu.matmul %get3A_1, %get3A_4, %dot_general3A {dimension_numbers = #tpu.dot_dimension_numbers<[1], [0], [0], [1], [0, 0, 1, 1], [], []>, transpose_lhs_hint = false} : vector<256x1024xbf16>, vector<1024x1024xbf16>, vector<256x1024xf32> -> vector<256x1024xf32>
    %get3A_6 = arith.constant 0 : index
    %get3A_7 = arith.constant 0 : index
    %get3A_8 = vector.load %arg4[%get3A_6, %get3A_7] : memref<256x1024xbf16, #tpu.memory_space<vmem>>, vector<256x1024xbf16>
    %convert_element_type3A = arith.extf %get3A_8 : vector<256x1024xbf16> to vector<256x1024xf32>
    %logistic3A = arith.negf %convert_element_type3A : vector<256x1024xf32>
    %logistic3A_9 = math.exp %logistic3A : vector<256x1024xf32>
    %logistic3A_10 = arith.constant 1.000000e+00 : f32
    %logistic3A_11 = vector.broadcast %logistic3A_10 : f32 to vector<256x1024xf32>
    %logistic3A_12 = arith.addf %logistic3A_11, %logistic3A_9 : vector<256x1024xf32>
    %logistic3A_13 = arith.divf %logistic3A_11, %logistic3A_12 : vector<256x1024xf32>
    %mul3A = arith.mulf %dot_general3A_5, %logistic3A_13 : vector<256x1024xf32>
    %get3A_14 = arith.constant 0 : index
    %get3A_15 = arith.constant 0 : index
    %get3A_16 = vector.load %arg3[%get3A_14, %get3A_15] : memref<256x1024xbf16, #tpu.memory_space<vmem>>, vector<256x1024xbf16>
    %get3A_17 = arith.constant 0 : index
    %get3A_18 = arith.constant 0 : index
    %get3A_19 = vector.load %arg7[%get3A_17, %get3A_18] : memref<1024x1024xbf16, #tpu.memory_space<vmem>>, vector<1024x1024xbf16>
    %dot_general3A_20 = arith.constant dense<0.000000e+00> : vector<256x1024xf32>
    %dot_general3A_21 = tpu.matmul %get3A_16, %get3A_19, %dot_general3A_20 {dimension_numbers = #tpu.dot_dimension_numbers<[1], [0], [0], [1], [0, 0, 1, 1], [], []>, transpose_lhs_hint = false} : vector<256x1024xbf16>, vector<1024x1024xbf16>, vector<256x1024xf32> -> vector<256x1024xf32>
    %get3A_22 = arith.constant 0 : index
    %get3A_23 = arith.constant 0 : index
    %get3A_24 = vector.load %arg5[%get3A_22, %get3A_23] : memref<256x128xbf16, #tpu.memory_space<vmem>>, vector<256x128xbf16>
    %slice3A = vector.extract_strided_slice %get3A_24 {offsets = [0, 0], sizes = [256, 1], strides = [1, 1]} : vector<256x128xbf16> to vector<256x1xbf16>
    %convert_element_type3A_25 = arith.extf %slice3A : vector<256x1xbf16> to vector<256x1xf32>
    %logistic3A_26 = arith.negf %convert_element_type3A_25 : vector<256x1xf32>
    %logistic3A_27 = math.exp %logistic3A_26 : vector<256x1xf32>
    %logistic3A_28 = arith.constant 1.000000e+00 : f32
    %logistic3A_29 = vector.broadcast %logistic3A_28 : f32 to vector<256x1xf32>
    %logistic3A_30 = arith.addf %logistic3A_29, %logistic3A_27 : vector<256x1xf32>
    %logistic3A_31 = arith.divf %logistic3A_29, %logistic3A_30 : vector<256x1xf32>
    %sub3A = arith.constant 1.000000e+00 : f32
    %sub3A_32 = vector.broadcast %sub3A : f32 to vector<256x1xf32>
    %sub3A_33 = arith.subf %sub3A_32, %logistic3A_31 : vector<256x1xf32>
    %mul3A_34 = vector.broadcast %sub3A_33 : vector<256x1xf32> to vector<256x1024xf32>
    %mul3A_35 = arith.mulf %mul3A_34, %dot_general3A_21 : vector<256x1024xf32>
    %mul3A_36 = vector.broadcast %logistic3A_31 : vector<256x1xf32> to vector<256x1024xf32>
    %mul3A_37 = arith.mulf %mul3A_36, %mul3A : vector<256x1024xf32>
    %add3A = arith.addf %mul3A_35, %mul3A_37 : vector<256x1024xf32>
    %get3A_38 = arith.constant 0 : index
    %get3A_39 = arith.constant 0 : index
    %get3A_40 = vector.load %arg11[%get3A_38, %get3A_39] : memref<1x1024xf32, #tpu.memory_space<vmem>>, vector<1x1024xf32>
    %mul3A_41 = vector.broadcast %get3A_40 : vector<1x1024xf32> to vector<256x1024xf32>
    %mul3A_42 = arith.mulf %add3A, %mul3A_41 : vector<256x1024xf32>
    %get3A_43 = arith.constant 0 : index
    %get3A_44 = arith.constant 0 : index
    %get3A_45 = vector.load %arg1[%get3A_43, %get3A_44] : memref<256x1024xf32, #tpu.memory_space<vmem>>, vector<256x1024xf32>
    %add3A_46 = arith.addf %get3A_45, %mul3A_42 : vector<256x1024xf32>
    %add3A_47 = arith.addf %get3A_45, %add3A_46 : vector<256x1024xf32>
    %swap3A = arith.constant 0 : index
    %swap3A_48 = arith.constant 0 : index
    %swap3A_49 = vector.load %arg12[%swap3A, %swap3A_48] : memref<256x1024xf32, #tpu.memory_space<vmem>>, vector<256x1024xf32>
    tpu.vector_store %arg12[%swap3A, %swap3A_48], %add3A_47 {strides = array<i32>} : memref<256x1024xf32, #tpu.memory_space<vmem>>, vector<256x1024xf32>,
    %get3A_50 = arith.constant 0 : index
    %get3A_51 = arith.constant 0 : index
    %get3A_52 = vector.load %arg9[%get3A_50, %get3A_51] : memref<1x1024xf32, #tpu.memory_space<vmem>>, vector<1x1024xf32>
    %get3A_53 = arith.constant 0 : index
    %get3A_54 = arith.constant 0 : index
    %get3A_55 = vector.load %arg10[%get3A_53, %get3A_54] : memref<1x1024xf32, #tpu.memory_space<vmem>>, vector<1x1024xf32>
    %reduce_sum3A = arith.constant dense<0.000000e+00> : vector<256xf32>
    %reduce_sum3A_56 = vector.multi_reduction <add>, %add3A_46, %reduce_sum3A [1] : vector<256x1024xf32> to vector<256xf32>
    %broadcast_in_dim3A = vector.shape_cast %reduce_sum3A_56 : vector<256xf32> to vector<256x1xf32>
    %div3A = arith.constant 1.024000e+03 : f32
    %div3A_57 = vector.broadcast %div3A : f32 to vector<256x1xf32>
    %div3A_58 = arith.divf %broadcast_in_dim3A, %div3A_57 : vector<256x1xf32>
    %sub3A_59 = vector.broadcast %div3A_58 : vector<256x1xf32> to vector<256x1024xf32>
    %sub3A_60 = arith.subf %add3A_46, %sub3A_59 : vector<256x1024xf32>
    %integer_pow3A = arith.mulf %sub3A_60, %sub3A_60 : vector<256x1024xf32>
    %reduce_sum3A_61 = arith.constant dense<0.000000e+00> : vector<256xf32>
    %reduce_sum3A_62 = vector.multi_reduction <add>, %integer_pow3A, %reduce_sum3A_61 [1] : vector<256x1024xf32> to vector<256xf32>
    %broadcast_in_dim3A_63 = vector.shape_cast %reduce_sum3A_62 : vector<256xf32> to vector<256x1xf32>
    %div3A_64 = arith.constant 1.024000e+03 : f32
    %div3A_65 = vector.broadcast %div3A_64 : f32 to vector<256x1xf32>
    %div3A_66 = arith.divf %broadcast_in_dim3A_63, %div3A_65 : vector<256x1xf32>
    %sub3A_67 = vector.broadcast %div3A_58 : vector<256x1xf32> to vector<256x1024xf32>
    %sub3A_68 = arith.subf %add3A_46, %sub3A_67 : vector<256x1024xf32>
    %add3A_69 = arith.constant 9.99999974E-6 : f32
    %add3A_70 = vector.broadcast %add3A_69 : f32 to vector<256x1xf32>
    %add3A_71 = arith.addf %div3A_66, %add3A_70 : vector<256x1xf32>
    %sqrt3A = math.sqrt %add3A_71 : vector<256x1xf32>
    %div3A_72 = vector.broadcast %sqrt3A : vector<256x1xf32> to vector<256x1024xf32>
    %div3A_73 = arith.divf %sub3A_68, %div3A_72 : vector<256x1024xf32>
    %mul3A_74 = vector.broadcast %get3A_52 : vector<1x1024xf32> to vector<256x1024xf32>
    %mul3A_75 = arith.mulf %div3A_73, %mul3A_74 : vector<256x1024xf32>
    %add3A_76 = vector.broadcast %get3A_55 : vector<1x1024xf32> to vector<256x1024xf32>
    %add3A_77 = arith.addf %mul3A_75, %add3A_76 : vector<256x1024xf32>
    %convert_element_type3A_78 = arith.truncf %add3A_77 : vector<256x1024xf32> to vector<256x1024xbf16>
    %swap3A_79 = arith.constant 0 : index
    %swap3A_80 = arith.constant 0 : index
    %swap3A_81 = vector.load %arg13[%swap3A_79, %swap3A_80] : memref<256x1024xbf16, #tpu.memory_space<vmem>>, vector<256x1024xbf16>
    tpu.vector_store %arg13[%swap3A_79, %swap3A_80], %convert_element_type3A_78 {strides = array<i32>} : memref<256x1024xbf16, #tpu.memory_space<vmem>>, vector<256x1024xbf16>,
    %get3A_82 = arith.constant 0 : index
    %get3A_83 = arith.constant 0 : index
    %get3A_84 = vector.load %arg8[%get3A_82, %get3A_83] : memref<1024x128xbf16, #tpu.memory_space<vmem>>, vector<1024x128xbf16>
    %dot_general3A_85 = arith.constant dense<0.000000e+00> : vector<256x128xf32>
    %dot_general3A_86 = tpu.matmul %convert_element_type3A_78, %get3A_84, %dot_general3A_85 {dimension_numbers = #tpu.dot_dimension_numbers<[1], [0], [0], [1], [0, 0, 1, 1], [], []>, transpose_lhs_hint = false} : vector<256x1024xbf16>, vector<1024x128xbf16>, vector<256x128xf32> -> vector<256x128xf32>
    %swap3A_87 = arith.constant 0 : index
    %swap3A_88 = arith.constant 0 : index
    %swap3A_89 = vector.load %arg14[%swap3A_87, %swap3A_88] : memref<256x128xf32, #tpu.memory_space<vmem>>, vector<256x128xf32>
    tpu.vector_store %arg14[%swap3A_87, %swap3A_88], %dot_general3A_86 {strides = array<i32>} : memref<256x128xf32, #tpu.memory_space<vmem>>, vector<256x128xf32>,
    return
  }
  func.func @transform_0(%arg0: i32) -> (i32, i32) {
    %c0_i32 = arith.constant 0 : i32
    %c0_i32_0 = arith.constant 0 : i32
    return %arg0, %c0_i32 : i32, i32
  }
  func.func @transform_1(%arg0: i32) -> (i32, i32) {
    %c0_i32 = arith.constant 0 : i32
    %c0_i32_0 = arith.constant 0 : i32
    return %arg0, %c0_i32 : i32, i32
  }
  func.func @transform_2(%arg0: i32) -> (i32, i32) {
    %c0_i32 = arith.constant 0 : i32
    %c0_i32_0 = arith.constant 0 : i32
    return %arg0, %c0_i32 : i32, i32
  }
  func.func @transform_3(%arg0: i32) -> (i32, i32) {
    %c0_i32 = arith.constant 0 : i32
    %c0_i32_0 = arith.constant 0 : i32
    return %arg0, %c0_i32 : i32, i32
  }
  func.func @transform_4(%arg0: i32) -> (i32, i32) {
    %c0_i32 = arith.constant 0 : i32
    %c0_i32_0 = arith.constant 0 : i32
    return %arg0, %c0_i32 : i32, i32
  }
  func.func @transform_5(%arg0: i32) -> (i32, i32) {
    %c0_i32 = arith.constant 0 : i32
    %c0_i32_0 = arith.constant 0 : i32
    %c0_i32_1 = arith.constant 0 : i32
    return %c0_i32, %c0_i32_0 : i32, i32
  }
  func.func @transform_6(%arg0: i32) -> (i32, i32) {
    %c0_i32 = arith.constant 0 : i32
    %c0_i32_0 = arith.constant 0 : i32
    %c0_i32_1 = arith.constant 0 : i32
    return %c0_i32, %c0_i32_0 : i32, i32
  }
  func.func @transform_7(%arg0: i32) -> (i32, i32) {
    %c0_i32 = arith.constant 0 : i32
    %c0_i32_0 = arith.constant 0 : i32
    %c0_i32_1 = arith.constant 0 : i32
    return %c0_i32, %c0_i32_0 : i32, i32
  }
  func.func @transform_8(%arg0: i32) -> (i32, i32) {
    %c0_i32 = arith.constant 0 : i32
    %c0_i32_0 = arith.constant 0 : i32
    %c0_i32_1 = arith.constant 0 : i32
    return %c0_i32, %c0_i32_0 : i32, i32
  }
  func.func @transform_9(%arg0: i32) -> (i32, i32) {
    %c0_i32 = arith.constant 0 : i32
    %c0_i32_0 = arith.constant 0 : i32
    %c0_i32_1 = arith.constant 0 : i32
    return %c0_i32, %c0_i32_0 : i32, i32
  }
  func.func @transform_10(%arg0: i32) -> (i32, i32) {
    %c0_i32 = arith.constant 0 : i32
    %c0_i32_0 = arith.constant 0 : i32
    %c0_i32_1 = arith.constant 0 : i32
    return %c0_i32, %c0_i32_0 : i32, i32
  }
  func.func @transform_11(%arg0: i32) -> (i32, i32) {
    %c0_i32 = arith.constant 0 : i32
    %c0_i32_0 = arith.constant 0 : i32
    return %arg0, %c0_i32 : i32, i32
  }
  func.func @transform_12(%arg0: i32) -> (i32, i32) {
    %c0_i32 = arith.constant 0 : i32
    %c0_i32_0 = arith.constant 0 : i32
    return %arg0, %c0_i32 : i32, i32
  }
  func.func @transform_13(%arg0: i32) -> (i32, i32) {
    %c0_i32 = arith.constant 0 : i32
    %c0_i32_0 = arith.constant 0 : i32
    return %arg0, %c0_i32 : i32, i32
  }
}

module attributes {stable_mosaic.version = 14 : i64} {
  func.func @_k5(%arg0: i32, %arg1: memref<2048x8xf32, #tpu.memory_space<vmem>>, %arg2: memref<2048x2xf32, #tpu.memory_space<vmem>>, %arg3: memref<2048x2xi32, #tpu.memory_space<vmem>>, %arg4: memref<1x8xi32, #tpu.memory_space<vmem>>, %arg5: memref<1x8xi32, #tpu.memory_space<vmem>>, %arg6: memref<1x24xi32, #tpu.memory_space<vmem>>, %arg7: memref<1x24xi32, #tpu.memory_space<vmem>>, %arg8: memref<1x24xi32, #tpu.memory_space<vmem>>) attributes {dimension_semantics = [#tpu.dimension_semantics<arbitrary>], iteration_bounds = array<i64: 1>, scalar_prefetch = 0 : i64, scratch_operands = 0 : i64, tpu.core_type = #tpu.core_type<tc>, window_params = [{pipeline_mode = #tpu.pipeline_mode<synchronous>, transform_indices = @transform_0, window_bounds = array<i64: 2048, 8>}, {pipeline_mode = #tpu.pipeline_mode<synchronous>, transform_indices = @transform_1, window_bounds = array<i64: 2048, 2>}, {pipeline_mode = #tpu.pipeline_mode<synchronous>, transform_indices = @transform_2, window_bounds = array<i64: 2048, 2>}, {pipeline_mode = #tpu.pipeline_mode<synchronous>, transform_indices = @transform_3, window_bounds = array<i64: 1, 8>}, {pipeline_mode = #tpu.pipeline_mode<synchronous>, transform_indices = @transform_4, window_bounds = array<i64: 1, 8>}, {pipeline_mode = #tpu.pipeline_mode<synchronous>, transform_indices = @transform_5, window_bounds = array<i64: 1, 24>}, {pipeline_mode = #tpu.pipeline_mode<synchronous>, transform_indices = @transform_6, window_bounds = array<i64: 1, 24>}, {pipeline_mode = #tpu.pipeline_mode<synchronous>, transform_indices = @transform_7, window_bounds = array<i64: 1, 24>}]} {
    %get3A = arith.constant 0 : index
    %get3A_0 = arith.constant 0 : index
    %get3A_1 = vector.load %arg1[%get3A, %get3A_0] : memref<2048x8xf32, #tpu.memory_space<vmem>>, vector<2048x8xf32>
    %reduce_max3A = arith.constant dense<0xFF800000> : vector<2048xf32>
    %reduce_max3A_2 = vector.multi_reduction <maximumf>, %get3A_1, %reduce_max3A [1] : vector<2048x8xf32> to vector<2048xf32>
    %broadcast_in_dim3A = vector.shape_cast %reduce_max3A_2 : vector<2048xf32> to vector<2048x1xf32>
    %sub3A = vector.broadcast %broadcast_in_dim3A : vector<2048x1xf32> to vector<2048x8xf32>
    %sub3A_3 = arith.subf %get3A_1, %sub3A : vector<2048x8xf32>
    %exp3A = math.exp %sub3A_3 : vector<2048x8xf32>
    %reduce_sum3A = arith.constant dense<0.000000e+00> : vector<2048xf32>
    %reduce_sum3A_4 = vector.multi_reduction <add>, %exp3A, %reduce_sum3A [1] : vector<2048x8xf32> to vector<2048xf32>
    %broadcast_in_dim3A_5 = vector.shape_cast %reduce_sum3A_4 : vector<2048xf32> to vector<2048x1xf32>
    %div3A = vector.broadcast %broadcast_in_dim3A_5 : vector<2048x1xf32> to vector<2048x8xf32>
    %div3A_6 = arith.divf %exp3A, %div3A : vector<2048x8xf32>
    %iota3A = tpu.iota {dimensions = array<i32: 1>} : vector<2048x8xi32>
    %reduce_max3A_7 = arith.constant dense<0xFF800000> : vector<2048xf32>
    %reduce_max3A_8 = vector.multi_reduction <maximumf>, %div3A_6, %reduce_max3A_7 [1] : vector<2048x8xf32> to vector<2048xf32>
    %broadcast_in_dim3A_9 = vector.shape_cast %reduce_max3A_8 : vector<2048xf32> to vector<2048x1xf32>
    %eq3A = vector.broadcast %broadcast_in_dim3A_9 : vector<2048x1xf32> to vector<2048x8xf32>
    %eq3A_10 = arith.cmpf oeq, %div3A_6, %eq3A : vector<2048x8xf32>
    %jit3A = arith.constant 8 : i32
    %broadcast_in_dim3A_11 = vector.broadcast %jit3A : i32 to vector<2048x8xi32>
    %select_n3A = arith.select %eq3A_10, %iota3A, %broadcast_in_dim3A_11 : vector<2048x8xi1>, vector<2048x8xi32>
    %reduce_min3A = arith.constant dense<2147483647> : vector<2048xi32>
    %reduce_min3A_12 = vector.multi_reduction <minsi>, %select_n3A, %reduce_min3A [1] : vector<2048x8xi32> to vector<2048xi32>
    %broadcast_in_dim3A_13 = vector.shape_cast %reduce_min3A_12 : vector<2048xi32> to vector<2048x1xi32>
    %eq3A_14 = vector.broadcast %broadcast_in_dim3A_13 : vector<2048x1xi32> to vector<2048x8xi32>
    %eq3A_15 = arith.cmpi eq, %iota3A, %eq3A_14 : vector<2048x8xi32>
    %jit3A_16 = arith.constant 0xFF800000 : f32
    %broadcast_in_dim3A_17 = vector.broadcast %jit3A_16 : f32 to vector<2048x8xf32>
    %select_n3A_18 = arith.select %eq3A_15, %broadcast_in_dim3A_17, %div3A_6 : vector<2048x8xi1>, vector<2048x8xf32>
    %reduce_max3A_19 = arith.constant dense<0xFF800000> : vector<2048xf32>
    %reduce_max3A_20 = vector.multi_reduction <maximumf>, %select_n3A_18, %reduce_max3A_19 [1] : vector<2048x8xf32> to vector<2048xf32>
    %broadcast_in_dim3A_21 = vector.shape_cast %reduce_max3A_20 : vector<2048xf32> to vector<2048x1xf32>
    %eq3A_22 = vector.broadcast %broadcast_in_dim3A_21 : vector<2048x1xf32> to vector<2048x8xf32>
    %eq3A_23 = arith.cmpf oeq, %select_n3A_18, %eq3A_22 : vector<2048x8xf32>
    %jit3A_24 = arith.constant 8 : i32
    %broadcast_in_dim3A_25 = vector.broadcast %jit3A_24 : i32 to vector<2048x8xi32>
    %select_n3A_26 = arith.select %eq3A_23, %iota3A, %broadcast_in_dim3A_25 : vector<2048x8xi1>, vector<2048x8xi32>
    %reduce_min3A_27 = arith.constant dense<2147483647> : vector<2048xi32>
    %reduce_min3A_28 = vector.multi_reduction <minsi>, %select_n3A_26, %reduce_min3A_27 [1] : vector<2048x8xi32> to vector<2048xi32>
    %broadcast_in_dim3A_29 = vector.shape_cast %reduce_min3A_28 : vector<2048xi32> to vector<2048x1xi32>
    %add3A = arith.addf %broadcast_in_dim3A_9, %broadcast_in_dim3A_21 : vector<2048x1xf32>
    %add3A_30 = arith.constant 9.99999993E-9 : f32
    %add3A_31 = vector.broadcast %add3A_30 : f32 to vector<2048x1xf32>
    %add3A_32 = arith.addf %add3A, %add3A_31 : vector<2048x1xf32>
    %div3A_33 = arith.divf %broadcast_in_dim3A_9, %add3A_32 : vector<2048x1xf32>
    %div3A_34 = arith.divf %broadcast_in_dim3A_21, %add3A_32 : vector<2048x1xf32>
    %concatenate3A = tpu.concatenate %div3A_33, %div3A_34 in 1 : vector<2048x1xf32>, vector<2048x1xf32> -> vector<2048x2xf32>
    %swap3A = arith.constant 0 : index
    %swap3A_35 = arith.constant 0 : index
    %swap3A_36 = vector.load %arg2[%swap3A, %swap3A_35] : memref<2048x2xf32, #tpu.memory_space<vmem>>, vector<2048x2xf32>
    tpu.vector_store %arg2[%swap3A, %swap3A_35], %concatenate3A {strides = array<i32>} : memref<2048x2xf32, #tpu.memory_space<vmem>>, vector<2048x2xf32>,
    %eq3A_37 = vector.broadcast %broadcast_in_dim3A_13 : vector<2048x1xi32> to vector<2048x8xi32>
    %eq3A_38 = arith.cmpi eq, %iota3A, %eq3A_37 : vector<2048x8xi32>
    %convert_element_type3A = arith.extui %eq3A_38 : vector<2048x8xi1> to vector<2048x8xi32>
    %convert_element_type3A_39 = arith.sitofp %convert_element_type3A : vector<2048x8xi32> to vector<2048x8xf32>
    %eq3A_40 = vector.broadcast %broadcast_in_dim3A_29 : vector<2048x1xi32> to vector<2048x8xi32>
    %eq3A_41 = arith.cmpi eq, %iota3A, %eq3A_40 : vector<2048x8xi32>
    %convert_element_type3A_42 = arith.extui %eq3A_41 : vector<2048x8xi1> to vector<2048x8xi32>
    %convert_element_type3A_43 = arith.sitofp %convert_element_type3A_42 : vector<2048x8xi32> to vector<2048x8xf32>
    %add3A_44 = arith.addf %convert_element_type3A_39, %convert_element_type3A_43 : vector<2048x8xf32>
    %iota3A_45 = tpu.iota {dimensions = array<i32: 0>} : vector<2048x2048xi32>
    %iota3A_46 = tpu.iota {dimensions = array<i32: 1>} : vector<2048x2048xi32>
    %gt3A = arith.cmpi sgt, %iota3A_45, %iota3A_46 : vector<2048x2048xi32>
    %convert_element_type3A_47 = arith.extui %gt3A : vector<2048x2048xi1> to vector<2048x2048xi32>
    %convert_element_type3A_48 = arith.sitofp %convert_element_type3A_47 : vector<2048x2048xi32> to vector<2048x2048xf32>
    %convert_element_type3A_49 = arith.truncf %convert_element_type3A_48 : vector<2048x2048xf32> to vector<2048x2048xbf16>
    %convert_element_type3A_50 = arith.truncf %add3A_44 : vector<2048x8xf32> to vector<2048x8xbf16>
    %dot_general3A = arith.constant dense<0.000000e+00> : vector<2048x8xf32>
    %dot_general3A_51 = tpu.matmul %convert_element_type3A_49, %convert_element_type3A_50, %dot_general3A {dimension_numbers = #tpu.dot_dimension_numbers<[1], [0], [0], [1], [0, 0, 1, 1], [], []>, transpose_lhs_hint = false} : vector<2048x2048xbf16>, vector<2048x8xbf16>, vector<2048x8xf32> -> vector<2048x8xf32>
    %reduce_sum3A_52 = arith.constant dense<0.000000e+00> : vector<8xf32>
    %reduce_sum3A_53 = vector.multi_reduction <add>, %add3A_44, %reduce_sum3A_52 [0] : vector<2048x8xf32> to vector<8xf32>
    %broadcast_in_dim3A_54 = vector.shape_cast %reduce_sum3A_53 : vector<8xf32> to vector<1x8xf32>
    %iota3A_55 = tpu.iota {dimensions = array<i32: 0>} : vector<8x8xi32>
    %iota3A_56 = tpu.iota {dimensions = array<i32: 1>} : vector<8x8xi32>
    %lt3A = arith.cmpi slt, %iota3A_55, %iota3A_56 : vector<8x8xi32>
    %convert_element_type3A_57 = arith.extui %lt3A : vector<8x8xi1> to vector<8x8xi32>
    %convert_element_type3A_58 = arith.sitofp %convert_element_type3A_57 : vector<8x8xi32> to vector<8x8xf32>
    %dot_general3A_59 = arith.constant dense<0.000000e+00> : vector<1x8xf32>
    %dot_general3A_60 = tpu.matmul %broadcast_in_dim3A_54, %convert_element_type3A_58, %dot_general3A_59 {dimension_numbers = #tpu.dot_dimension_numbers<[1], [0], [0], [1], [0, 0, 1, 1], [], []>, precision = #tpu.contract_precision<fp32>, transpose_lhs_hint = false} : vector<1x8xf32>, vector<8x8xf32>, vector<1x8xf32> -> vector<1x8xf32>
    %convert_element_type3A_61 = arith.fptosi %dot_general3A_60 : vector<1x8xf32> to vector<1x8xi32>
    %swap3A_62 = arith.constant 0 : index
    %swap3A_63 = arith.constant 0 : index
    %swap3A_64 = vector.load %arg4[%swap3A_62, %swap3A_63] : memref<1x8xi32, #tpu.memory_space<vmem>>, vector<1x8xi32>
    tpu.vector_store %arg4[%swap3A_62, %swap3A_63], %convert_element_type3A_61 {strides = array<i32>} : memref<1x8xi32, #tpu.memory_space<vmem>>, vector<1x8xi32>,
    %convert_element_type3A_65 = arith.fptosi %broadcast_in_dim3A_54 : vector<1x8xf32> to vector<1x8xi32>
    %swap3A_66 = arith.constant 0 : index
    %swap3A_67 = arith.constant 0 : index
    %swap3A_68 = vector.load %arg5[%swap3A_66, %swap3A_67] : memref<1x8xi32, #tpu.memory_space<vmem>>, vector<1x8xi32>
    tpu.vector_store %arg5[%swap3A_66, %swap3A_67], %convert_element_type3A_65 {strides = array<i32>} : memref<1x8xi32, #tpu.memory_space<vmem>>, vector<1x8xi32>,
    %add3A_69 = vector.broadcast %dot_general3A_60 : vector<1x8xf32> to vector<2048x8xf32>
    %add3A_70 = arith.addf %add3A_69, %dot_general3A_51 : vector<2048x8xf32>
    %eq3A_71 = vector.broadcast %broadcast_in_dim3A_13 : vector<2048x1xi32> to vector<2048x8xi32>
    %eq3A_72 = arith.cmpi eq, %iota3A, %eq3A_71 : vector<2048x8xi32>
    %jit3A_73 = arith.constant 0.000000e+00 : f32
    %broadcast_in_dim3A_74 = vector.broadcast %jit3A_73 : f32 to vector<2048x8xf32>
    %select_n3A_75 = arith.select %eq3A_72, %add3A_70, %broadcast_in_dim3A_74 : vector<2048x8xi1>, vector<2048x8xf32>
    %reduce_sum3A_76 = arith.constant dense<0.000000e+00> : vector<2048xf32>
    %reduce_sum3A_77 = vector.multi_reduction <add>, %select_n3A_75, %reduce_sum3A_76 [1] : vector<2048x8xf32> to vector<2048xf32>
    %broadcast_in_dim3A_78 = vector.shape_cast %reduce_sum3A_77 : vector<2048xf32> to vector<2048x1xf32>
    %eq3A_79 = vector.broadcast %broadcast_in_dim3A_29 : vector<2048x1xi32> to vector<2048x8xi32>
    %eq3A_80 = arith.cmpi eq, %iota3A, %eq3A_79 : vector<2048x8xi32>
    %jit3A_81 = arith.constant 0.000000e+00 : f32
    %broadcast_in_dim3A_82 = vector.broadcast %jit3A_81 : f32 to vector<2048x8xf32>
    %select_n3A_83 = arith.select %eq3A_80, %add3A_70, %broadcast_in_dim3A_82 : vector<2048x8xi1>, vector<2048x8xf32>
    %reduce_sum3A_84 = arith.constant dense<0.000000e+00> : vector<2048xf32>
    %reduce_sum3A_85 = vector.multi_reduction <add>, %select_n3A_83, %reduce_sum3A_84 [1] : vector<2048x8xf32> to vector<2048xf32>
    %broadcast_in_dim3A_86 = vector.shape_cast %reduce_sum3A_85 : vector<2048xf32> to vector<2048x1xf32>
    %concatenate3A_87 = tpu.concatenate %broadcast_in_dim3A_78, %broadcast_in_dim3A_86 in 1 : vector<2048x1xf32>, vector<2048x1xf32> -> vector<2048x2xf32>
    %convert_element_type3A_88 = arith.fptosi %concatenate3A_87 : vector<2048x2xf32> to vector<2048x2xi32>
    %swap3A_89 = arith.constant 0 : index
    %swap3A_90 = arith.constant 0 : index
    %swap3A_91 = vector.load %arg3[%swap3A_89, %swap3A_90] : memref<2048x2xi32, #tpu.memory_space<vmem>>, vector<2048x2xi32>
    tpu.vector_store %arg3[%swap3A_89, %swap3A_90], %convert_element_type3A_88 {strides = array<i32>} : memref<2048x2xi32, #tpu.memory_space<vmem>>, vector<2048x2xi32>,
    %iota3A_92 = tpu.iota {dimensions = array<i32: 0>} : vector<16x1xi32>
    %convert_element_type3A_93 = arith.sitofp %iota3A_92 : vector<16x1xi32> to vector<16x1xf32>
    %mul3A = arith.constant 2.560000e+02 : f32
    %mul3A_94 = vector.broadcast %mul3A : f32 to vector<16x1xf32>
    %mul3A_95 = arith.mulf %convert_element_type3A_93, %mul3A_94 : vector<16x1xf32>
    %add3A_96 = arith.constant 2.560000e+02 : f32
    %add3A_97 = vector.broadcast %add3A_96 : f32 to vector<16x1xf32>
    %add3A_98 = arith.addf %mul3A_95, %add3A_97 : vector<16x1xf32>
    %lt3A_99 = vector.broadcast %dot_general3A_60 : vector<1x8xf32> to vector<16x8xf32>
    %lt3A_100 = vector.broadcast %add3A_98 : vector<16x1xf32> to vector<16x8xf32>
    %lt3A_101 = arith.cmpf olt, %lt3A_99, %lt3A_100 : vector<16x8xf32>
    %add3A_102 = arith.addf %dot_general3A_60, %broadcast_in_dim3A_54 : vector<1x8xf32>
    %gt3A_103 = vector.broadcast %add3A_102 : vector<1x8xf32> to vector<16x8xf32>
    %gt3A_104 = vector.broadcast %mul3A_95 : vector<16x1xf32> to vector<16x8xf32>
    %gt3A_105 = arith.cmpf ogt, %gt3A_103, %gt3A_104 : vector<16x8xf32>
    %and3A = arith.andi %lt3A_101, %gt3A_105 : vector<16x8xi1>
    %gt3A_106 = arith.constant 0.000000e+00 : f32
    %gt3A_107 = vector.broadcast %gt3A_106 : f32 to vector<1x8xf32>
    %gt3A_108 = arith.cmpf ogt, %broadcast_in_dim3A_54, %gt3A_107 : vector<1x8xf32>
    %and3A_109 = vector.broadcast %gt3A_108 : vector<1x8xi1> to vector<16x8xi1>
    %and3A_110 = arith.andi %and3A, %and3A_109 : vector<16x8xi1>
    %convert_element_type3A_111 = arith.extui %and3A_110 : vector<16x8xi1> to vector<16x8xi32>
    %convert_element_type3A_112 = arith.sitofp %convert_element_type3A_111 : vector<16x8xi32> to vector<16x8xf32>
    %dot_general3A_113 = arith.constant dense<0.000000e+00> : vector<16x8xf32>
    %dot_general3A_114 = tpu.matmul %convert_element_type3A_112, %convert_element_type3A_58, %dot_general3A_113 {dimension_numbers = #tpu.dot_dimension_numbers<[1], [0], [0], [1], [0, 0, 1, 1], [], []>, transpose_lhs_hint = false} : vector<16x8xf32>, vector<8x8xf32>, vector<16x8xf32> -> vector<16x8xf32>
    %iota3A_115 = tpu.iota {dimensions = array<i32: 0>} : vector<16x16xi32>
    %iota3A_116 = tpu.iota {dimensions = array<i32: 1>} : vector<16x16xi32>
    %gt3A_117 = arith.cmpi sgt, %iota3A_115, %iota3A_116 : vector<16x16xi32>
    %convert_element_type3A_118 = arith.extui %gt3A_117 : vector<16x16xi1> to vector<16x16xi32>
    %convert_element_type3A_119 = arith.sitofp %convert_element_type3A_118 : vector<16x16xi32> to vector<16x16xf32>
    %dot_general3A_120 = arith.constant dense<0.000000e+00> : vector<16x8xf32>
    %dot_general3A_121 = tpu.matmul %convert_element_type3A_119, %convert_element_type3A_112, %dot_general3A_120 {dimension_numbers = #tpu.dot_dimension_numbers<[1], [0], [0], [1], [0, 0, 1, 1], [], []>, transpose_lhs_hint = false} : vector<16x16xf32>, vector<16x8xf32>, vector<16x8xf32> -> vector<16x8xf32>
    %reduce_sum3A_122 = arith.constant dense<0.000000e+00> : vector<16xf32>
    %reduce_sum3A_123 = vector.multi_reduction <add>, %dot_general3A_121, %reduce_sum3A_122 [1] : vector<16x8xf32> to vector<16xf32>
    %broadcast_in_dim3A_124 = vector.shape_cast %reduce_sum3A_123 : vector<16xf32> to vector<16x1xf32>
    %add3A_125 = vector.broadcast %broadcast_in_dim3A_124 : vector<16x1xf32> to vector<16x8xf32>
    %add3A_126 = arith.addf %add3A_125, %dot_general3A_114 : vector<16x8xf32>
    %iota3A_127 = tpu.iota {dimensions = array<i32: 0>} : vector<16x8xi32>
    %convert_element_type3A_128 = arith.sitofp %iota3A_127 : vector<16x8xi32> to vector<16x8xf32>
    %iota3A_129 = tpu.iota {dimensions = array<i32: 1>} : vector<16x8xi32>
    %convert_element_type3A_130 = arith.sitofp %iota3A_129 : vector<16x8xi32> to vector<16x8xf32>
    %reduce_sum3A_131 = vector.shape_cast %convert_element_type3A_112 : vector<16x8xf32> to vector<1x16x8xf32>
    %reduce_sum3A_132 = arith.constant dense<0.000000e+00> : vector<1xf32>
    %reduce_sum3A_133 = vector.multi_reduction <add>, %reduce_sum3A_131, %reduce_sum3A_132 [1, 2] : vector<1x16x8xf32> to vector<1xf32>
    %reduce_sum3A_134 = vector.shape_cast %reduce_sum3A_133 : vector<1xf32> to vector<1x1x1xf32>
    %reduce_sum3A_135 = vector.extract %reduce_sum3A_134[0, 0, 0] : f32 from vector<1x1x1xf32>
    %iota3A_136 = tpu.iota {dimensions = array<i32: 1>} : vector<1x24xi32>
    %convert_element_type3A_137 = arith.sitofp %iota3A_136 : vector<1x24xi32> to vector<1x24xf32>
    %broadcast_in_dim3A_138 = arith.constant 0.000000e+00 : f32
    %broadcast_in_dim3A_139 = vector.broadcast %broadcast_in_dim3A_138 : f32 to vector<1x24xf32>
    %broadcast_in_dim3A_140 = arith.constant 0.000000e+00 : f32
    %broadcast_in_dim3A_141 = vector.broadcast %broadcast_in_dim3A_140 : f32 to vector<1x24xf32>
    %eq3A_142 = arith.constant 0.000000e+00 : f32
    %eq3A_143 = vector.broadcast %eq3A_142 : f32 to vector<16x8xf32>
    %eq3A_144 = arith.cmpf oeq, %add3A_126, %eq3A_143 : vector<16x8xf32>
    %gt3A_145 = arith.constant 0.000000e+00 : f32
    %gt3A_146 = vector.broadcast %gt3A_145 : f32 to vector<16x8xf32>
    %gt3A_147 = arith.cmpf ogt, %convert_element_type3A_112, %gt3A_146 : vector<16x8xf32>
    %and3A_148 = arith.andi %eq3A_144, %gt3A_147 : vector<16x8xi1>
    %jit3A_149 = arith.constant 0.000000e+00 : f32
    %broadcast_in_dim3A_150 = vector.broadcast %jit3A_149 : f32 to vector<16x8xf32>
    %select_n3A_151 = arith.select %and3A_148, %convert_element_type3A_128, %broadcast_in_dim3A_150 : vector<16x8xi1>, vector<16x8xf32>
    %reduce_sum3A_152 = vector.shape_cast %select_n3A_151 : vector<16x8xf32> to vector<1x16x8xf32>
    %reduce_sum3A_153 = arith.constant dense<0.000000e+00> : vector<1xf32>
    %reduce_sum3A_154 = vector.multi_reduction <add>, %reduce_sum3A_152, %reduce_sum3A_153 [1, 2] : vector<1x16x8xf32> to vector<1xf32>
    %reduce_sum3A_155 = vector.shape_cast %reduce_sum3A_154 : vector<1xf32> to vector<1x1x1xf32>
    %reduce_sum3A_156 = vector.extract %reduce_sum3A_155[0, 0, 0] : f32 from vector<1x1x1xf32>
    %jit3A_157 = arith.constant 0.000000e+00 : f32
    %broadcast_in_dim3A_158 = vector.broadcast %jit3A_157 : f32 to vector<16x8xf32>
    %select_n3A_159 = arith.select %and3A_148, %convert_element_type3A_130, %broadcast_in_dim3A_158 : vector<16x8xi1>, vector<16x8xf32>
    %reduce_sum3A_160 = vector.shape_cast %select_n3A_159 : vector<16x8xf32> to vector<1x16x8xf32>
    %reduce_sum3A_161 = arith.constant dense<0.000000e+00> : vector<1xf32>
    %reduce_sum3A_162 = vector.multi_reduction <add>, %reduce_sum3A_160, %reduce_sum3A_161 [1, 2] : vector<1x16x8xf32> to vector<1xf32>
    %reduce_sum3A_163 = vector.shape_cast %reduce_sum3A_162 : vector<1xf32> to vector<1x1x1xf32>
    %reduce_sum3A_164 = vector.extract %reduce_sum3A_163[0, 0, 0] : f32 from vector<1x1x1xf32>
    %eq3A_165 = arith.constant 0.000000e+00 : f32
    %eq3A_166 = vector.broadcast %eq3A_165 : f32 to vector<1x24xf32>
    %eq3A_167 = arith.cmpf oeq, %convert_element_type3A_137, %eq3A_166 : vector<1x24xf32>
    %jit3A_168 = arith.constant 0.000000e+00 : f32
    %broadcast_in_dim3A_169 = vector.broadcast %reduce_sum3A_156 : f32 to vector<1x24xf32>
    %broadcast_in_dim3A_170 = vector.broadcast %jit3A_168 : f32 to vector<1x24xf32>
    %select_n3A_171 = arith.select %eq3A_167, %broadcast_in_dim3A_169, %broadcast_in_dim3A_170 : vector<1x24xi1>, vector<1x24xf32>
    %add3A_172 = arith.addf %broadcast_in_dim3A_139, %select_n3A_171 : vector<1x24xf32>
    %eq3A_173 = arith.constant 0.000000e+00 : f32
    %eq3A_174 = vector.broadcast %eq3A_173 : f32 to vector<1x24xf32>
    %eq3A_175 = arith.cmpf oeq, %convert_element_type3A_137, %eq3A_174 : vector<1x24xf32>
    %jit3A_176 = arith.constant 0.000000e+00 : f32
    %broadcast_in_dim3A_177 = vector.broadcast %reduce_sum3A_164 : f32 to vector<1x24xf32>
    %broadcast_in_dim3A_178 = vector.broadcast %jit3A_176 : f32 to vector<1x24xf32>
    %select_n3A_179 = arith.select %eq3A_175, %broadcast_in_dim3A_177, %broadcast_in_dim3A_178 : vector<1x24xi1>, vector<1x24xf32>
    %add3A_180 = arith.addf %broadcast_in_dim3A_141, %select_n3A_179 : vector<1x24xf32>
    %eq3A_181 = arith.constant 1.000000e+00 : f32
    %eq3A_182 = vector.broadcast %eq3A_181 : f32 to vector<16x8xf32>
    %eq3A_183 = arith.cmpf oeq, %add3A_126, %eq3A_182 : vector<16x8xf32>
    %gt3A_184 = arith.constant 0.000000e+00 : f32
    %gt3A_185 = vector.broadcast %gt3A_184 : f32 to vector<16x8xf32>
    %gt3A_186 = arith.cmpf ogt, %convert_element_type3A_112, %gt3A_185 : vector<16x8xf32>
    %and3A_187 = arith.andi %eq3A_183, %gt3A_186 : vector<16x8xi1>
    %jit3A_188 = arith.constant 0.000000e+00 : f32
    %broadcast_in_dim3A_189 = vector.broadcast %jit3A_188 : f32 to vector<16x8xf32>
    %select_n3A_190 = arith.select %and3A_187, %convert_element_type3A_128, %broadcast_in_dim3A_189 : vector<16x8xi1>, vector<16x8xf32>
    %reduce_sum3A_191 = vector.shape_cast %select_n3A_190 : vector<16x8xf32> to vector<1x16x8xf32>
    %reduce_sum3A_192 = arith.constant dense<0.000000e+00> : vector<1xf32>
    %reduce_sum3A_193 = vector.multi_reduction <add>, %reduce_sum3A_191, %reduce_sum3A_192 [1, 2] : vector<1x16x8xf32> to vector<1xf32>
    %reduce_sum3A_194 = vector.shape_cast %reduce_sum3A_193 : vector<1xf32> to vector<1x1x1xf32>
    %reduce_sum3A_195 = vector.extract %reduce_sum3A_194[0, 0, 0] : f32 from vector<1x1x1xf32>
    %jit3A_196 = arith.constant 0.000000e+00 : f32
    %broadcast_in_dim3A_197 = vector.broadcast %jit3A_196 : f32 to vector<16x8xf32>
    %select_n3A_198 = arith.select %and3A_187, %convert_element_type3A_130, %broadcast_in_dim3A_197 : vector<16x8xi1>, vector<16x8xf32>
    %reduce_sum3A_199 = vector.shape_cast %select_n3A_198 : vector<16x8xf32> to vector<1x16x8xf32>
    %reduce_sum3A_200 = arith.constant dense<0.000000e+00> : vector<1xf32>
    %reduce_sum3A_201 = vector.multi_reduction <add>, %reduce_sum3A_199, %reduce_sum3A_200 [1, 2] : vector<1x16x8xf32> to vector<1xf32>
    %reduce_sum3A_202 = vector.shape_cast %reduce_sum3A_201 : vector<1xf32> to vector<1x1x1xf32>
    %reduce_sum3A_203 = vector.extract %reduce_sum3A_202[0, 0, 0] : f32 from vector<1x1x1xf32>
    %eq3A_204 = arith.constant 1.000000e+00 : f32
    %eq3A_205 = vector.broadcast %eq3A_204 : f32 to vector<1x24xf32>
    %eq3A_206 = arith.cmpf oeq, %convert_element_type3A_137, %eq3A_205 : vector<1x24xf32>
    %jit3A_207 = arith.constant 0.000000e+00 : f32
    %broadcast_in_dim3A_208 = vector.broadcast %reduce_sum3A_195 : f32 to vector<1x24xf32>
    %broadcast_in_dim3A_209 = vector.broadcast %jit3A_207 : f32 to vector<1x24xf32>
    %select_n3A_210 = arith.select %eq3A_206, %broadcast_in_dim3A_208, %broadcast_in_dim3A_209 : vector<1x24xi1>, vector<1x24xf32>
    %add3A_211 = arith.addf %add3A_172, %select_n3A_210 : vector<1x24xf32>
    %eq3A_212 = arith.constant 1.000000e+00 : f32
    %eq3A_213 = vector.broadcast %eq3A_212 : f32 to vector<1x24xf32>
    %eq3A_214 = arith.cmpf oeq, %convert_element_type3A_137, %eq3A_213 : vector<1x24xf32>
    %jit3A_215 = arith.constant 0.000000e+00 : f32
    %broadcast_in_dim3A_216 = vector.broadcast %reduce_sum3A_203 : f32 to vector<1x24xf32>
    %broadcast_in_dim3A_217 = vector.broadcast %jit3A_215 : f32 to vector<1x24xf32>
    %select_n3A_218 = arith.select %eq3A_214, %broadcast_in_dim3A_216, %broadcast_in_dim3A_217 : vector<1x24xi1>, vector<1x24xf32>
    %add3A_219 = arith.addf %add3A_180, %select_n3A_218 : vector<1x24xf32>
    %eq3A_220 = arith.constant 2.000000e+00 : f32
    %eq3A_221 = vector.broadcast %eq3A_220 : f32 to vector<16x8xf32>
    %eq3A_222 = arith.cmpf oeq, %add3A_126, %eq3A_221 : vector<16x8xf32>
    %gt3A_223 = arith.constant 0.000000e+00 : f32
    %gt3A_224 = vector.broadcast %gt3A_223 : f32 to vector<16x8xf32>
    %gt3A_225 = arith.cmpf ogt, %convert_element_type3A_112, %gt3A_224 : vector<16x8xf32>
    %and3A_226 = arith.andi %eq3A_222, %gt3A_225 : vector<16x8xi1>
    %jit3A_227 = arith.constant 0.000000e+00 : f32
    %broadcast_in_dim3A_228 = vector.broadcast %jit3A_227 : f32 to vector<16x8xf32>
    %select_n3A_229 = arith.select %and3A_226, %convert_element_type3A_128, %broadcast_in_dim3A_228 : vector<16x8xi1>, vector<16x8xf32>
    %reduce_sum3A_230 = vector.shape_cast %select_n3A_229 : vector<16x8xf32> to vector<1x16x8xf32>
    %reduce_sum3A_231 = arith.constant dense<0.000000e+00> : vector<1xf32>
    %reduce_sum3A_232 = vector.multi_reduction <add>, %reduce_sum3A_230, %reduce_sum3A_231 [1, 2] : vector<1x16x8xf32> to vector<1xf32>
    %reduce_sum3A_233 = vector.shape_cast %reduce_sum3A_232 : vector<1xf32> to vector<1x1x1xf32>
    %reduce_sum3A_234 = vector.extract %reduce_sum3A_233[0, 0, 0] : f32 from vector<1x1x1xf32>
    %jit3A_235 = arith.constant 0.000000e+00 : f32
    %broadcast_in_dim3A_236 = vector.broadcast %jit3A_235 : f32 to vector<16x8xf32>
    %select_n3A_237 = arith.select %and3A_226, %convert_element_type3A_130, %broadcast_in_dim3A_236 : vector<16x8xi1>, vector<16x8xf32>
    %reduce_sum3A_238 = vector.shape_cast %select_n3A_237 : vector<16x8xf32> to vector<1x16x8xf32>
    %reduce_sum3A_239 = arith.constant dense<0.000000e+00> : vector<1xf32>
    %reduce_sum3A_240 = vector.multi_reduction <add>, %reduce_sum3A_238, %reduce_sum3A_239 [1, 2] : vector<1x16x8xf32> to vector<1xf32>
    %reduce_sum3A_241 = vector.shape_cast %reduce_sum3A_240 : vector<1xf32> to vector<1x1x1xf32>
    %reduce_sum3A_242 = vector.extract %reduce_sum3A_241[0, 0, 0] : f32 from vector<1x1x1xf32>
    %eq3A_243 = arith.constant 2.000000e+00 : f32
    %eq3A_244 = vector.broadcast %eq3A_243 : f32 to vector<1x24xf32>
    %eq3A_245 = arith.cmpf oeq, %convert_element_type3A_137, %eq3A_244 : vector<1x24xf32>
    %jit3A_246 = arith.constant 0.000000e+00 : f32
    %broadcast_in_dim3A_247 = vector.broadcast %reduce_sum3A_234 : f32 to vector<1x24xf32>
    %broadcast_in_dim3A_248 = vector.broadcast %jit3A_246 : f32 to vector<1x24xf32>
    %select_n3A_249 = arith.select %eq3A_245, %broadcast_in_dim3A_247, %broadcast_in_dim3A_248 : vector<1x24xi1>, vector<1x24xf32>
    %add3A_250 = arith.addf %add3A_211, %select_n3A_249 : vector<1x24xf32>
    %eq3A_251 = arith.constant 2.000000e+00 : f32
    %eq3A_252 = vector.broadcast %eq3A_251 : f32 to vector<1x24xf32>
    %eq3A_253 = arith.cmpf oeq, %convert_element_type3A_137, %eq3A_252 : vector<1x24xf32>
    %jit3A_254 = arith.constant 0.000000e+00 : f32
    %broadcast_in_dim3A_255 = vector.broadcast %reduce_sum3A_242 : f32 to vector<1x24xf32>
    %broadcast_in_dim3A_256 = vector.broadcast %jit3A_254 : f32 to vector<1x24xf32>
    %select_n3A_257 = arith.select %eq3A_253, %broadcast_in_dim3A_255, %broadcast_in_dim3A_256 : vector<1x24xi1>, vector<1x24xf32>
    %add3A_258 = arith.addf %add3A_219, %select_n3A_257 : vector<1x24xf32>
    %eq3A_259 = arith.constant 3.000000e+00 : f32
    %eq3A_260 = vector.broadcast %eq3A_259 : f32 to vector<16x8xf32>
    %eq3A_261 = arith.cmpf oeq, %add3A_126, %eq3A_260 : vector<16x8xf32>
    %gt3A_262 = arith.constant 0.000000e+00 : f32
    %gt3A_263 = vector.broadcast %gt3A_262 : f32 to vector<16x8xf32>
    %gt3A_264 = arith.cmpf ogt, %convert_element_type3A_112, %gt3A_263 : vector<16x8xf32>
    %and3A_265 = arith.andi %eq3A_261, %gt3A_264 : vector<16x8xi1>
    %jit3A_266 = arith.constant 0.000000e+00 : f32
    %broadcast_in_dim3A_267 = vector.broadcast %jit3A_266 : f32 to vector<16x8xf32>
    %select_n3A_268 = arith.select %and3A_265, %convert_element_type3A_128, %broadcast_in_dim3A_267 : vector<16x8xi1>, vector<16x8xf32>
    %reduce_sum3A_269 = vector.shape_cast %select_n3A_268 : vector<16x8xf32> to vector<1x16x8xf32>
    %reduce_sum3A_270 = arith.constant dense<0.000000e+00> : vector<1xf32>
    %reduce_sum3A_271 = vector.multi_reduction <add>, %reduce_sum3A_269, %reduce_sum3A_270 [1, 2] : vector<1x16x8xf32> to vector<1xf32>
    %reduce_sum3A_272 = vector.shape_cast %reduce_sum3A_271 : vector<1xf32> to vector<1x1x1xf32>
    %reduce_sum3A_273 = vector.extract %reduce_sum3A_272[0, 0, 0] : f32 from vector<1x1x1xf32>
    %jit3A_274 = arith.constant 0.000000e+00 : f32
    %broadcast_in_dim3A_275 = vector.broadcast %jit3A_274 : f32 to vector<16x8xf32>
    %select_n3A_276 = arith.select %and3A_265, %convert_element_type3A_130, %broadcast_in_dim3A_275 : vector<16x8xi1>, vector<16x8xf32>
    %reduce_sum3A_277 = vector.shape_cast %select_n3A_276 : vector<16x8xf32> to vector<1x16x8xf32>
    %reduce_sum3A_278 = arith.constant dense<0.000000e+00> : vector<1xf32>
    %reduce_sum3A_279 = vector.multi_reduction <add>, %reduce_sum3A_277, %reduce_sum3A_278 [1, 2] : vector<1x16x8xf32> to vector<1xf32>
    %reduce_sum3A_280 = vector.shape_cast %reduce_sum3A_279 : vector<1xf32> to vector<1x1x1xf32>
    %reduce_sum3A_281 = vector.extract %reduce_sum3A_280[0, 0, 0] : f32 from vector<1x1x1xf32>
    %eq3A_282 = arith.constant 3.000000e+00 : f32
    %eq3A_283 = vector.broadcast %eq3A_282 : f32 to vector<1x24xf32>
    %eq3A_284 = arith.cmpf oeq, %convert_element_type3A_137, %eq3A_283 : vector<1x24xf32>
    %jit3A_285 = arith.constant 0.000000e+00 : f32
    %broadcast_in_dim3A_286 = vector.broadcast %reduce_sum3A_273 : f32 to vector<1x24xf32>
    %broadcast_in_dim3A_287 = vector.broadcast %jit3A_285 : f32 to vector<1x24xf32>
    %select_n3A_288 = arith.select %eq3A_284, %broadcast_in_dim3A_286, %broadcast_in_dim3A_287 : vector<1x24xi1>, vector<1x24xf32>
    %add3A_289 = arith.addf %add3A_250, %select_n3A_288 : vector<1x24xf32>
    %eq3A_290 = arith.constant 3.000000e+00 : f32
    %eq3A_291 = vector.broadcast %eq3A_290 : f32 to vector<1x24xf32>
    %eq3A_292 = arith.cmpf oeq, %convert_element_type3A_137, %eq3A_291 : vector<1x24xf32>
    %jit3A_293 = arith.constant 0.000000e+00 : f32
    %broadcast_in_dim3A_294 = vector.broadcast %reduce_sum3A_281 : f32 to vector<1x24xf32>
    %broadcast_in_dim3A_295 = vector.broadcast %jit3A_293 : f32 to vector<1x24xf32>
    %select_n3A_296 = arith.select %eq3A_292, %broadcast_in_dim3A_294, %broadcast_in_dim3A_295 : vector<1x24xi1>, vector<1x24xf32>
    %add3A_297 = arith.addf %add3A_258, %select_n3A_296 : vector<1x24xf32>
    %eq3A_298 = arith.constant 4.000000e+00 : f32
    %eq3A_299 = vector.broadcast %eq3A_298 : f32 to vector<16x8xf32>
    %eq3A_300 = arith.cmpf oeq, %add3A_126, %eq3A_299 : vector<16x8xf32>
    %gt3A_301 = arith.constant 0.000000e+00 : f32
    %gt3A_302 = vector.broadcast %gt3A_301 : f32 to vector<16x8xf32>
    %gt3A_303 = arith.cmpf ogt, %convert_element_type3A_112, %gt3A_302 : vector<16x8xf32>
    %and3A_304 = arith.andi %eq3A_300, %gt3A_303 : vector<16x8xi1>
    %jit3A_305 = arith.constant 0.000000e+00 : f32
    %broadcast_in_dim3A_306 = vector.broadcast %jit3A_305 : f32 to vector<16x8xf32>
    %select_n3A_307 = arith.select %and3A_304, %convert_element_type3A_128, %broadcast_in_dim3A_306 : vector<16x8xi1>, vector<16x8xf32>
    %reduce_sum3A_308 = vector.shape_cast %select_n3A_307 : vector<16x8xf32> to vector<1x16x8xf32>
    %reduce_sum3A_309 = arith.constant dense<0.000000e+00> : vector<1xf32>
    %reduce_sum3A_310 = vector.multi_reduction <add>, %reduce_sum3A_308, %reduce_sum3A_309 [1, 2] : vector<1x16x8xf32> to vector<1xf32>
    %reduce_sum3A_311 = vector.shape_cast %reduce_sum3A_310 : vector<1xf32> to vector<1x1x1xf32>
    %reduce_sum3A_312 = vector.extract %reduce_sum3A_311[0, 0, 0] : f32 from vector<1x1x1xf32>
    %jit3A_313 = arith.constant 0.000000e+00 : f32
    %broadcast_in_dim3A_314 = vector.broadcast %jit3A_313 : f32 to vector<16x8xf32>
    %select_n3A_315 = arith.select %and3A_304, %convert_element_type3A_130, %broadcast_in_dim3A_314 : vector<16x8xi1>, vector<16x8xf32>
    %reduce_sum3A_316 = vector.shape_cast %select_n3A_315 : vector<16x8xf32> to vector<1x16x8xf32>
    %reduce_sum3A_317 = arith.constant dense<0.000000e+00> : vector<1xf32>
    %reduce_sum3A_318 = vector.multi_reduction <add>, %reduce_sum3A_316, %reduce_sum3A_317 [1, 2] : vector<1x16x8xf32> to vector<1xf32>
    %reduce_sum3A_319 = vector.shape_cast %reduce_sum3A_318 : vector<1xf32> to vector<1x1x1xf32>
    %reduce_sum3A_320 = vector.extract %reduce_sum3A_319[0, 0, 0] : f32 from vector<1x1x1xf32>
    %eq3A_321 = arith.constant 4.000000e+00 : f32
    %eq3A_322 = vector.broadcast %eq3A_321 : f32 to vector<1x24xf32>
    %eq3A_323 = arith.cmpf oeq, %convert_element_type3A_137, %eq3A_322 : vector<1x24xf32>
    %jit3A_324 = arith.constant 0.000000e+00 : f32
    %broadcast_in_dim3A_325 = vector.broadcast %reduce_sum3A_312 : f32 to vector<1x24xf32>
    %broadcast_in_dim3A_326 = vector.broadcast %jit3A_324 : f32 to vector<1x24xf32>
    %select_n3A_327 = arith.select %eq3A_323, %broadcast_in_dim3A_325, %broadcast_in_dim3A_326 : vector<1x24xi1>, vector<1x24xf32>
    %add3A_328 = arith.addf %add3A_289, %select_n3A_327 : vector<1x24xf32>
    %eq3A_329 = arith.constant 4.000000e+00 : f32
    %eq3A_330 = vector.broadcast %eq3A_329 : f32 to vector<1x24xf32>
    %eq3A_331 = arith.cmpf oeq, %convert_element_type3A_137, %eq3A_330 : vector<1x24xf32>
    %jit3A_332 = arith.constant 0.000000e+00 : f32
    %broadcast_in_dim3A_333 = vector.broadcast %reduce_sum3A_320 : f32 to vector<1x24xf32>
    %broadcast_in_dim3A_334 = vector.broadcast %jit3A_332 : f32 to vector<1x24xf32>
    %select_n3A_335 = arith.select %eq3A_331, %broadcast_in_dim3A_333, %broadcast_in_dim3A_334 : vector<1x24xi1>, vector<1x24xf32>
    %add3A_336 = arith.addf %add3A_297, %select_n3A_335 : vector<1x24xf32>
    %eq3A_337 = arith.constant 5.000000e+00 : f32
    %eq3A_338 = vector.broadcast %eq3A_337 : f32 to vector<16x8xf32>
    %eq3A_339 = arith.cmpf oeq, %add3A_126, %eq3A_338 : vector<16x8xf32>
    %gt3A_340 = arith.constant 0.000000e+00 : f32
    %gt3A_341 = vector.broadcast %gt3A_340 : f32 to vector<16x8xf32>
    %gt3A_342 = arith.cmpf ogt, %convert_element_type3A_112, %gt3A_341 : vector<16x8xf32>
    %and3A_343 = arith.andi %eq3A_339, %gt3A_342 : vector<16x8xi1>
    %jit3A_344 = arith.constant 0.000000e+00 : f32
    %broadcast_in_dim3A_345 = vector.broadcast %jit3A_344 : f32 to vector<16x8xf32>
    %select_n3A_346 = arith.select %and3A_343, %convert_element_type3A_128, %broadcast_in_dim3A_345 : vector<16x8xi1>, vector<16x8xf32>
    %reduce_sum3A_347 = vector.shape_cast %select_n3A_346 : vector<16x8xf32> to vector<1x16x8xf32>
    %reduce_sum3A_348 = arith.constant dense<0.000000e+00> : vector<1xf32>
    %reduce_sum3A_349 = vector.multi_reduction <add>, %reduce_sum3A_347, %reduce_sum3A_348 [1, 2] : vector<1x16x8xf32> to vector<1xf32>
    %reduce_sum3A_350 = vector.shape_cast %reduce_sum3A_349 : vector<1xf32> to vector<1x1x1xf32>
    %reduce_sum3A_351 = vector.extract %reduce_sum3A_350[0, 0, 0] : f32 from vector<1x1x1xf32>
    %jit3A_352 = arith.constant 0.000000e+00 : f32
    %broadcast_in_dim3A_353 = vector.broadcast %jit3A_352 : f32 to vector<16x8xf32>
    %select_n3A_354 = arith.select %and3A_343, %convert_element_type3A_130, %broadcast_in_dim3A_353 : vector<16x8xi1>, vector<16x8xf32>
    %reduce_sum3A_355 = vector.shape_cast %select_n3A_354 : vector<16x8xf32> to vector<1x16x8xf32>
    %reduce_sum3A_356 = arith.constant dense<0.000000e+00> : vector<1xf32>
    %reduce_sum3A_357 = vector.multi_reduction <add>, %reduce_sum3A_355, %reduce_sum3A_356 [1, 2] : vector<1x16x8xf32> to vector<1xf32>
    %reduce_sum3A_358 = vector.shape_cast %reduce_sum3A_357 : vector<1xf32> to vector<1x1x1xf32>
    %reduce_sum3A_359 = vector.extract %reduce_sum3A_358[0, 0, 0] : f32 from vector<1x1x1xf32>
    %eq3A_360 = arith.constant 5.000000e+00 : f32
    %eq3A_361 = vector.broadcast %eq3A_360 : f32 to vector<1x24xf32>
    %eq3A_362 = arith.cmpf oeq, %convert_element_type3A_137, %eq3A_361 : vector<1x24xf32>
    %jit3A_363 = arith.constant 0.000000e+00 : f32
    %broadcast_in_dim3A_364 = vector.broadcast %reduce_sum3A_351 : f32 to vector<1x24xf32>
    %broadcast_in_dim3A_365 = vector.broadcast %jit3A_363 : f32 to vector<1x24xf32>
    %select_n3A_366 = arith.select %eq3A_362, %broadcast_in_dim3A_364, %broadcast_in_dim3A_365 : vector<1x24xi1>, vector<1x24xf32>
    %add3A_367 = arith.addf %add3A_328, %select_n3A_366 : vector<1x24xf32>
    %eq3A_368 = arith.constant 5.000000e+00 : f32
    %eq3A_369 = vector.broadcast %eq3A_368 : f32 to vector<1x24xf32>
    %eq3A_370 = arith.cmpf oeq, %convert_element_type3A_137, %eq3A_369 : vector<1x24xf32>
    %jit3A_371 = arith.constant 0.000000e+00 : f32
    %broadcast_in_dim3A_372 = vector.broadcast %reduce_sum3A_359 : f32 to vector<1x24xf32>
    %broadcast_in_dim3A_373 = vector.broadcast %jit3A_371 : f32 to vector<1x24xf32>
    %select_n3A_374 = arith.select %eq3A_370, %broadcast_in_dim3A_372, %broadcast_in_dim3A_373 : vector<1x24xi1>, vector<1x24xf32>
    %add3A_375 = arith.addf %add3A_336, %select_n3A_374 : vector<1x24xf32>
    %eq3A_376 = arith.constant 6.000000e+00 : f32
    %eq3A_377 = vector.broadcast %eq3A_376 : f32 to vector<16x8xf32>
    %eq3A_378 = arith.cmpf oeq, %add3A_126, %eq3A_377 : vector<16x8xf32>
    %gt3A_379 = arith.constant 0.000000e+00 : f32
    %gt3A_380 = vector.broadcast %gt3A_379 : f32 to vector<16x8xf32>
    %gt3A_381 = arith.cmpf ogt, %convert_element_type3A_112, %gt3A_380 : vector<16x8xf32>
    %and3A_382 = arith.andi %eq3A_378, %gt3A_381 : vector<16x8xi1>
    %jit3A_383 = arith.constant 0.000000e+00 : f32
    %broadcast_in_dim3A_384 = vector.broadcast %jit3A_383 : f32 to vector<16x8xf32>
    %select_n3A_385 = arith.select %and3A_382, %convert_element_type3A_128, %broadcast_in_dim3A_384 : vector<16x8xi1>, vector<16x8xf32>
    %reduce_sum3A_386 = vector.shape_cast %select_n3A_385 : vector<16x8xf32> to vector<1x16x8xf32>
    %reduce_sum3A_387 = arith.constant dense<0.000000e+00> : vector<1xf32>
    %reduce_sum3A_388 = vector.multi_reduction <add>, %reduce_sum3A_386, %reduce_sum3A_387 [1, 2] : vector<1x16x8xf32> to vector<1xf32>
    %reduce_sum3A_389 = vector.shape_cast %reduce_sum3A_388 : vector<1xf32> to vector<1x1x1xf32>
    %reduce_sum3A_390 = vector.extract %reduce_sum3A_389[0, 0, 0] : f32 from vector<1x1x1xf32>
    %jit3A_391 = arith.constant 0.000000e+00 : f32
    %broadcast_in_dim3A_392 = vector.broadcast %jit3A_391 : f32 to vector<16x8xf32>
    %select_n3A_393 = arith.select %and3A_382, %convert_element_type3A_130, %broadcast_in_dim3A_392 : vector<16x8xi1>, vector<16x8xf32>
    %reduce_sum3A_394 = vector.shape_cast %select_n3A_393 : vector<16x8xf32> to vector<1x16x8xf32>
    %reduce_sum3A_395 = arith.constant dense<0.000000e+00> : vector<1xf32>
    %reduce_sum3A_396 = vector.multi_reduction <add>, %reduce_sum3A_394, %reduce_sum3A_395 [1, 2] : vector<1x16x8xf32> to vector<1xf32>
    %reduce_sum3A_397 = vector.shape_cast %reduce_sum3A_396 : vector<1xf32> to vector<1x1x1xf32>
    %reduce_sum3A_398 = vector.extract %reduce_sum3A_397[0, 0, 0] : f32 from vector<1x1x1xf32>
    %eq3A_399 = arith.constant 6.000000e+00 : f32
    %eq3A_400 = vector.broadcast %eq3A_399 : f32 to vector<1x24xf32>
    %eq3A_401 = arith.cmpf oeq, %convert_element_type3A_137, %eq3A_400 : vector<1x24xf32>
    %jit3A_402 = arith.constant 0.000000e+00 : f32
    %broadcast_in_dim3A_403 = vector.broadcast %reduce_sum3A_390 : f32 to vector<1x24xf32>
    %broadcast_in_dim3A_404 = vector.broadcast %jit3A_402 : f32 to vector<1x24xf32>
    %select_n3A_405 = arith.select %eq3A_401, %broadcast_in_dim3A_403, %broadcast_in_dim3A_404 : vector<1x24xi1>, vector<1x24xf32>
    %add3A_406 = arith.addf %add3A_367, %select_n3A_405 : vector<1x24xf32>
    %eq3A_407 = arith.constant 6.000000e+00 : f32
    %eq3A_408 = vector.broadcast %eq3A_407 : f32 to vector<1x24xf32>
    %eq3A_409 = arith.cmpf oeq, %convert_element_type3A_137, %eq3A_408 : vector<1x24xf32>
    %jit3A_410 = arith.constant 0.000000e+00 : f32
    %broadcast_in_dim3A_411 = vector.broadcast %reduce_sum3A_398 : f32 to vector<1x24xf32>
    %broadcast_in_dim3A_412 = vector.broadcast %jit3A_410 : f32 to vector<1x24xf32>
    %select_n3A_413 = arith.select %eq3A_409, %broadcast_in_dim3A_411, %broadcast_in_dim3A_412 : vector<1x24xi1>, vector<1x24xf32>
    %add3A_414 = arith.addf %add3A_375, %select_n3A_413 : vector<1x24xf32>
    %eq3A_415 = arith.constant 7.000000e+00 : f32
    %eq3A_416 = vector.broadcast %eq3A_415 : f32 to vector<16x8xf32>
    %eq3A_417 = arith.cmpf oeq, %add3A_126, %eq3A_416 : vector<16x8xf32>
    %gt3A_418 = arith.constant 0.000000e+00 : f32
    %gt3A_419 = vector.broadcast %gt3A_418 : f32 to vector<16x8xf32>
    %gt3A_420 = arith.cmpf ogt, %convert_element_type3A_112, %gt3A_419 : vector<16x8xf32>
    %and3A_421 = arith.andi %eq3A_417, %gt3A_420 : vector<16x8xi1>
    %jit3A_422 = arith.constant 0.000000e+00 : f32
    %broadcast_in_dim3A_423 = vector.broadcast %jit3A_422 : f32 to vector<16x8xf32>
    %select_n3A_424 = arith.select %and3A_421, %convert_element_type3A_128, %broadcast_in_dim3A_423 : vector<16x8xi1>, vector<16x8xf32>
    %reduce_sum3A_425 = vector.shape_cast %select_n3A_424 : vector<16x8xf32> to vector<1x16x8xf32>
    %reduce_sum3A_426 = arith.constant dense<0.000000e+00> : vector<1xf32>
    %reduce_sum3A_427 = vector.multi_reduction <add>, %reduce_sum3A_425, %reduce_sum3A_426 [1, 2] : vector<1x16x8xf32> to vector<1xf32>
    %reduce_sum3A_428 = vector.shape_cast %reduce_sum3A_427 : vector<1xf32> to vector<1x1x1xf32>
    %reduce_sum3A_429 = vector.extract %reduce_sum3A_428[0, 0, 0] : f32 from vector<1x1x1xf32>
    %jit3A_430 = arith.constant 0.000000e+00 : f32
    %broadcast_in_dim3A_431 = vector.broadcast %jit3A_430 : f32 to vector<16x8xf32>
    %select_n3A_432 = arith.select %and3A_421, %convert_element_type3A_130, %broadcast_in_dim3A_431 : vector<16x8xi1>, vector<16x8xf32>
    %reduce_sum3A_433 = vector.shape_cast %select_n3A_432 : vector<16x8xf32> to vector<1x16x8xf32>
    %reduce_sum3A_434 = arith.constant dense<0.000000e+00> : vector<1xf32>
    %reduce_sum3A_435 = vector.multi_reduction <add>, %reduce_sum3A_433, %reduce_sum3A_434 [1, 2] : vector<1x16x8xf32> to vector<1xf32>
    %reduce_sum3A_436 = vector.shape_cast %reduce_sum3A_435 : vector<1xf32> to vector<1x1x1xf32>
    %reduce_sum3A_437 = vector.extract %reduce_sum3A_436[0, 0, 0] : f32 from vector<1x1x1xf32>
    %eq3A_438 = arith.constant 7.000000e+00 : f32
    %eq3A_439 = vector.broadcast %eq3A_438 : f32 to vector<1x24xf32>
    %eq3A_440 = arith.cmpf oeq, %convert_element_type3A_137, %eq3A_439 : vector<1x24xf32>
    %jit3A_441 = arith.constant 0.000000e+00 : f32
    %broadcast_in_dim3A_442 = vector.broadcast %reduce_sum3A_429 : f32 to vector<1x24xf32>
    %broadcast_in_dim3A_443 = vector.broadcast %jit3A_441 : f32 to vector<1x24xf32>
    %select_n3A_444 = arith.select %eq3A_440, %broadcast_in_dim3A_442, %broadcast_in_dim3A_443 : vector<1x24xi1>, vector<1x24xf32>
    %add3A_445 = arith.addf %add3A_406, %select_n3A_444 : vector<1x24xf32>
    %eq3A_446 = arith.constant 7.000000e+00 : f32
    %eq3A_447 = vector.broadcast %eq3A_446 : f32 to vector<1x24xf32>
    %eq3A_448 = arith.cmpf oeq, %convert_element_type3A_137, %eq3A_447 : vector<1x24xf32>
    %jit3A_449 = arith.constant 0.000000e+00 : f32
    %broadcast_in_dim3A_450 = vector.broadcast %reduce_sum3A_437 : f32 to vector<1x24xf32>
    %broadcast_in_dim3A_451 = vector.broadcast %jit3A_449 : f32 to vector<1x24xf32>
    %select_n3A_452 = arith.select %eq3A_448, %broadcast_in_dim3A_450, %broadcast_in_dim3A_451 : vector<1x24xi1>, vector<1x24xf32>
    %add3A_453 = arith.addf %add3A_414, %select_n3A_452 : vector<1x24xf32>
    %eq3A_454 = arith.constant 8.000000e+00 : f32
    %eq3A_455 = vector.broadcast %eq3A_454 : f32 to vector<16x8xf32>
    %eq3A_456 = arith.cmpf oeq, %add3A_126, %eq3A_455 : vector<16x8xf32>
    %gt3A_457 = arith.constant 0.000000e+00 : f32
    %gt3A_458 = vector.broadcast %gt3A_457 : f32 to vector<16x8xf32>
    %gt3A_459 = arith.cmpf ogt, %convert_element_type3A_112, %gt3A_458 : vector<16x8xf32>
    %and3A_460 = arith.andi %eq3A_456, %gt3A_459 : vector<16x8xi1>
    %jit3A_461 = arith.constant 0.000000e+00 : f32
    %broadcast_in_dim3A_462 = vector.broadcast %jit3A_461 : f32 to vector<16x8xf32>
    %select_n3A_463 = arith.select %and3A_460, %convert_element_type3A_128, %broadcast_in_dim3A_462 : vector<16x8xi1>, vector<16x8xf32>
    %reduce_sum3A_464 = vector.shape_cast %select_n3A_463 : vector<16x8xf32> to vector<1x16x8xf32>
    %reduce_sum3A_465 = arith.constant dense<0.000000e+00> : vector<1xf32>
    %reduce_sum3A_466 = vector.multi_reduction <add>, %reduce_sum3A_464, %reduce_sum3A_465 [1, 2] : vector<1x16x8xf32> to vector<1xf32>
    %reduce_sum3A_467 = vector.shape_cast %reduce_sum3A_466 : vector<1xf32> to vector<1x1x1xf32>
    %reduce_sum3A_468 = vector.extract %reduce_sum3A_467[0, 0, 0] : f32 from vector<1x1x1xf32>
    %jit3A_469 = arith.constant 0.000000e+00 : f32
    %broadcast_in_dim3A_470 = vector.broadcast %jit3A_469 : f32 to vector<16x8xf32>
    %select_n3A_471 = arith.select %and3A_460, %convert_element_type3A_130, %broadcast_in_dim3A_470 : vector<16x8xi1>, vector<16x8xf32>
    %reduce_sum3A_472 = vector.shape_cast %select_n3A_471 : vector<16x8xf32> to vector<1x16x8xf32>
    %reduce_sum3A_473 = arith.constant dense<0.000000e+00> : vector<1xf32>
    %reduce_sum3A_474 = vector.multi_reduction <add>, %reduce_sum3A_472, %reduce_sum3A_473 [1, 2] : vector<1x16x8xf32> to vector<1xf32>
    %reduce_sum3A_475 = vector.shape_cast %reduce_sum3A_474 : vector<1xf32> to vector<1x1x1xf32>
    %reduce_sum3A_476 = vector.extract %reduce_sum3A_475[0, 0, 0] : f32 from vector<1x1x1xf32>
    %eq3A_477 = arith.constant 8.000000e+00 : f32
    %eq3A_478 = vector.broadcast %eq3A_477 : f32 to vector<1x24xf32>
    %eq3A_479 = arith.cmpf oeq, %convert_element_type3A_137, %eq3A_478 : vector<1x24xf32>
    %jit3A_480 = arith.constant 0.000000e+00 : f32
    %broadcast_in_dim3A_481 = vector.broadcast %reduce_sum3A_468 : f32 to vector<1x24xf32>
    %broadcast_in_dim3A_482 = vector.broadcast %jit3A_480 : f32 to vector<1x24xf32>
    %select_n3A_483 = arith.select %eq3A_479, %broadcast_in_dim3A_481, %broadcast_in_dim3A_482 : vector<1x24xi1>, vector<1x24xf32>
    %add3A_484 = arith.addf %add3A_445, %select_n3A_483 : vector<1x24xf32>
    %eq3A_485 = arith.constant 8.000000e+00 : f32
    %eq3A_486 = vector.broadcast %eq3A_485 : f32 to vector<1x24xf32>
    %eq3A_487 = arith.cmpf oeq, %convert_element_type3A_137, %eq3A_486 : vector<1x24xf32>
    %jit3A_488 = arith.constant 0.000000e+00 : f32
    %broadcast_in_dim3A_489 = vector.broadcast %reduce_sum3A_476 : f32 to vector<1x24xf32>
    %broadcast_in_dim3A_490 = vector.broadcast %jit3A_488 : f32 to vector<1x24xf32>
    %select_n3A_491 = arith.select %eq3A_487, %broadcast_in_dim3A_489, %broadcast_in_dim3A_490 : vector<1x24xi1>, vector<1x24xf32>
    %add3A_492 = arith.addf %add3A_453, %select_n3A_491 : vector<1x24xf32>
    %eq3A_493 = arith.constant 9.000000e+00 : f32
    %eq3A_494 = vector.broadcast %eq3A_493 : f32 to vector<16x8xf32>
    %eq3A_495 = arith.cmpf oeq, %add3A_126, %eq3A_494 : vector<16x8xf32>
    %gt3A_496 = arith.constant 0.000000e+00 : f32
    %gt3A_497 = vector.broadcast %gt3A_496 : f32 to vector<16x8xf32>
    %gt3A_498 = arith.cmpf ogt, %convert_element_type3A_112, %gt3A_497 : vector<16x8xf32>
    %and3A_499 = arith.andi %eq3A_495, %gt3A_498 : vector<16x8xi1>
    %jit3A_500 = arith.constant 0.000000e+00 : f32
    %broadcast_in_dim3A_501 = vector.broadcast %jit3A_500 : f32 to vector<16x8xf32>
    %select_n3A_502 = arith.select %and3A_499, %convert_element_type3A_128, %broadcast_in_dim3A_501 : vector<16x8xi1>, vector<16x8xf32>
    %reduce_sum3A_503 = vector.shape_cast %select_n3A_502 : vector<16x8xf32> to vector<1x16x8xf32>
    %reduce_sum3A_504 = arith.constant dense<0.000000e+00> : vector<1xf32>
    %reduce_sum3A_505 = vector.multi_reduction <add>, %reduce_sum3A_503, %reduce_sum3A_504 [1, 2] : vector<1x16x8xf32> to vector<1xf32>
    %reduce_sum3A_506 = vector.shape_cast %reduce_sum3A_505 : vector<1xf32> to vector<1x1x1xf32>
    %reduce_sum3A_507 = vector.extract %reduce_sum3A_506[0, 0, 0] : f32 from vector<1x1x1xf32>
    %jit3A_508 = arith.constant 0.000000e+00 : f32
    %broadcast_in_dim3A_509 = vector.broadcast %jit3A_508 : f32 to vector<16x8xf32>
    %select_n3A_510 = arith.select %and3A_499, %convert_element_type3A_130, %broadcast_in_dim3A_509 : vector<16x8xi1>, vector<16x8xf32>
    %reduce_sum3A_511 = vector.shape_cast %select_n3A_510 : vector<16x8xf32> to vector<1x16x8xf32>
    %reduce_sum3A_512 = arith.constant dense<0.000000e+00> : vector<1xf32>
    %reduce_sum3A_513 = vector.multi_reduction <add>, %reduce_sum3A_511, %reduce_sum3A_512 [1, 2] : vector<1x16x8xf32> to vector<1xf32>
    %reduce_sum3A_514 = vector.shape_cast %reduce_sum3A_513 : vector<1xf32> to vector<1x1x1xf32>
    %reduce_sum3A_515 = vector.extract %reduce_sum3A_514[0, 0, 0] : f32 from vector<1x1x1xf32>
    %eq3A_516 = arith.constant 9.000000e+00 : f32
    %eq3A_517 = vector.broadcast %eq3A_516 : f32 to vector<1x24xf32>
    %eq3A_518 = arith.cmpf oeq, %convert_element_type3A_137, %eq3A_517 : vector<1x24xf32>
    %jit3A_519 = arith.constant 0.000000e+00 : f32
    %broadcast_in_dim3A_520 = vector.broadcast %reduce_sum3A_507 : f32 to vector<1x24xf32>
    %broadcast_in_dim3A_521 = vector.broadcast %jit3A_519 : f32 to vector<1x24xf32>
    %select_n3A_522 = arith.select %eq3A_518, %broadcast_in_dim3A_520, %broadcast_in_dim3A_521 : vector<1x24xi1>, vector<1x24xf32>
    %add3A_523 = arith.addf %add3A_484, %select_n3A_522 : vector<1x24xf32>
    %eq3A_524 = arith.constant 9.000000e+00 : f32
    %eq3A_525 = vector.broadcast %eq3A_524 : f32 to vector<1x24xf32>
    %eq3A_526 = arith.cmpf oeq, %convert_element_type3A_137, %eq3A_525 : vector<1x24xf32>
    %jit3A_527 = arith.constant 0.000000e+00 : f32
    %broadcast_in_dim3A_528 = vector.broadcast %reduce_sum3A_515 : f32 to vector<1x24xf32>
    %broadcast_in_dim3A_529 = vector.broadcast %jit3A_527 : f32 to vector<1x24xf32>
    %select_n3A_530 = arith.select %eq3A_526, %broadcast_in_dim3A_528, %broadcast_in_dim3A_529 : vector<1x24xi1>, vector<1x24xf32>
    %add3A_531 = arith.addf %add3A_492, %select_n3A_530 : vector<1x24xf32>
    %eq3A_532 = arith.constant 1.000000e+01 : f32
    %eq3A_533 = vector.broadcast %eq3A_532 : f32 to vector<16x8xf32>
    %eq3A_534 = arith.cmpf oeq, %add3A_126, %eq3A_533 : vector<16x8xf32>
    %gt3A_535 = arith.constant 0.000000e+00 : f32
    %gt3A_536 = vector.broadcast %gt3A_535 : f32 to vector<16x8xf32>
    %gt3A_537 = arith.cmpf ogt, %convert_element_type3A_112, %gt3A_536 : vector<16x8xf32>
    %and3A_538 = arith.andi %eq3A_534, %gt3A_537 : vector<16x8xi1>
    %jit3A_539 = arith.constant 0.000000e+00 : f32
    %broadcast_in_dim3A_540 = vector.broadcast %jit3A_539 : f32 to vector<16x8xf32>
    %select_n3A_541 = arith.select %and3A_538, %convert_element_type3A_128, %broadcast_in_dim3A_540 : vector<16x8xi1>, vector<16x8xf32>
    %reduce_sum3A_542 = vector.shape_cast %select_n3A_541 : vector<16x8xf32> to vector<1x16x8xf32>
    %reduce_sum3A_543 = arith.constant dense<0.000000e+00> : vector<1xf32>
    %reduce_sum3A_544 = vector.multi_reduction <add>, %reduce_sum3A_542, %reduce_sum3A_543 [1, 2] : vector<1x16x8xf32> to vector<1xf32>
    %reduce_sum3A_545 = vector.shape_cast %reduce_sum3A_544 : vector<1xf32> to vector<1x1x1xf32>
    %reduce_sum3A_546 = vector.extract %reduce_sum3A_545[0, 0, 0] : f32 from vector<1x1x1xf32>
    %jit3A_547 = arith.constant 0.000000e+00 : f32
    %broadcast_in_dim3A_548 = vector.broadcast %jit3A_547 : f32 to vector<16x8xf32>
    %select_n3A_549 = arith.select %and3A_538, %convert_element_type3A_130, %broadcast_in_dim3A_548 : vector<16x8xi1>, vector<16x8xf32>
    %reduce_sum3A_550 = vector.shape_cast %select_n3A_549 : vector<16x8xf32> to vector<1x16x8xf32>
    %reduce_sum3A_551 = arith.constant dense<0.000000e+00> : vector<1xf32>
    %reduce_sum3A_552 = vector.multi_reduction <add>, %reduce_sum3A_550, %reduce_sum3A_551 [1, 2] : vector<1x16x8xf32> to vector<1xf32>
    %reduce_sum3A_553 = vector.shape_cast %reduce_sum3A_552 : vector<1xf32> to vector<1x1x1xf32>
    %reduce_sum3A_554 = vector.extract %reduce_sum3A_553[0, 0, 0] : f32 from vector<1x1x1xf32>
    %eq3A_555 = arith.constant 1.000000e+01 : f32
    %eq3A_556 = vector.broadcast %eq3A_555 : f32 to vector<1x24xf32>
    %eq3A_557 = arith.cmpf oeq, %convert_element_type3A_137, %eq3A_556 : vector<1x24xf32>
    %jit3A_558 = arith.constant 0.000000e+00 : f32
    %broadcast_in_dim3A_559 = vector.broadcast %reduce_sum3A_546 : f32 to vector<1x24xf32>
    %broadcast_in_dim3A_560 = vector.broadcast %jit3A_558 : f32 to vector<1x24xf32>
    %select_n3A_561 = arith.select %eq3A_557, %broadcast_in_dim3A_559, %broadcast_in_dim3A_560 : vector<1x24xi1>, vector<1x24xf32>
    %add3A_562 = arith.addf %add3A_523, %select_n3A_561 : vector<1x24xf32>
    %eq3A_563 = arith.constant 1.000000e+01 : f32
    %eq3A_564 = vector.broadcast %eq3A_563 : f32 to vector<1x24xf32>
    %eq3A_565 = arith.cmpf oeq, %convert_element_type3A_137, %eq3A_564 : vector<1x24xf32>
    %jit3A_566 = arith.constant 0.000000e+00 : f32
    %broadcast_in_dim3A_567 = vector.broadcast %reduce_sum3A_554 : f32 to vector<1x24xf32>
    %broadcast_in_dim3A_568 = vector.broadcast %jit3A_566 : f32 to vector<1x24xf32>
    %select_n3A_569 = arith.select %eq3A_565, %broadcast_in_dim3A_567, %broadcast_in_dim3A_568 : vector<1x24xi1>, vector<1x24xf32>
    %add3A_570 = arith.addf %add3A_531, %select_n3A_569 : vector<1x24xf32>
    %eq3A_571 = arith.constant 1.100000e+01 : f32
    %eq3A_572 = vector.broadcast %eq3A_571 : f32 to vector<16x8xf32>
    %eq3A_573 = arith.cmpf oeq, %add3A_126, %eq3A_572 : vector<16x8xf32>
    %gt3A_574 = arith.constant 0.000000e+00 : f32
    %gt3A_575 = vector.broadcast %gt3A_574 : f32 to vector<16x8xf32>
    %gt3A_576 = arith.cmpf ogt, %convert_element_type3A_112, %gt3A_575 : vector<16x8xf32>
    %and3A_577 = arith.andi %eq3A_573, %gt3A_576 : vector<16x8xi1>
    %jit3A_578 = arith.constant 0.000000e+00 : f32
    %broadcast_in_dim3A_579 = vector.broadcast %jit3A_578 : f32 to vector<16x8xf32>
    %select_n3A_580 = arith.select %and3A_577, %convert_element_type3A_128, %broadcast_in_dim3A_579 : vector<16x8xi1>, vector<16x8xf32>
    %reduce_sum3A_581 = vector.shape_cast %select_n3A_580 : vector<16x8xf32> to vector<1x16x8xf32>
    %reduce_sum3A_582 = arith.constant dense<0.000000e+00> : vector<1xf32>
    %reduce_sum3A_583 = vector.multi_reduction <add>, %reduce_sum3A_581, %reduce_sum3A_582 [1, 2] : vector<1x16x8xf32> to vector<1xf32>
    %reduce_sum3A_584 = vector.shape_cast %reduce_sum3A_583 : vector<1xf32> to vector<1x1x1xf32>
    %reduce_sum3A_585 = vector.extract %reduce_sum3A_584[0, 0, 0] : f32 from vector<1x1x1xf32>
    %jit3A_586 = arith.constant 0.000000e+00 : f32
    %broadcast_in_dim3A_587 = vector.broadcast %jit3A_586 : f32 to vector<16x8xf32>
    %select_n3A_588 = arith.select %and3A_577, %convert_element_type3A_130, %broadcast_in_dim3A_587 : vector<16x8xi1>, vector<16x8xf32>
    %reduce_sum3A_589 = vector.shape_cast %select_n3A_588 : vector<16x8xf32> to vector<1x16x8xf32>
    %reduce_sum3A_590 = arith.constant dense<0.000000e+00> : vector<1xf32>
    %reduce_sum3A_591 = vector.multi_reduction <add>, %reduce_sum3A_589, %reduce_sum3A_590 [1, 2] : vector<1x16x8xf32> to vector<1xf32>
    %reduce_sum3A_592 = vector.shape_cast %reduce_sum3A_591 : vector<1xf32> to vector<1x1x1xf32>
    %reduce_sum3A_593 = vector.extract %reduce_sum3A_592[0, 0, 0] : f32 from vector<1x1x1xf32>
    %eq3A_594 = arith.constant 1.100000e+01 : f32
    %eq3A_595 = vector.broadcast %eq3A_594 : f32 to vector<1x24xf32>
    %eq3A_596 = arith.cmpf oeq, %convert_element_type3A_137, %eq3A_595 : vector<1x24xf32>
    %jit3A_597 = arith.constant 0.000000e+00 : f32
    %broadcast_in_dim3A_598 = vector.broadcast %reduce_sum3A_585 : f32 to vector<1x24xf32>
    %broadcast_in_dim3A_599 = vector.broadcast %jit3A_597 : f32 to vector<1x24xf32>
    %select_n3A_600 = arith.select %eq3A_596, %broadcast_in_dim3A_598, %broadcast_in_dim3A_599 : vector<1x24xi1>, vector<1x24xf32>
    %add3A_601 = arith.addf %add3A_562, %select_n3A_600 : vector<1x24xf32>
    %eq3A_602 = arith.constant 1.100000e+01 : f32
    %eq3A_603 = vector.broadcast %eq3A_602 : f32 to vector<1x24xf32>
    %eq3A_604 = arith.cmpf oeq, %convert_element_type3A_137, %eq3A_603 : vector<1x24xf32>
    %jit3A_605 = arith.constant 0.000000e+00 : f32
    %broadcast_in_dim3A_606 = vector.broadcast %reduce_sum3A_593 : f32 to vector<1x24xf32>
    %broadcast_in_dim3A_607 = vector.broadcast %jit3A_605 : f32 to vector<1x24xf32>
    %select_n3A_608 = arith.select %eq3A_604, %broadcast_in_dim3A_606, %broadcast_in_dim3A_607 : vector<1x24xi1>, vector<1x24xf32>
    %add3A_609 = arith.addf %add3A_570, %select_n3A_608 : vector<1x24xf32>
    %eq3A_610 = arith.constant 1.200000e+01 : f32
    %eq3A_611 = vector.broadcast %eq3A_610 : f32 to vector<16x8xf32>
    %eq3A_612 = arith.cmpf oeq, %add3A_126, %eq3A_611 : vector<16x8xf32>
    %gt3A_613 = arith.constant 0.000000e+00 : f32
    %gt3A_614 = vector.broadcast %gt3A_613 : f32 to vector<16x8xf32>
    %gt3A_615 = arith.cmpf ogt, %convert_element_type3A_112, %gt3A_614 : vector<16x8xf32>
    %and3A_616 = arith.andi %eq3A_612, %gt3A_615 : vector<16x8xi1>
    %jit3A_617 = arith.constant 0.000000e+00 : f32
    %broadcast_in_dim3A_618 = vector.broadcast %jit3A_617 : f32 to vector<16x8xf32>
    %select_n3A_619 = arith.select %and3A_616, %convert_element_type3A_128, %broadcast_in_dim3A_618 : vector<16x8xi1>, vector<16x8xf32>
    %reduce_sum3A_620 = vector.shape_cast %select_n3A_619 : vector<16x8xf32> to vector<1x16x8xf32>
    %reduce_sum3A_621 = arith.constant dense<0.000000e+00> : vector<1xf32>
    %reduce_sum3A_622 = vector.multi_reduction <add>, %reduce_sum3A_620, %reduce_sum3A_621 [1, 2] : vector<1x16x8xf32> to vector<1xf32>
    %reduce_sum3A_623 = vector.shape_cast %reduce_sum3A_622 : vector<1xf32> to vector<1x1x1xf32>
    %reduce_sum3A_624 = vector.extract %reduce_sum3A_623[0, 0, 0] : f32 from vector<1x1x1xf32>
    %jit3A_625 = arith.constant 0.000000e+00 : f32
    %broadcast_in_dim3A_626 = vector.broadcast %jit3A_625 : f32 to vector<16x8xf32>
    %select_n3A_627 = arith.select %and3A_616, %convert_element_type3A_130, %broadcast_in_dim3A_626 : vector<16x8xi1>, vector<16x8xf32>
    %reduce_sum3A_628 = vector.shape_cast %select_n3A_627 : vector<16x8xf32> to vector<1x16x8xf32>
    %reduce_sum3A_629 = arith.constant dense<0.000000e+00> : vector<1xf32>
    %reduce_sum3A_630 = vector.multi_reduction <add>, %reduce_sum3A_628, %reduce_sum3A_629 [1, 2] : vector<1x16x8xf32> to vector<1xf32>
    %reduce_sum3A_631 = vector.shape_cast %reduce_sum3A_630 : vector<1xf32> to vector<1x1x1xf32>
    %reduce_sum3A_632 = vector.extract %reduce_sum3A_631[0, 0, 0] : f32 from vector<1x1x1xf32>
    %eq3A_633 = arith.constant 1.200000e+01 : f32
    %eq3A_634 = vector.broadcast %eq3A_633 : f32 to vector<1x24xf32>
    %eq3A_635 = arith.cmpf oeq, %convert_element_type3A_137, %eq3A_634 : vector<1x24xf32>
    %jit3A_636 = arith.constant 0.000000e+00 : f32
    %broadcast_in_dim3A_637 = vector.broadcast %reduce_sum3A_624 : f32 to vector<1x24xf32>
    %broadcast_in_dim3A_638 = vector.broadcast %jit3A_636 : f32 to vector<1x24xf32>
    %select_n3A_639 = arith.select %eq3A_635, %broadcast_in_dim3A_637, %broadcast_in_dim3A_638 : vector<1x24xi1>, vector<1x24xf32>
    %add3A_640 = arith.addf %add3A_601, %select_n3A_639 : vector<1x24xf32>
    %eq3A_641 = arith.constant 1.200000e+01 : f32
    %eq3A_642 = vector.broadcast %eq3A_641 : f32 to vector<1x24xf32>
    %eq3A_643 = arith.cmpf oeq, %convert_element_type3A_137, %eq3A_642 : vector<1x24xf32>
    %jit3A_644 = arith.constant 0.000000e+00 : f32
    %broadcast_in_dim3A_645 = vector.broadcast %reduce_sum3A_632 : f32 to vector<1x24xf32>
    %broadcast_in_dim3A_646 = vector.broadcast %jit3A_644 : f32 to vector<1x24xf32>
    %select_n3A_647 = arith.select %eq3A_643, %broadcast_in_dim3A_645, %broadcast_in_dim3A_646 : vector<1x24xi1>, vector<1x24xf32>
    %add3A_648 = arith.addf %add3A_609, %select_n3A_647 : vector<1x24xf32>
    %eq3A_649 = arith.constant 1.300000e+01 : f32
    %eq3A_650 = vector.broadcast %eq3A_649 : f32 to vector<16x8xf32>
    %eq3A_651 = arith.cmpf oeq, %add3A_126, %eq3A_650 : vector<16x8xf32>
    %gt3A_652 = arith.constant 0.000000e+00 : f32
    %gt3A_653 = vector.broadcast %gt3A_652 : f32 to vector<16x8xf32>
    %gt3A_654 = arith.cmpf ogt, %convert_element_type3A_112, %gt3A_653 : vector<16x8xf32>
    %and3A_655 = arith.andi %eq3A_651, %gt3A_654 : vector<16x8xi1>
    %jit3A_656 = arith.constant 0.000000e+00 : f32
    %broadcast_in_dim3A_657 = vector.broadcast %jit3A_656 : f32 to vector<16x8xf32>
    %select_n3A_658 = arith.select %and3A_655, %convert_element_type3A_128, %broadcast_in_dim3A_657 : vector<16x8xi1>, vector<16x8xf32>
    %reduce_sum3A_659 = vector.shape_cast %select_n3A_658 : vector<16x8xf32> to vector<1x16x8xf32>
    %reduce_sum3A_660 = arith.constant dense<0.000000e+00> : vector<1xf32>
    %reduce_sum3A_661 = vector.multi_reduction <add>, %reduce_sum3A_659, %reduce_sum3A_660 [1, 2] : vector<1x16x8xf32> to vector<1xf32>
    %reduce_sum3A_662 = vector.shape_cast %reduce_sum3A_661 : vector<1xf32> to vector<1x1x1xf32>
    %reduce_sum3A_663 = vector.extract %reduce_sum3A_662[0, 0, 0] : f32 from vector<1x1x1xf32>
    %jit3A_664 = arith.constant 0.000000e+00 : f32
    %broadcast_in_dim3A_665 = vector.broadcast %jit3A_664 : f32 to vector<16x8xf32>
    %select_n3A_666 = arith.select %and3A_655, %convert_element_type3A_130, %broadcast_in_dim3A_665 : vector<16x8xi1>, vector<16x8xf32>
    %reduce_sum3A_667 = vector.shape_cast %select_n3A_666 : vector<16x8xf32> to vector<1x16x8xf32>
    %reduce_sum3A_668 = arith.constant dense<0.000000e+00> : vector<1xf32>
    %reduce_sum3A_669 = vector.multi_reduction <add>, %reduce_sum3A_667, %reduce_sum3A_668 [1, 2] : vector<1x16x8xf32> to vector<1xf32>
    %reduce_sum3A_670 = vector.shape_cast %reduce_sum3A_669 : vector<1xf32> to vector<1x1x1xf32>
    %reduce_sum3A_671 = vector.extract %reduce_sum3A_670[0, 0, 0] : f32 from vector<1x1x1xf32>
    %eq3A_672 = arith.constant 1.300000e+01 : f32
    %eq3A_673 = vector.broadcast %eq3A_672 : f32 to vector<1x24xf32>
    %eq3A_674 = arith.cmpf oeq, %convert_element_type3A_137, %eq3A_673 : vector<1x24xf32>
    %jit3A_675 = arith.constant 0.000000e+00 : f32
    %broadcast_in_dim3A_676 = vector.broadcast %reduce_sum3A_663 : f32 to vector<1x24xf32>
    %broadcast_in_dim3A_677 = vector.broadcast %jit3A_675 : f32 to vector<1x24xf32>
    %select_n3A_678 = arith.select %eq3A_674, %broadcast_in_dim3A_676, %broadcast_in_dim3A_677 : vector<1x24xi1>, vector<1x24xf32>
    %add3A_679 = arith.addf %add3A_640, %select_n3A_678 : vector<1x24xf32>
    %eq3A_680 = arith.constant 1.300000e+01 : f32
    %eq3A_681 = vector.broadcast %eq3A_680 : f32 to vector<1x24xf32>
    %eq3A_682 = arith.cmpf oeq, %convert_element_type3A_137, %eq3A_681 : vector<1x24xf32>
    %jit3A_683 = arith.constant 0.000000e+00 : f32
    %broadcast_in_dim3A_684 = vector.broadcast %reduce_sum3A_671 : f32 to vector<1x24xf32>
    %broadcast_in_dim3A_685 = vector.broadcast %jit3A_683 : f32 to vector<1x24xf32>
    %select_n3A_686 = arith.select %eq3A_682, %broadcast_in_dim3A_684, %broadcast_in_dim3A_685 : vector<1x24xi1>, vector<1x24xf32>
    %add3A_687 = arith.addf %add3A_648, %select_n3A_686 : vector<1x24xf32>
    %eq3A_688 = arith.constant 1.400000e+01 : f32
    %eq3A_689 = vector.broadcast %eq3A_688 : f32 to vector<16x8xf32>
    %eq3A_690 = arith.cmpf oeq, %add3A_126, %eq3A_689 : vector<16x8xf32>
    %gt3A_691 = arith.constant 0.000000e+00 : f32
    %gt3A_692 = vector.broadcast %gt3A_691 : f32 to vector<16x8xf32>
    %gt3A_693 = arith.cmpf ogt, %convert_element_type3A_112, %gt3A_692 : vector<16x8xf32>
    %and3A_694 = arith.andi %eq3A_690, %gt3A_693 : vector<16x8xi1>
    %jit3A_695 = arith.constant 0.000000e+00 : f32
    %broadcast_in_dim3A_696 = vector.broadcast %jit3A_695 : f32 to vector<16x8xf32>
    %select_n3A_697 = arith.select %and3A_694, %convert_element_type3A_128, %broadcast_in_dim3A_696 : vector<16x8xi1>, vector<16x8xf32>
    %reduce_sum3A_698 = vector.shape_cast %select_n3A_697 : vector<16x8xf32> to vector<1x16x8xf32>
    %reduce_sum3A_699 = arith.constant dense<0.000000e+00> : vector<1xf32>
    %reduce_sum3A_700 = vector.multi_reduction <add>, %reduce_sum3A_698, %reduce_sum3A_699 [1, 2] : vector<1x16x8xf32> to vector<1xf32>
    %reduce_sum3A_701 = vector.shape_cast %reduce_sum3A_700 : vector<1xf32> to vector<1x1x1xf32>
    %reduce_sum3A_702 = vector.extract %reduce_sum3A_701[0, 0, 0] : f32 from vector<1x1x1xf32>
    %jit3A_703 = arith.constant 0.000000e+00 : f32
    %broadcast_in_dim3A_704 = vector.broadcast %jit3A_703 : f32 to vector<16x8xf32>
    %select_n3A_705 = arith.select %and3A_694, %convert_element_type3A_130, %broadcast_in_dim3A_704 : vector<16x8xi1>, vector<16x8xf32>
    %reduce_sum3A_706 = vector.shape_cast %select_n3A_705 : vector<16x8xf32> to vector<1x16x8xf32>
    %reduce_sum3A_707 = arith.constant dense<0.000000e+00> : vector<1xf32>
    %reduce_sum3A_708 = vector.multi_reduction <add>, %reduce_sum3A_706, %reduce_sum3A_707 [1, 2] : vector<1x16x8xf32> to vector<1xf32>
    %reduce_sum3A_709 = vector.shape_cast %reduce_sum3A_708 : vector<1xf32> to vector<1x1x1xf32>
    %reduce_sum3A_710 = vector.extract %reduce_sum3A_709[0, 0, 0] : f32 from vector<1x1x1xf32>
    %eq3A_711 = arith.constant 1.400000e+01 : f32
    %eq3A_712 = vector.broadcast %eq3A_711 : f32 to vector<1x24xf32>
    %eq3A_713 = arith.cmpf oeq, %convert_element_type3A_137, %eq3A_712 : vector<1x24xf32>
    %jit3A_714 = arith.constant 0.000000e+00 : f32
    %broadcast_in_dim3A_715 = vector.broadcast %reduce_sum3A_702 : f32 to vector<1x24xf32>
    %broadcast_in_dim3A_716 = vector.broadcast %jit3A_714 : f32 to vector<1x24xf32>
    %select_n3A_717 = arith.select %eq3A_713, %broadcast_in_dim3A_715, %broadcast_in_dim3A_716 : vector<1x24xi1>, vector<1x24xf32>
    %add3A_718 = arith.addf %add3A_679, %select_n3A_717 : vector<1x24xf32>
    %eq3A_719 = arith.constant 1.400000e+01 : f32
    %eq3A_720 = vector.broadcast %eq3A_719 : f32 to vector<1x24xf32>
    %eq3A_721 = arith.cmpf oeq, %convert_element_type3A_137, %eq3A_720 : vector<1x24xf32>
    %jit3A_722 = arith.constant 0.000000e+00 : f32
    %broadcast_in_dim3A_723 = vector.broadcast %reduce_sum3A_710 : f32 to vector<1x24xf32>
    %broadcast_in_dim3A_724 = vector.broadcast %jit3A_722 : f32 to vector<1x24xf32>
    %select_n3A_725 = arith.select %eq3A_721, %broadcast_in_dim3A_723, %broadcast_in_dim3A_724 : vector<1x24xi1>, vector<1x24xf32>
    %add3A_726 = arith.addf %add3A_687, %select_n3A_725 : vector<1x24xf32>
    %eq3A_727 = arith.constant 1.500000e+01 : f32
    %eq3A_728 = vector.broadcast %eq3A_727 : f32 to vector<16x8xf32>
    %eq3A_729 = arith.cmpf oeq, %add3A_126, %eq3A_728 : vector<16x8xf32>
    %gt3A_730 = arith.constant 0.000000e+00 : f32
    %gt3A_731 = vector.broadcast %gt3A_730 : f32 to vector<16x8xf32>
    %gt3A_732 = arith.cmpf ogt, %convert_element_type3A_112, %gt3A_731 : vector<16x8xf32>
    %and3A_733 = arith.andi %eq3A_729, %gt3A_732 : vector<16x8xi1>
    %jit3A_734 = arith.constant 0.000000e+00 : f32
    %broadcast_in_dim3A_735 = vector.broadcast %jit3A_734 : f32 to vector<16x8xf32>
    %select_n3A_736 = arith.select %and3A_733, %convert_element_type3A_128, %broadcast_in_dim3A_735 : vector<16x8xi1>, vector<16x8xf32>
    %reduce_sum3A_737 = vector.shape_cast %select_n3A_736 : vector<16x8xf32> to vector<1x16x8xf32>
    %reduce_sum3A_738 = arith.constant dense<0.000000e+00> : vector<1xf32>
    %reduce_sum3A_739 = vector.multi_reduction <add>, %reduce_sum3A_737, %reduce_sum3A_738 [1, 2] : vector<1x16x8xf32> to vector<1xf32>
    %reduce_sum3A_740 = vector.shape_cast %reduce_sum3A_739 : vector<1xf32> to vector<1x1x1xf32>
    %reduce_sum3A_741 = vector.extract %reduce_sum3A_740[0, 0, 0] : f32 from vector<1x1x1xf32>
    %jit3A_742 = arith.constant 0.000000e+00 : f32
    %broadcast_in_dim3A_743 = vector.broadcast %jit3A_742 : f32 to vector<16x8xf32>
    %select_n3A_744 = arith.select %and3A_733, %convert_element_type3A_130, %broadcast_in_dim3A_743 : vector<16x8xi1>, vector<16x8xf32>
    %reduce_sum3A_745 = vector.shape_cast %select_n3A_744 : vector<16x8xf32> to vector<1x16x8xf32>
    %reduce_sum3A_746 = arith.constant dense<0.000000e+00> : vector<1xf32>
    %reduce_sum3A_747 = vector.multi_reduction <add>, %reduce_sum3A_745, %reduce_sum3A_746 [1, 2] : vector<1x16x8xf32> to vector<1xf32>
    %reduce_sum3A_748 = vector.shape_cast %reduce_sum3A_747 : vector<1xf32> to vector<1x1x1xf32>
    %reduce_sum3A_749 = vector.extract %reduce_sum3A_748[0, 0, 0] : f32 from vector<1x1x1xf32>
    %eq3A_750 = arith.constant 1.500000e+01 : f32
    %eq3A_751 = vector.broadcast %eq3A_750 : f32 to vector<1x24xf32>
    %eq3A_752 = arith.cmpf oeq, %convert_element_type3A_137, %eq3A_751 : vector<1x24xf32>
    %jit3A_753 = arith.constant 0.000000e+00 : f32
    %broadcast_in_dim3A_754 = vector.broadcast %reduce_sum3A_741 : f32 to vector<1x24xf32>
    %broadcast_in_dim3A_755 = vector.broadcast %jit3A_753 : f32 to vector<1x24xf32>
    %select_n3A_756 = arith.select %eq3A_752, %broadcast_in_dim3A_754, %broadcast_in_dim3A_755 : vector<1x24xi1>, vector<1x24xf32>
    %add3A_757 = arith.addf %add3A_718, %select_n3A_756 : vector<1x24xf32>
    %eq3A_758 = arith.constant 1.500000e+01 : f32
    %eq3A_759 = vector.broadcast %eq3A_758 : f32 to vector<1x24xf32>
    %eq3A_760 = arith.cmpf oeq, %convert_element_type3A_137, %eq3A_759 : vector<1x24xf32>
    %jit3A_761 = arith.constant 0.000000e+00 : f32
    %broadcast_in_dim3A_762 = vector.broadcast %reduce_sum3A_749 : f32 to vector<1x24xf32>
    %broadcast_in_dim3A_763 = vector.broadcast %jit3A_761 : f32 to vector<1x24xf32>
    %select_n3A_764 = arith.select %eq3A_760, %broadcast_in_dim3A_762, %broadcast_in_dim3A_763 : vector<1x24xi1>, vector<1x24xf32>
    %add3A_765 = arith.addf %add3A_726, %select_n3A_764 : vector<1x24xf32>
    %eq3A_766 = arith.constant 1.600000e+01 : f32
    %eq3A_767 = vector.broadcast %eq3A_766 : f32 to vector<16x8xf32>
    %eq3A_768 = arith.cmpf oeq, %add3A_126, %eq3A_767 : vector<16x8xf32>
    %gt3A_769 = arith.constant 0.000000e+00 : f32
    %gt3A_770 = vector.broadcast %gt3A_769 : f32 to vector<16x8xf32>
    %gt3A_771 = arith.cmpf ogt, %convert_element_type3A_112, %gt3A_770 : vector<16x8xf32>
    %and3A_772 = arith.andi %eq3A_768, %gt3A_771 : vector<16x8xi1>
    %jit3A_773 = arith.constant 0.000000e+00 : f32
    %broadcast_in_dim3A_774 = vector.broadcast %jit3A_773 : f32 to vector<16x8xf32>
    %select_n3A_775 = arith.select %and3A_772, %convert_element_type3A_128, %broadcast_in_dim3A_774 : vector<16x8xi1>, vector<16x8xf32>
    %reduce_sum3A_776 = vector.shape_cast %select_n3A_775 : vector<16x8xf32> to vector<1x16x8xf32>
    %reduce_sum3A_777 = arith.constant dense<0.000000e+00> : vector<1xf32>
    %reduce_sum3A_778 = vector.multi_reduction <add>, %reduce_sum3A_776, %reduce_sum3A_777 [1, 2] : vector<1x16x8xf32> to vector<1xf32>
    %reduce_sum3A_779 = vector.shape_cast %reduce_sum3A_778 : vector<1xf32> to vector<1x1x1xf32>
    %reduce_sum3A_780 = vector.extract %reduce_sum3A_779[0, 0, 0] : f32 from vector<1x1x1xf32>
    %jit3A_781 = arith.constant 0.000000e+00 : f32
    %broadcast_in_dim3A_782 = vector.broadcast %jit3A_781 : f32 to vector<16x8xf32>
    %select_n3A_783 = arith.select %and3A_772, %convert_element_type3A_130, %broadcast_in_dim3A_782 : vector<16x8xi1>, vector<16x8xf32>
    %reduce_sum3A_784 = vector.shape_cast %select_n3A_783 : vector<16x8xf32> to vector<1x16x8xf32>
    %reduce_sum3A_785 = arith.constant dense<0.000000e+00> : vector<1xf32>
    %reduce_sum3A_786 = vector.multi_reduction <add>, %reduce_sum3A_784, %reduce_sum3A_785 [1, 2] : vector<1x16x8xf32> to vector<1xf32>
    %reduce_sum3A_787 = vector.shape_cast %reduce_sum3A_786 : vector<1xf32> to vector<1x1x1xf32>
    %reduce_sum3A_788 = vector.extract %reduce_sum3A_787[0, 0, 0] : f32 from vector<1x1x1xf32>
    %eq3A_789 = arith.constant 1.600000e+01 : f32
    %eq3A_790 = vector.broadcast %eq3A_789 : f32 to vector<1x24xf32>
    %eq3A_791 = arith.cmpf oeq, %convert_element_type3A_137, %eq3A_790 : vector<1x24xf32>
    %jit3A_792 = arith.constant 0.000000e+00 : f32
    %broadcast_in_dim3A_793 = vector.broadcast %reduce_sum3A_780 : f32 to vector<1x24xf32>
    %broadcast_in_dim3A_794 = vector.broadcast %jit3A_792 : f32 to vector<1x24xf32>
    %select_n3A_795 = arith.select %eq3A_791, %broadcast_in_dim3A_793, %broadcast_in_dim3A_794 : vector<1x24xi1>, vector<1x24xf32>
    %add3A_796 = arith.addf %add3A_757, %select_n3A_795 : vector<1x24xf32>
    %eq3A_797 = arith.constant 1.600000e+01 : f32
    %eq3A_798 = vector.broadcast %eq3A_797 : f32 to vector<1x24xf32>
    %eq3A_799 = arith.cmpf oeq, %convert_element_type3A_137, %eq3A_798 : vector<1x24xf32>
    %jit3A_800 = arith.constant 0.000000e+00 : f32
    %broadcast_in_dim3A_801 = vector.broadcast %reduce_sum3A_788 : f32 to vector<1x24xf32>
    %broadcast_in_dim3A_802 = vector.broadcast %jit3A_800 : f32 to vector<1x24xf32>
    %select_n3A_803 = arith.select %eq3A_799, %broadcast_in_dim3A_801, %broadcast_in_dim3A_802 : vector<1x24xi1>, vector<1x24xf32>
    %add3A_804 = arith.addf %add3A_765, %select_n3A_803 : vector<1x24xf32>
    %eq3A_805 = arith.constant 1.700000e+01 : f32
    %eq3A_806 = vector.broadcast %eq3A_805 : f32 to vector<16x8xf32>
    %eq3A_807 = arith.cmpf oeq, %add3A_126, %eq3A_806 : vector<16x8xf32>
    %gt3A_808 = arith.constant 0.000000e+00 : f32
    %gt3A_809 = vector.broadcast %gt3A_808 : f32 to vector<16x8xf32>
    %gt3A_810 = arith.cmpf ogt, %convert_element_type3A_112, %gt3A_809 : vector<16x8xf32>
    %and3A_811 = arith.andi %eq3A_807, %gt3A_810 : vector<16x8xi1>
    %jit3A_812 = arith.constant 0.000000e+00 : f32
    %broadcast_in_dim3A_813 = vector.broadcast %jit3A_812 : f32 to vector<16x8xf32>
    %select_n3A_814 = arith.select %and3A_811, %convert_element_type3A_128, %broadcast_in_dim3A_813 : vector<16x8xi1>, vector<16x8xf32>
    %reduce_sum3A_815 = vector.shape_cast %select_n3A_814 : vector<16x8xf32> to vector<1x16x8xf32>
    %reduce_sum3A_816 = arith.constant dense<0.000000e+00> : vector<1xf32>
    %reduce_sum3A_817 = vector.multi_reduction <add>, %reduce_sum3A_815, %reduce_sum3A_816 [1, 2] : vector<1x16x8xf32> to vector<1xf32>
    %reduce_sum3A_818 = vector.shape_cast %reduce_sum3A_817 : vector<1xf32> to vector<1x1x1xf32>
    %reduce_sum3A_819 = vector.extract %reduce_sum3A_818[0, 0, 0] : f32 from vector<1x1x1xf32>
    %jit3A_820 = arith.constant 0.000000e+00 : f32
    %broadcast_in_dim3A_821 = vector.broadcast %jit3A_820 : f32 to vector<16x8xf32>
    %select_n3A_822 = arith.select %and3A_811, %convert_element_type3A_130, %broadcast_in_dim3A_821 : vector<16x8xi1>, vector<16x8xf32>
    %reduce_sum3A_823 = vector.shape_cast %select_n3A_822 : vector<16x8xf32> to vector<1x16x8xf32>
    %reduce_sum3A_824 = arith.constant dense<0.000000e+00> : vector<1xf32>
    %reduce_sum3A_825 = vector.multi_reduction <add>, %reduce_sum3A_823, %reduce_sum3A_824 [1, 2] : vector<1x16x8xf32> to vector<1xf32>
    %reduce_sum3A_826 = vector.shape_cast %reduce_sum3A_825 : vector<1xf32> to vector<1x1x1xf32>
    %reduce_sum3A_827 = vector.extract %reduce_sum3A_826[0, 0, 0] : f32 from vector<1x1x1xf32>
    %eq3A_828 = arith.constant 1.700000e+01 : f32
    %eq3A_829 = vector.broadcast %eq3A_828 : f32 to vector<1x24xf32>
    %eq3A_830 = arith.cmpf oeq, %convert_element_type3A_137, %eq3A_829 : vector<1x24xf32>
    %jit3A_831 = arith.constant 0.000000e+00 : f32
    %broadcast_in_dim3A_832 = vector.broadcast %reduce_sum3A_819 : f32 to vector<1x24xf32>
    %broadcast_in_dim3A_833 = vector.broadcast %jit3A_831 : f32 to vector<1x24xf32>
    %select_n3A_834 = arith.select %eq3A_830, %broadcast_in_dim3A_832, %broadcast_in_dim3A_833 : vector<1x24xi1>, vector<1x24xf32>
    %add3A_835 = arith.addf %add3A_796, %select_n3A_834 : vector<1x24xf32>
    %eq3A_836 = arith.constant 1.700000e+01 : f32
    %eq3A_837 = vector.broadcast %eq3A_836 : f32 to vector<1x24xf32>
    %eq3A_838 = arith.cmpf oeq, %convert_element_type3A_137, %eq3A_837 : vector<1x24xf32>
    %jit3A_839 = arith.constant 0.000000e+00 : f32
    %broadcast_in_dim3A_840 = vector.broadcast %reduce_sum3A_827 : f32 to vector<1x24xf32>
    %broadcast_in_dim3A_841 = vector.broadcast %jit3A_839 : f32 to vector<1x24xf32>
    %select_n3A_842 = arith.select %eq3A_838, %broadcast_in_dim3A_840, %broadcast_in_dim3A_841 : vector<1x24xi1>, vector<1x24xf32>
    %add3A_843 = arith.addf %add3A_804, %select_n3A_842 : vector<1x24xf32>
    %eq3A_844 = arith.constant 1.800000e+01 : f32
    %eq3A_845 = vector.broadcast %eq3A_844 : f32 to vector<16x8xf32>
    %eq3A_846 = arith.cmpf oeq, %add3A_126, %eq3A_845 : vector<16x8xf32>
    %gt3A_847 = arith.constant 0.000000e+00 : f32
    %gt3A_848 = vector.broadcast %gt3A_847 : f32 to vector<16x8xf32>
    %gt3A_849 = arith.cmpf ogt, %convert_element_type3A_112, %gt3A_848 : vector<16x8xf32>
    %and3A_850 = arith.andi %eq3A_846, %gt3A_849 : vector<16x8xi1>
    %jit3A_851 = arith.constant 0.000000e+00 : f32
    %broadcast_in_dim3A_852 = vector.broadcast %jit3A_851 : f32 to vector<16x8xf32>
    %select_n3A_853 = arith.select %and3A_850, %convert_element_type3A_128, %broadcast_in_dim3A_852 : vector<16x8xi1>, vector<16x8xf32>
    %reduce_sum3A_854 = vector.shape_cast %select_n3A_853 : vector<16x8xf32> to vector<1x16x8xf32>
    %reduce_sum3A_855 = arith.constant dense<0.000000e+00> : vector<1xf32>
    %reduce_sum3A_856 = vector.multi_reduction <add>, %reduce_sum3A_854, %reduce_sum3A_855 [1, 2] : vector<1x16x8xf32> to vector<1xf32>
    %reduce_sum3A_857 = vector.shape_cast %reduce_sum3A_856 : vector<1xf32> to vector<1x1x1xf32>
    %reduce_sum3A_858 = vector.extract %reduce_sum3A_857[0, 0, 0] : f32 from vector<1x1x1xf32>
    %jit3A_859 = arith.constant 0.000000e+00 : f32
    %broadcast_in_dim3A_860 = vector.broadcast %jit3A_859 : f32 to vector<16x8xf32>
    %select_n3A_861 = arith.select %and3A_850, %convert_element_type3A_130, %broadcast_in_dim3A_860 : vector<16x8xi1>, vector<16x8xf32>
    %reduce_sum3A_862 = vector.shape_cast %select_n3A_861 : vector<16x8xf32> to vector<1x16x8xf32>
    %reduce_sum3A_863 = arith.constant dense<0.000000e+00> : vector<1xf32>
    %reduce_sum3A_864 = vector.multi_reduction <add>, %reduce_sum3A_862, %reduce_sum3A_863 [1, 2] : vector<1x16x8xf32> to vector<1xf32>
    %reduce_sum3A_865 = vector.shape_cast %reduce_sum3A_864 : vector<1xf32> to vector<1x1x1xf32>
    %reduce_sum3A_866 = vector.extract %reduce_sum3A_865[0, 0, 0] : f32 from vector<1x1x1xf32>
    %eq3A_867 = arith.constant 1.800000e+01 : f32
    %eq3A_868 = vector.broadcast %eq3A_867 : f32 to vector<1x24xf32>
    %eq3A_869 = arith.cmpf oeq, %convert_element_type3A_137, %eq3A_868 : vector<1x24xf32>
    %jit3A_870 = arith.constant 0.000000e+00 : f32
    %broadcast_in_dim3A_871 = vector.broadcast %reduce_sum3A_858 : f32 to vector<1x24xf32>
    %broadcast_in_dim3A_872 = vector.broadcast %jit3A_870 : f32 to vector<1x24xf32>
    %select_n3A_873 = arith.select %eq3A_869, %broadcast_in_dim3A_871, %broadcast_in_dim3A_872 : vector<1x24xi1>, vector<1x24xf32>
    %add3A_874 = arith.addf %add3A_835, %select_n3A_873 : vector<1x24xf32>
    %eq3A_875 = arith.constant 1.800000e+01 : f32
    %eq3A_876 = vector.broadcast %eq3A_875 : f32 to vector<1x24xf32>
    %eq3A_877 = arith.cmpf oeq, %convert_element_type3A_137, %eq3A_876 : vector<1x24xf32>
    %jit3A_878 = arith.constant 0.000000e+00 : f32
    %broadcast_in_dim3A_879 = vector.broadcast %reduce_sum3A_866 : f32 to vector<1x24xf32>
    %broadcast_in_dim3A_880 = vector.broadcast %jit3A_878 : f32 to vector<1x24xf32>
    %select_n3A_881 = arith.select %eq3A_877, %broadcast_in_dim3A_879, %broadcast_in_dim3A_880 : vector<1x24xi1>, vector<1x24xf32>
    %add3A_882 = arith.addf %add3A_843, %select_n3A_881 : vector<1x24xf32>
    %eq3A_883 = arith.constant 1.900000e+01 : f32
    %eq3A_884 = vector.broadcast %eq3A_883 : f32 to vector<16x8xf32>
    %eq3A_885 = arith.cmpf oeq, %add3A_126, %eq3A_884 : vector<16x8xf32>
    %gt3A_886 = arith.constant 0.000000e+00 : f32
    %gt3A_887 = vector.broadcast %gt3A_886 : f32 to vector<16x8xf32>
    %gt3A_888 = arith.cmpf ogt, %convert_element_type3A_112, %gt3A_887 : vector<16x8xf32>
    %and3A_889 = arith.andi %eq3A_885, %gt3A_888 : vector<16x8xi1>
    %jit3A_890 = arith.constant 0.000000e+00 : f32
    %broadcast_in_dim3A_891 = vector.broadcast %jit3A_890 : f32 to vector<16x8xf32>
    %select_n3A_892 = arith.select %and3A_889, %convert_element_type3A_128, %broadcast_in_dim3A_891 : vector<16x8xi1>, vector<16x8xf32>
    %reduce_sum3A_893 = vector.shape_cast %select_n3A_892 : vector<16x8xf32> to vector<1x16x8xf32>
    %reduce_sum3A_894 = arith.constant dense<0.000000e+00> : vector<1xf32>
    %reduce_sum3A_895 = vector.multi_reduction <add>, %reduce_sum3A_893, %reduce_sum3A_894 [1, 2] : vector<1x16x8xf32> to vector<1xf32>
    %reduce_sum3A_896 = vector.shape_cast %reduce_sum3A_895 : vector<1xf32> to vector<1x1x1xf32>
    %reduce_sum3A_897 = vector.extract %reduce_sum3A_896[0, 0, 0] : f32 from vector<1x1x1xf32>
    %jit3A_898 = arith.constant 0.000000e+00 : f32
    %broadcast_in_dim3A_899 = vector.broadcast %jit3A_898 : f32 to vector<16x8xf32>
    %select_n3A_900 = arith.select %and3A_889, %convert_element_type3A_130, %broadcast_in_dim3A_899 : vector<16x8xi1>, vector<16x8xf32>
    %reduce_sum3A_901 = vector.shape_cast %select_n3A_900 : vector<16x8xf32> to vector<1x16x8xf32>
    %reduce_sum3A_902 = arith.constant dense<0.000000e+00> : vector<1xf32>
    %reduce_sum3A_903 = vector.multi_reduction <add>, %reduce_sum3A_901, %reduce_sum3A_902 [1, 2] : vector<1x16x8xf32> to vector<1xf32>
    %reduce_sum3A_904 = vector.shape_cast %reduce_sum3A_903 : vector<1xf32> to vector<1x1x1xf32>
    %reduce_sum3A_905 = vector.extract %reduce_sum3A_904[0, 0, 0] : f32 from vector<1x1x1xf32>
    %eq3A_906 = arith.constant 1.900000e+01 : f32
    %eq3A_907 = vector.broadcast %eq3A_906 : f32 to vector<1x24xf32>
    %eq3A_908 = arith.cmpf oeq, %convert_element_type3A_137, %eq3A_907 : vector<1x24xf32>
    %jit3A_909 = arith.constant 0.000000e+00 : f32
    %broadcast_in_dim3A_910 = vector.broadcast %reduce_sum3A_897 : f32 to vector<1x24xf32>
    %broadcast_in_dim3A_911 = vector.broadcast %jit3A_909 : f32 to vector<1x24xf32>
    %select_n3A_912 = arith.select %eq3A_908, %broadcast_in_dim3A_910, %broadcast_in_dim3A_911 : vector<1x24xi1>, vector<1x24xf32>
    %add3A_913 = arith.addf %add3A_874, %select_n3A_912 : vector<1x24xf32>
    %eq3A_914 = arith.constant 1.900000e+01 : f32
    %eq3A_915 = vector.broadcast %eq3A_914 : f32 to vector<1x24xf32>
    %eq3A_916 = arith.cmpf oeq, %convert_element_type3A_137, %eq3A_915 : vector<1x24xf32>
    %jit3A_917 = arith.constant 0.000000e+00 : f32
    %broadcast_in_dim3A_918 = vector.broadcast %reduce_sum3A_905 : f32 to vector<1x24xf32>
    %broadcast_in_dim3A_919 = vector.broadcast %jit3A_917 : f32 to vector<1x24xf32>
    %select_n3A_920 = arith.select %eq3A_916, %broadcast_in_dim3A_918, %broadcast_in_dim3A_919 : vector<1x24xi1>, vector<1x24xf32>
    %add3A_921 = arith.addf %add3A_882, %select_n3A_920 : vector<1x24xf32>
    %eq3A_922 = arith.constant 2.000000e+01 : f32
    %eq3A_923 = vector.broadcast %eq3A_922 : f32 to vector<16x8xf32>
    %eq3A_924 = arith.cmpf oeq, %add3A_126, %eq3A_923 : vector<16x8xf32>
    %gt3A_925 = arith.constant 0.000000e+00 : f32
    %gt3A_926 = vector.broadcast %gt3A_925 : f32 to vector<16x8xf32>
    %gt3A_927 = arith.cmpf ogt, %convert_element_type3A_112, %gt3A_926 : vector<16x8xf32>
    %and3A_928 = arith.andi %eq3A_924, %gt3A_927 : vector<16x8xi1>
    %jit3A_929 = arith.constant 0.000000e+00 : f32
    %broadcast_in_dim3A_930 = vector.broadcast %jit3A_929 : f32 to vector<16x8xf32>
    %select_n3A_931 = arith.select %and3A_928, %convert_element_type3A_128, %broadcast_in_dim3A_930 : vector<16x8xi1>, vector<16x8xf32>
    %reduce_sum3A_932 = vector.shape_cast %select_n3A_931 : vector<16x8xf32> to vector<1x16x8xf32>
    %reduce_sum3A_933 = arith.constant dense<0.000000e+00> : vector<1xf32>
    %reduce_sum3A_934 = vector.multi_reduction <add>, %reduce_sum3A_932, %reduce_sum3A_933 [1, 2] : vector<1x16x8xf32> to vector<1xf32>
    %reduce_sum3A_935 = vector.shape_cast %reduce_sum3A_934 : vector<1xf32> to vector<1x1x1xf32>
    %reduce_sum3A_936 = vector.extract %reduce_sum3A_935[0, 0, 0] : f32 from vector<1x1x1xf32>
    %jit3A_937 = arith.constant 0.000000e+00 : f32
    %broadcast_in_dim3A_938 = vector.broadcast %jit3A_937 : f32 to vector<16x8xf32>
    %select_n3A_939 = arith.select %and3A_928, %convert_element_type3A_130, %broadcast_in_dim3A_938 : vector<16x8xi1>, vector<16x8xf32>
    %reduce_sum3A_940 = vector.shape_cast %select_n3A_939 : vector<16x8xf32> to vector<1x16x8xf32>
    %reduce_sum3A_941 = arith.constant dense<0.000000e+00> : vector<1xf32>
    %reduce_sum3A_942 = vector.multi_reduction <add>, %reduce_sum3A_940, %reduce_sum3A_941 [1, 2] : vector<1x16x8xf32> to vector<1xf32>
    %reduce_sum3A_943 = vector.shape_cast %reduce_sum3A_942 : vector<1xf32> to vector<1x1x1xf32>
    %reduce_sum3A_944 = vector.extract %reduce_sum3A_943[0, 0, 0] : f32 from vector<1x1x1xf32>
    %eq3A_945 = arith.constant 2.000000e+01 : f32
    %eq3A_946 = vector.broadcast %eq3A_945 : f32 to vector<1x24xf32>
    %eq3A_947 = arith.cmpf oeq, %convert_element_type3A_137, %eq3A_946 : vector<1x24xf32>
    %jit3A_948 = arith.constant 0.000000e+00 : f32
    %broadcast_in_dim3A_949 = vector.broadcast %reduce_sum3A_936 : f32 to vector<1x24xf32>
    %broadcast_in_dim3A_950 = vector.broadcast %jit3A_948 : f32 to vector<1x24xf32>
    %select_n3A_951 = arith.select %eq3A_947, %broadcast_in_dim3A_949, %broadcast_in_dim3A_950 : vector<1x24xi1>, vector<1x24xf32>
    %add3A_952 = arith.addf %add3A_913, %select_n3A_951 : vector<1x24xf32>
    %eq3A_953 = arith.constant 2.000000e+01 : f32
    %eq3A_954 = vector.broadcast %eq3A_953 : f32 to vector<1x24xf32>
    %eq3A_955 = arith.cmpf oeq, %convert_element_type3A_137, %eq3A_954 : vector<1x24xf32>
    %jit3A_956 = arith.constant 0.000000e+00 : f32
    %broadcast_in_dim3A_957 = vector.broadcast %reduce_sum3A_944 : f32 to vector<1x24xf32>
    %broadcast_in_dim3A_958 = vector.broadcast %jit3A_956 : f32 to vector<1x24xf32>
    %select_n3A_959 = arith.select %eq3A_955, %broadcast_in_dim3A_957, %broadcast_in_dim3A_958 : vector<1x24xi1>, vector<1x24xf32>
    %add3A_960 = arith.addf %add3A_921, %select_n3A_959 : vector<1x24xf32>
    %eq3A_961 = arith.constant 2.100000e+01 : f32
    %eq3A_962 = vector.broadcast %eq3A_961 : f32 to vector<16x8xf32>
    %eq3A_963 = arith.cmpf oeq, %add3A_126, %eq3A_962 : vector<16x8xf32>
    %gt3A_964 = arith.constant 0.000000e+00 : f32
    %gt3A_965 = vector.broadcast %gt3A_964 : f32 to vector<16x8xf32>
    %gt3A_966 = arith.cmpf ogt, %convert_element_type3A_112, %gt3A_965 : vector<16x8xf32>
    %and3A_967 = arith.andi %eq3A_963, %gt3A_966 : vector<16x8xi1>
    %jit3A_968 = arith.constant 0.000000e+00 : f32
    %broadcast_in_dim3A_969 = vector.broadcast %jit3A_968 : f32 to vector<16x8xf32>
    %select_n3A_970 = arith.select %and3A_967, %convert_element_type3A_128, %broadcast_in_dim3A_969 : vector<16x8xi1>, vector<16x8xf32>
    %reduce_sum3A_971 = vector.shape_cast %select_n3A_970 : vector<16x8xf32> to vector<1x16x8xf32>
    %reduce_sum3A_972 = arith.constant dense<0.000000e+00> : vector<1xf32>
    %reduce_sum3A_973 = vector.multi_reduction <add>, %reduce_sum3A_971, %reduce_sum3A_972 [1, 2] : vector<1x16x8xf32> to vector<1xf32>
    %reduce_sum3A_974 = vector.shape_cast %reduce_sum3A_973 : vector<1xf32> to vector<1x1x1xf32>
    %reduce_sum3A_975 = vector.extract %reduce_sum3A_974[0, 0, 0] : f32 from vector<1x1x1xf32>
    %jit3A_976 = arith.constant 0.000000e+00 : f32
    %broadcast_in_dim3A_977 = vector.broadcast %jit3A_976 : f32 to vector<16x8xf32>
    %select_n3A_978 = arith.select %and3A_967, %convert_element_type3A_130, %broadcast_in_dim3A_977 : vector<16x8xi1>, vector<16x8xf32>
    %reduce_sum3A_979 = vector.shape_cast %select_n3A_978 : vector<16x8xf32> to vector<1x16x8xf32>
    %reduce_sum3A_980 = arith.constant dense<0.000000e+00> : vector<1xf32>
    %reduce_sum3A_981 = vector.multi_reduction <add>, %reduce_sum3A_979, %reduce_sum3A_980 [1, 2] : vector<1x16x8xf32> to vector<1xf32>
    %reduce_sum3A_982 = vector.shape_cast %reduce_sum3A_981 : vector<1xf32> to vector<1x1x1xf32>
    %reduce_sum3A_983 = vector.extract %reduce_sum3A_982[0, 0, 0] : f32 from vector<1x1x1xf32>
    %eq3A_984 = arith.constant 2.100000e+01 : f32
    %eq3A_985 = vector.broadcast %eq3A_984 : f32 to vector<1x24xf32>
    %eq3A_986 = arith.cmpf oeq, %convert_element_type3A_137, %eq3A_985 : vector<1x24xf32>
    %jit3A_987 = arith.constant 0.000000e+00 : f32
    %broadcast_in_dim3A_988 = vector.broadcast %reduce_sum3A_975 : f32 to vector<1x24xf32>
    %broadcast_in_dim3A_989 = vector.broadcast %jit3A_987 : f32 to vector<1x24xf32>
    %select_n3A_990 = arith.select %eq3A_986, %broadcast_in_dim3A_988, %broadcast_in_dim3A_989 : vector<1x24xi1>, vector<1x24xf32>
    %add3A_991 = arith.addf %add3A_952, %select_n3A_990 : vector<1x24xf32>
    %eq3A_992 = arith.constant 2.100000e+01 : f32
    %eq3A_993 = vector.broadcast %eq3A_992 : f32 to vector<1x24xf32>
    %eq3A_994 = arith.cmpf oeq, %convert_element_type3A_137, %eq3A_993 : vector<1x24xf32>
    %jit3A_995 = arith.constant 0.000000e+00 : f32
    %broadcast_in_dim3A_996 = vector.broadcast %reduce_sum3A_983 : f32 to vector<1x24xf32>
    %broadcast_in_dim3A_997 = vector.broadcast %jit3A_995 : f32 to vector<1x24xf32>
    %select_n3A_998 = arith.select %eq3A_994, %broadcast_in_dim3A_996, %broadcast_in_dim3A_997 : vector<1x24xi1>, vector<1x24xf32>
    %add3A_999 = arith.addf %add3A_960, %select_n3A_998 : vector<1x24xf32>
    %eq3A_1000 = arith.constant 2.200000e+01 : f32
    %eq3A_1001 = vector.broadcast %eq3A_1000 : f32 to vector<16x8xf32>
    %eq3A_1002 = arith.cmpf oeq, %add3A_126, %eq3A_1001 : vector<16x8xf32>
    %gt3A_1003 = arith.constant 0.000000e+00 : f32
    %gt3A_1004 = vector.broadcast %gt3A_1003 : f32 to vector<16x8xf32>
    %gt3A_1005 = arith.cmpf ogt, %convert_element_type3A_112, %gt3A_1004 : vector<16x8xf32>
    %and3A_1006 = arith.andi %eq3A_1002, %gt3A_1005 : vector<16x8xi1>
    %jit3A_1007 = arith.constant 0.000000e+00 : f32
    %broadcast_in_dim3A_1008 = vector.broadcast %jit3A_1007 : f32 to vector<16x8xf32>
    %select_n3A_1009 = arith.select %and3A_1006, %convert_element_type3A_128, %broadcast_in_dim3A_1008 : vector<16x8xi1>, vector<16x8xf32>
    %reduce_sum3A_1010 = vector.shape_cast %select_n3A_1009 : vector<16x8xf32> to vector<1x16x8xf32>
    %reduce_sum3A_1011 = arith.constant dense<0.000000e+00> : vector<1xf32>
    %reduce_sum3A_1012 = vector.multi_reduction <add>, %reduce_sum3A_1010, %reduce_sum3A_1011 [1, 2] : vector<1x16x8xf32> to vector<1xf32>
    %reduce_sum3A_1013 = vector.shape_cast %reduce_sum3A_1012 : vector<1xf32> to vector<1x1x1xf32>
    %reduce_sum3A_1014 = vector.extract %reduce_sum3A_1013[0, 0, 0] : f32 from vector<1x1x1xf32>
    %jit3A_1015 = arith.constant 0.000000e+00 : f32
    %broadcast_in_dim3A_1016 = vector.broadcast %jit3A_1015 : f32 to vector<16x8xf32>
    %select_n3A_1017 = arith.select %and3A_1006, %convert_element_type3A_130, %broadcast_in_dim3A_1016 : vector<16x8xi1>, vector<16x8xf32>
    %reduce_sum3A_1018 = vector.shape_cast %select_n3A_1017 : vector<16x8xf32> to vector<1x16x8xf32>
    %reduce_sum3A_1019 = arith.constant dense<0.000000e+00> : vector<1xf32>
    %reduce_sum3A_1020 = vector.multi_reduction <add>, %reduce_sum3A_1018, %reduce_sum3A_1019 [1, 2] : vector<1x16x8xf32> to vector<1xf32>
    %reduce_sum3A_1021 = vector.shape_cast %reduce_sum3A_1020 : vector<1xf32> to vector<1x1x1xf32>
    %reduce_sum3A_1022 = vector.extract %reduce_sum3A_1021[0, 0, 0] : f32 from vector<1x1x1xf32>
    %eq3A_1023 = arith.constant 2.200000e+01 : f32
    %eq3A_1024 = vector.broadcast %eq3A_1023 : f32 to vector<1x24xf32>
    %eq3A_1025 = arith.cmpf oeq, %convert_element_type3A_137, %eq3A_1024 : vector<1x24xf32>
    %jit3A_1026 = arith.constant 0.000000e+00 : f32
    %broadcast_in_dim3A_1027 = vector.broadcast %reduce_sum3A_1014 : f32 to vector<1x24xf32>
    %broadcast_in_dim3A_1028 = vector.broadcast %jit3A_1026 : f32 to vector<1x24xf32>
    %select_n3A_1029 = arith.select %eq3A_1025, %broadcast_in_dim3A_1027, %broadcast_in_dim3A_1028 : vector<1x24xi1>, vector<1x24xf32>
    %add3A_1030 = arith.addf %add3A_991, %select_n3A_1029 : vector<1x24xf32>
    %eq3A_1031 = arith.constant 2.200000e+01 : f32
    %eq3A_1032 = vector.broadcast %eq3A_1031 : f32 to vector<1x24xf32>
    %eq3A_1033 = arith.cmpf oeq, %convert_element_type3A_137, %eq3A_1032 : vector<1x24xf32>
    %jit3A_1034 = arith.constant 0.000000e+00 : f32
    %broadcast_in_dim3A_1035 = vector.broadcast %reduce_sum3A_1022 : f32 to vector<1x24xf32>
    %broadcast_in_dim3A_1036 = vector.broadcast %jit3A_1034 : f32 to vector<1x24xf32>
    %select_n3A_1037 = arith.select %eq3A_1033, %broadcast_in_dim3A_1035, %broadcast_in_dim3A_1036 : vector<1x24xi1>, vector<1x24xf32>
    %add3A_1038 = arith.addf %add3A_999, %select_n3A_1037 : vector<1x24xf32>
    %eq3A_1039 = arith.constant 2.300000e+01 : f32
    %eq3A_1040 = vector.broadcast %eq3A_1039 : f32 to vector<16x8xf32>
    %eq3A_1041 = arith.cmpf oeq, %add3A_126, %eq3A_1040 : vector<16x8xf32>
    %gt3A_1042 = arith.constant 0.000000e+00 : f32
    %gt3A_1043 = vector.broadcast %gt3A_1042 : f32 to vector<16x8xf32>
    %gt3A_1044 = arith.cmpf ogt, %convert_element_type3A_112, %gt3A_1043 : vector<16x8xf32>
    %and3A_1045 = arith.andi %eq3A_1041, %gt3A_1044 : vector<16x8xi1>
    %jit3A_1046 = arith.constant 0.000000e+00 : f32
    %broadcast_in_dim3A_1047 = vector.broadcast %jit3A_1046 : f32 to vector<16x8xf32>
    %select_n3A_1048 = arith.select %and3A_1045, %convert_element_type3A_128, %broadcast_in_dim3A_1047 : vector<16x8xi1>, vector<16x8xf32>
    %reduce_sum3A_1049 = vector.shape_cast %select_n3A_1048 : vector<16x8xf32> to vector<1x16x8xf32>
    %reduce_sum3A_1050 = arith.constant dense<0.000000e+00> : vector<1xf32>
    %reduce_sum3A_1051 = vector.multi_reduction <add>, %reduce_sum3A_1049, %reduce_sum3A_1050 [1, 2] : vector<1x16x8xf32> to vector<1xf32>
    %reduce_sum3A_1052 = vector.shape_cast %reduce_sum3A_1051 : vector<1xf32> to vector<1x1x1xf32>
    %reduce_sum3A_1053 = vector.extract %reduce_sum3A_1052[0, 0, 0] : f32 from vector<1x1x1xf32>
    %jit3A_1054 = arith.constant 0.000000e+00 : f32
    %broadcast_in_dim3A_1055 = vector.broadcast %jit3A_1054 : f32 to vector<16x8xf32>
    %select_n3A_1056 = arith.select %and3A_1045, %convert_element_type3A_130, %broadcast_in_dim3A_1055 : vector<16x8xi1>, vector<16x8xf32>
    %reduce_sum3A_1057 = vector.shape_cast %select_n3A_1056 : vector<16x8xf32> to vector<1x16x8xf32>
    %reduce_sum3A_1058 = arith.constant dense<0.000000e+00> : vector<1xf32>
    %reduce_sum3A_1059 = vector.multi_reduction <add>, %reduce_sum3A_1057, %reduce_sum3A_1058 [1, 2] : vector<1x16x8xf32> to vector<1xf32>
    %reduce_sum3A_1060 = vector.shape_cast %reduce_sum3A_1059 : vector<1xf32> to vector<1x1x1xf32>
    %reduce_sum3A_1061 = vector.extract %reduce_sum3A_1060[0, 0, 0] : f32 from vector<1x1x1xf32>
    %eq3A_1062 = arith.constant 2.300000e+01 : f32
    %eq3A_1063 = vector.broadcast %eq3A_1062 : f32 to vector<1x24xf32>
    %eq3A_1064 = arith.cmpf oeq, %convert_element_type3A_137, %eq3A_1063 : vector<1x24xf32>
    %jit3A_1065 = arith.constant 0.000000e+00 : f32
    %broadcast_in_dim3A_1066 = vector.broadcast %reduce_sum3A_1053 : f32 to vector<1x24xf32>
    %broadcast_in_dim3A_1067 = vector.broadcast %jit3A_1065 : f32 to vector<1x24xf32>
    %select_n3A_1068 = arith.select %eq3A_1064, %broadcast_in_dim3A_1066, %broadcast_in_dim3A_1067 : vector<1x24xi1>, vector<1x24xf32>
    %add3A_1069 = arith.addf %add3A_1030, %select_n3A_1068 : vector<1x24xf32>
    %eq3A_1070 = arith.constant 2.300000e+01 : f32
    %eq3A_1071 = vector.broadcast %eq3A_1070 : f32 to vector<1x24xf32>
    %eq3A_1072 = arith.cmpf oeq, %convert_element_type3A_137, %eq3A_1071 : vector<1x24xf32>
    %jit3A_1073 = arith.constant 0.000000e+00 : f32
    %broadcast_in_dim3A_1074 = vector.broadcast %reduce_sum3A_1061 : f32 to vector<1x24xf32>
    %broadcast_in_dim3A_1075 = vector.broadcast %jit3A_1073 : f32 to vector<1x24xf32>
    %select_n3A_1076 = arith.select %eq3A_1072, %broadcast_in_dim3A_1074, %broadcast_in_dim3A_1075 : vector<1x24xi1>, vector<1x24xf32>
    %add3A_1077 = arith.addf %add3A_1038, %select_n3A_1076 : vector<1x24xf32>
    %lt3A_1078 = vector.broadcast %reduce_sum3A_135 : f32 to vector<1x24xf32>
    %lt3A_1079 = arith.cmpf olt, %convert_element_type3A_137, %lt3A_1078 : vector<1x24xf32>
    %jit3A_1080 = arith.constant 0.000000e+00 : f32
    %broadcast_in_dim3A_1081 = vector.broadcast %jit3A_1080 : f32 to vector<1x24xf32>
    %select_n3A_1082 = arith.select %lt3A_1079, %add3A_1069, %broadcast_in_dim3A_1081 : vector<1x24xi1>, vector<1x24xf32>
    %reduce_max3A_1083 = vector.shape_cast %select_n3A_1082 : vector<1x24xf32> to vector<1x1x24xf32>
    %reduce_max3A_1084 = arith.constant dense<0xFF800000> : vector<1xf32>
    %reduce_max3A_1085 = vector.multi_reduction <maximumf>, %reduce_max3A_1083, %reduce_max3A_1084 [1, 2] : vector<1x1x24xf32> to vector<1xf32>
    %reduce_max3A_1086 = vector.shape_cast %reduce_max3A_1085 : vector<1xf32> to vector<1x1x1xf32>
    %reduce_max3A_1087 = vector.extract %reduce_max3A_1086[0, 0, 0] : f32 from vector<1x1x1xf32>
    %sub3A_1088 = arith.constant 1.000000e+00 : f32
    %sub3A_1089 = arith.subf %reduce_sum3A_135, %sub3A_1088 : f32
    %eq3A_1090 = vector.broadcast %sub3A_1089 : f32 to vector<1x24xf32>
    %eq3A_1091 = arith.cmpf oeq, %convert_element_type3A_137, %eq3A_1090 : vector<1x24xf32>
    %jit3A_1092 = arith.constant 0.000000e+00 : f32
    %broadcast_in_dim3A_1093 = vector.broadcast %jit3A_1092 : f32 to vector<1x24xf32>
    %select_n3A_1094 = arith.select %eq3A_1091, %add3A_1077, %broadcast_in_dim3A_1093 : vector<1x24xi1>, vector<1x24xf32>
    %reduce_sum3A_1095 = vector.shape_cast %select_n3A_1094 : vector<1x24xf32> to vector<1x1x24xf32>
    %reduce_sum3A_1096 = arith.constant dense<0.000000e+00> : vector<1xf32>
    %reduce_sum3A_1097 = vector.multi_reduction <add>, %reduce_sum3A_1095, %reduce_sum3A_1096 [1, 2] : vector<1x1x24xf32> to vector<1xf32>
    %reduce_sum3A_1098 = vector.shape_cast %reduce_sum3A_1097 : vector<1xf32> to vector<1x1x1xf32>
    %reduce_sum3A_1099 = vector.extract %reduce_sum3A_1098[0, 0, 0] : f32 from vector<1x1x1xf32>
    %broadcast_in_dim3A_1100 = vector.broadcast %reduce_max3A_1087 : f32 to vector<1x24xf32>
    %select_n3A_1101 = arith.select %lt3A_1079, %add3A_1069, %broadcast_in_dim3A_1100 : vector<1x24xi1>, vector<1x24xf32>
    %convert_element_type3A_1102 = arith.fptosi %select_n3A_1101 : vector<1x24xf32> to vector<1x24xi32>
    %swap3A_1103 = arith.constant 0 : index
    %swap3A_1104 = arith.constant 0 : index
    %swap3A_1105 = vector.load %arg6[%swap3A_1103, %swap3A_1104] : memref<1x24xi32, #tpu.memory_space<vmem>>, vector<1x24xi32>
    tpu.vector_store %arg6[%swap3A_1103, %swap3A_1104], %convert_element_type3A_1102 {strides = array<i32>} : memref<1x24xi32, #tpu.memory_space<vmem>>, vector<1x24xi32>,
    %broadcast_in_dim3A_1106 = vector.broadcast %reduce_sum3A_1099 : f32 to vector<1x24xf32>
    %select_n3A_1107 = arith.select %lt3A_1079, %add3A_1077, %broadcast_in_dim3A_1106 : vector<1x24xi1>, vector<1x24xf32>
    %convert_element_type3A_1108 = arith.fptosi %select_n3A_1107 : vector<1x24xf32> to vector<1x24xi32>
    %swap3A_1109 = arith.constant 0 : index
    %swap3A_1110 = arith.constant 0 : index
    %swap3A_1111 = vector.load %arg7[%swap3A_1109, %swap3A_1110] : memref<1x24xi32, #tpu.memory_space<vmem>>, vector<1x24xi32>
    tpu.vector_store %arg7[%swap3A_1109, %swap3A_1110], %convert_element_type3A_1108 {strides = array<i32>} : memref<1x24xi32, #tpu.memory_space<vmem>>, vector<1x24xi32>,
    %convert_element_type3A_1112 = arith.extui %lt3A_1079 : vector<1x24xi1> to vector<1x24xi32>
    %swap3A_1113 = arith.constant 0 : index
    %swap3A_1114 = arith.constant 0 : index
    %swap3A_1115 = vector.load %arg8[%swap3A_1113, %swap3A_1114] : memref<1x24xi32, #tpu.memory_space<vmem>>, vector<1x24xi32>
    tpu.vector_store %arg8[%swap3A_1113, %swap3A_1114], %convert_element_type3A_1112 {strides = array<i32>} : memref<1x24xi32, #tpu.memory_space<vmem>>, vector<1x24xi32>,
    return
  }
  func.func @transform_0(%arg0: i32) -> (i32, i32) {
    %c0_i32 = arith.constant 0 : i32
    %c0_i32_0 = arith.constant 0 : i32
    %c0_i32_1 = arith.constant 0 : i32
    return %c0_i32, %c0_i32_0 : i32, i32
  }
  func.func @transform_1(%arg0: i32) -> (i32, i32) {
    %c0_i32 = arith.constant 0 : i32
    %c0_i32_0 = arith.constant 0 : i32
    %c0_i32_1 = arith.constant 0 : i32
    return %c0_i32, %c0_i32_0 : i32, i32
  }
  func.func @transform_2(%arg0: i32) -> (i32, i32) {
    %c0_i32 = arith.constant 0 : i32
    %c0_i32_0 = arith.constant 0 : i32
    %c0_i32_1 = arith.constant 0 : i32
    return %c0_i32, %c0_i32_0 : i32, i32
  }
  func.func @transform_3(%arg0: i32) -> (i32, i32) {
    %c0_i32 = arith.constant 0 : i32
    %c0_i32_0 = arith.constant 0 : i32
    %c0_i32_1 = arith.constant 0 : i32
    return %c0_i32, %c0_i32_0 : i32, i32
  }
  func.func @transform_4(%arg0: i32) -> (i32, i32) {
    %c0_i32 = arith.constant 0 : i32
    %c0_i32_0 = arith.constant 0 : i32
    %c0_i32_1 = arith.constant 0 : i32
    return %c0_i32, %c0_i32_0 : i32, i32
  }
  func.func @transform_5(%arg0: i32) -> (i32, i32) {
    %c0_i32 = arith.constant 0 : i32
    %c0_i32_0 = arith.constant 0 : i32
    %c0_i32_1 = arith.constant 0 : i32
    return %c0_i32, %c0_i32_0 : i32, i32
  }
  func.func @transform_6(%arg0: i32) -> (i32, i32) {
    %c0_i32 = arith.constant 0 : i32
    %c0_i32_0 = arith.constant 0 : i32
    %c0_i32_1 = arith.constant 0 : i32
    return %c0_i32, %c0_i32_0 : i32, i32
  }
  func.func @transform_7(%arg0: i32) -> (i32, i32) {
    %c0_i32 = arith.constant 0 : i32
    %c0_i32_0 = arith.constant 0 : i32
    %c0_i32_1 = arith.constant 0 : i32
    return %c0_i32, %c0_i32_0 : i32, i32
  }
}

module attributes {stable_mosaic.version = 14 : i64} {
  func.func @_k6(%arg0: i32, %arg1: i32, %arg2: memref<8xi32, #tpu.memory_space<smem>>, %arg3: memref<8xi32, #tpu.memory_space<smem>>, %arg4: memref<24xi32, #tpu.memory_space<smem>>, %arg5: memref<24xi32, #tpu.memory_space<smem>>, %arg6: memref<24xi32, #tpu.memory_space<smem>>, %arg7: memref<256x1024xbf16, #tpu.memory_space<vmem>>, %arg8: memref<1x1024x512xbf16, #tpu.memory_space<vmem>>, %arg9: memref<1x1024x512xbf16, #tpu.memory_space<vmem>>, %arg10: memref<1x512x1024xbf16, #tpu.memory_space<vmem>>, %arg11: memref<256x1024xbf16, #tpu.memory_space<vmem>>) attributes {dimension_semantics = [#tpu.dimension_semantics<arbitrary>, #tpu.dimension_semantics<arbitrary>], iteration_bounds = array<i64: 24, 4>, scalar_prefetch = 5 : i64, scratch_operands = 0 : i64, tpu.core_type = #tpu.core_type<tc>, window_params = [{transform_indices = @transform_0, window_bounds = array<i64: 256, 1024>}, {transform_indices = @transform_1, window_bounds = array<i64: 1, 1024, 512>}, {transform_indices = @transform_2, window_bounds = array<i64: 1, 1024, 512>}, {transform_indices = @transform_3, window_bounds = array<i64: 1, 512, 1024>}, {transform_indices = @transform_4, window_bounds = array<i64: 256, 1024>}]} {
    %get3A = arith.constant 0 : index
    %get3A_0 = arith.constant 0 : index
    %get3A_1 = vector.load %arg7[%get3A, %get3A_0] : memref<256x1024xbf16, #tpu.memory_space<vmem>>, vector<256x1024xbf16>
    %get3A_2 = arith.constant 0 : index
    %get3A_3 = arith.constant 0 : index
    %get3A_4 = arith.constant 0 : index
    %get3A_5 = vector.load %arg8[%get3A_2, %get3A_3, %get3A_4] : memref<1x1024x512xbf16, #tpu.memory_space<vmem>>, vector<1x1024x512xbf16>
    %get3A_6 = vector.shape_cast %get3A_5 : vector<1x1024x512xbf16> to vector<1024x512xbf16>
    %dot_general3A = arith.constant dense<0.000000e+00> : vector<256x512xf32>
    %dot_general3A_7 = tpu.matmul %get3A_1, %get3A_6, %dot_general3A {dimension_numbers = #tpu.dot_dimension_numbers<[1], [0], [0], [1], [0, 0, 1, 1], [], []>, transpose_lhs_hint = false} : vector<256x1024xbf16>, vector<1024x512xbf16>, vector<256x512xf32> -> vector<256x512xf32>
    %logistic3A = arith.negf %dot_general3A_7 : vector<256x512xf32>
    %logistic3A_8 = math.exp %logistic3A : vector<256x512xf32>
    %logistic3A_9 = arith.constant 1.000000e+00 : f32
    %logistic3A_10 = vector.broadcast %logistic3A_9 : f32 to vector<256x512xf32>
    %logistic3A_11 = arith.addf %logistic3A_10, %logistic3A_8 : vector<256x512xf32>
    %logistic3A_12 = arith.divf %logistic3A_10, %logistic3A_11 : vector<256x512xf32>
    %mul3A = arith.mulf %dot_general3A_7, %logistic3A_12 : vector<256x512xf32>
    %get3A_13 = arith.constant 0 : index
    %get3A_14 = arith.constant 0 : index
    %get3A_15 = arith.constant 0 : index
    %get3A_16 = vector.load %arg9[%get3A_13, %get3A_14, %get3A_15] : memref<1x1024x512xbf16, #tpu.memory_space<vmem>>, vector<1x1024x512xbf16>
    %get3A_17 = vector.shape_cast %get3A_16 : vector<1x1024x512xbf16> to vector<1024x512xbf16>
    %dot_general3A_18 = arith.constant dense<0.000000e+00> : vector<256x512xf32>
    %dot_general3A_19 = tpu.matmul %get3A_1, %get3A_17, %dot_general3A_18 {dimension_numbers = #tpu.dot_dimension_numbers<[1], [0], [0], [1], [0, 0, 1, 1], [], []>, transpose_lhs_hint = false} : vector<256x1024xbf16>, vector<1024x512xbf16>, vector<256x512xf32> -> vector<256x512xf32>
    %mul3A_20 = arith.mulf %mul3A, %dot_general3A_19 : vector<256x512xf32>
    %convert_element_type3A = arith.truncf %mul3A_20 : vector<256x512xf32> to vector<256x512xbf16>
    %get3A_21 = arith.constant 0 : index
    %get3A_22 = arith.constant 0 : index
    %get3A_23 = arith.constant 0 : index
    %get3A_24 = vector.load %arg10[%get3A_21, %get3A_22, %get3A_23] : memref<1x512x1024xbf16, #tpu.memory_space<vmem>>, vector<1x512x1024xbf16>
    %get3A_25 = vector.shape_cast %get3A_24 : vector<1x512x1024xbf16> to vector<512x1024xbf16>
    %dot_general3A_26 = arith.constant dense<0.000000e+00> : vector<256x1024xf32>
    %dot_general3A_27 = tpu.matmul %convert_element_type3A, %get3A_25, %dot_general3A_26 {dimension_numbers = #tpu.dot_dimension_numbers<[1], [0], [0], [1], [0, 0, 1, 1], [], []>, transpose_lhs_hint = false} : vector<256x512xbf16>, vector<512x1024xbf16>, vector<256x1024xf32> -> vector<256x1024xf32>
    %get3A_28 = arith.index_cast %arg0 : i32 to index
    %get3A_29 = memref.load %arg4[%get3A_28] : memref<24xi32, #tpu.memory_space<smem>>
    %get3A_30 = arith.index_cast %arg0 : i32 to index
    %get3A_31 = memref.load %arg5[%get3A_30] : memref<24xi32, #tpu.memory_space<smem>>
    %mul3A_32 = arith.constant 256 : i32
    %mul3A_33 = arith.muli %get3A_29, %mul3A_32 : i32
    %iota3A = tpu.iota {dimensions = array<i32: 0>} : vector<256x1xi32>
    %add3A = vector.broadcast %mul3A_33 : i32 to vector<256x1xi32>
    %add3A_34 = arith.addi %add3A, %iota3A : vector<256x1xi32>
    %get3A_35 = arith.index_cast %get3A_31 : i32 to index
    %get3A_36 = memref.load %arg2[%get3A_35] : memref<8xi32, #tpu.memory_space<smem>>
    %get3A_37 = arith.index_cast %get3A_31 : i32 to index
    %get3A_38 = memref.load %arg3[%get3A_37] : memref<8xi32, #tpu.memory_space<smem>>
    %ge3A = vector.broadcast %get3A_36 : i32 to vector<256x1xi32>
    %ge3A_39 = arith.cmpi sge, %add3A_34, %ge3A : vector<256x1xi32>
    %add3A_40 = arith.addi %get3A_36, %get3A_38 : i32
    %lt3A = vector.broadcast %add3A_40 : i32 to vector<256x1xi32>
    %lt3A_41 = arith.cmpi slt, %add3A_34, %lt3A : vector<256x1xi32>
    %and3A = arith.andi %ge3A_39, %lt3A_41 : vector<256x1xi1>
    %get3A_42 = arith.index_cast %arg0 : i32 to index
    %get3A_43 = memref.load %arg6[%get3A_42] : memref<24xi32, #tpu.memory_space<smem>>
    %gt3A = arith.constant 0 : i32
    %gt3A_44 = arith.cmpi sgt, %get3A_43, %gt3A : i32
    %and3A_45 = vector.broadcast %gt3A_44 : i1 to vector<256x1xi1>
    %and3A_46 = arith.andi %and3A, %and3A_45 : vector<256x1xi1>
    %jit3A = arith.constant 0.000000e+00 : f32
    %broadcast_in_dim3A = vector.shape_cast %and3A_46 : vector<256x1xi1> to vector<256x1xi1>
    %broadcast_in_dim3A_47 = vector.broadcast %broadcast_in_dim3A : vector<256x1xi1> to vector<256x1024xi1>
    %broadcast_in_dim3A_48 = vector.broadcast %jit3A : f32 to vector<256x1024xf32>
    %select_n3A = arith.select %broadcast_in_dim3A_47, %dot_general3A_27, %broadcast_in_dim3A_48 : vector<256x1024xi1>, vector<256x1024xf32>
    %convert_element_type3A_49 = arith.truncf %select_n3A : vector<256x1024xf32> to vector<256x1024xbf16>
    %sub3A = arith.constant 1 : i32
    %sub3A_50 = arith.subi %arg0, %sub3A : i32
    %max3A = arith.constant 0 : i32
    %max3A_51 = arith.maxsi %sub3A_50, %max3A : i32
    %get3A_52 = arith.index_cast %max3A_51 : i32 to index
    %get3A_53 = memref.load %arg4[%get3A_52] : memref<24xi32, #tpu.memory_space<smem>>
    %eq3A = arith.constant 0 : i32
    %eq3A_54 = arith.cmpi eq, %arg1, %eq3A : i32
    %eq3A_55 = arith.constant 0 : i32
    %eq3A_56 = arith.cmpi eq, %arg0, %eq3A_55 : i32
    %ne3A = arith.cmpi ne, %get3A_29, %get3A_53 : i32
    %or3A = arith.ori %eq3A_56, %ne3A : i1
    %and3A_57 = arith.andi %eq3A_54, %or3A : i1
    %convert_element_type3A_58 = arith.extui %and3A_57 : i1 to i32
    %cond3A = arith.constant 0 : i32
    %cond3A_59 = arith.cmpi ne, %convert_element_type3A_58, %cond3A : i32
    scf.if %cond3A_59 {
      %swap3A = arith.constant 0 : index
      %swap3A_64 = arith.constant 0 : index
      %swap3A_65 = vector.load %arg11[%swap3A, %swap3A_64] : memref<256x1024xbf16, #tpu.memory_space<vmem>>, vector<256x1024xbf16>
      tpu.vector_store %arg11[%swap3A, %swap3A_64], %convert_element_type3A_49 {strides = array<i32>} : memref<256x1024xbf16, #tpu.memory_space<vmem>>, vector<256x1024xbf16>,
    } else {
    }
    %not3A = arith.constant true
    %not3A_60 = arith.xori %and3A_57, %not3A : i1
    %convert_element_type3A_61 = arith.extui %not3A_60 : i1 to i32
    %cond3A_62 = arith.constant 0 : i32
    %cond3A_63 = arith.cmpi ne, %convert_element_type3A_61, %cond3A_62 : i32
    scf.if %cond3A_63 {
      %get3A_64 = arith.constant 0 : index
      %get3A_65 = arith.constant 0 : index
      %get3A_66 = vector.load %arg11[%get3A_64, %get3A_65] : memref<256x1024xbf16, #tpu.memory_space<vmem>>, vector<256x1024xbf16>
      %add3A_67 = arith.addf %get3A_66, %convert_element_type3A_49 : vector<256x1024xbf16>
      %swap3A = arith.constant 0 : index
      %swap3A_68 = arith.constant 0 : index
      %swap3A_69 = vector.load %arg11[%swap3A, %swap3A_68] : memref<256x1024xbf16, #tpu.memory_space<vmem>>, vector<256x1024xbf16>
      tpu.vector_store %arg11[%swap3A, %swap3A_68], %add3A_67 {strides = array<i32>} : memref<256x1024xbf16, #tpu.memory_space<vmem>>, vector<256x1024xbf16>,
    } else {
    }
    return
  }
  func.func @transform_0(%arg0: i32, %arg1: i32, %arg2: memref<8xi32, #tpu.memory_space<smem>>, %arg3: memref<8xi32, #tpu.memory_space<smem>>, %arg4: memref<24xi32, #tpu.memory_space<smem>>, %arg5: memref<24xi32, #tpu.memory_space<smem>>, %arg6: memref<24xi32, #tpu.memory_space<smem>>) -> (i32, i32) {
    %get3A = arith.index_cast %arg0 : i32 to index
    %get3A_0 = memref.load %arg4[%get3A] : memref<24xi32, #tpu.memory_space<smem>>
    %c0_i32 = arith.constant 0 : i32
    %c0_i32_1 = arith.constant 0 : i32
    return %get3A_0, %c0_i32 : i32, i32
  }
  func.func @transform_1(%arg0: i32, %arg1: i32, %arg2: memref<8xi32, #tpu.memory_space<smem>>, %arg3: memref<8xi32, #tpu.memory_space<smem>>, %arg4: memref<24xi32, #tpu.memory_space<smem>>, %arg5: memref<24xi32, #tpu.memory_space<smem>>, %arg6: memref<24xi32, #tpu.memory_space<smem>>) -> (i32, i32, i32) {
    %get3A = arith.index_cast %arg0 : i32 to index
    %get3A_0 = memref.load %arg5[%get3A] : memref<24xi32, #tpu.memory_space<smem>>
    %c0_i32 = arith.constant 0 : i32
    %c0_i32_1 = arith.constant 0 : i32
    return %get3A_0, %c0_i32, %arg1 : i32, i32, i32
  }
  func.func @transform_2(%arg0: i32, %arg1: i32, %arg2: memref<8xi32, #tpu.memory_space<smem>>, %arg3: memref<8xi32, #tpu.memory_space<smem>>, %arg4: memref<24xi32, #tpu.memory_space<smem>>, %arg5: memref<24xi32, #tpu.memory_space<smem>>, %arg6: memref<24xi32, #tpu.memory_space<smem>>) -> (i32, i32, i32) {
    %get3A = arith.index_cast %arg0 : i32 to index
    %get3A_0 = memref.load %arg5[%get3A] : memref<24xi32, #tpu.memory_space<smem>>
    %c0_i32 = arith.constant 0 : i32
    %c0_i32_1 = arith.constant 0 : i32
    return %get3A_0, %c0_i32, %arg1 : i32, i32, i32
  }
  func.func @transform_3(%arg0: i32, %arg1: i32, %arg2: memref<8xi32, #tpu.memory_space<smem>>, %arg3: memref<8xi32, #tpu.memory_space<smem>>, %arg4: memref<24xi32, #tpu.memory_space<smem>>, %arg5: memref<24xi32, #tpu.memory_space<smem>>, %arg6: memref<24xi32, #tpu.memory_space<smem>>) -> (i32, i32, i32) {
    %get3A = arith.index_cast %arg0 : i32 to index
    %get3A_0 = memref.load %arg5[%get3A] : memref<24xi32, #tpu.memory_space<smem>>
    %c0_i32 = arith.constant 0 : i32
    %c0_i32_1 = arith.constant 0 : i32
    return %get3A_0, %arg1, %c0_i32 : i32, i32, i32
  }
  func.func @transform_4(%arg0: i32, %arg1: i32, %arg2: memref<8xi32, #tpu.memory_space<smem>>, %arg3: memref<8xi32, #tpu.memory_space<smem>>, %arg4: memref<24xi32, #tpu.memory_space<smem>>, %arg5: memref<24xi32, #tpu.memory_space<smem>>, %arg6: memref<24xi32, #tpu.memory_space<smem>>) -> (i32, i32) {
    %get3A = arith.index_cast %arg0 : i32 to index
    %get3A_0 = memref.load %arg4[%get3A] : memref<24xi32, #tpu.memory_space<smem>>
    %c0_i32 = arith.constant 0 : i32
    %c0_i32_1 = arith.constant 0 : i32
    return %get3A_0, %c0_i32 : i32, i32
  }
}

module attributes {stable_mosaic.version = 14 : i64} {
  func.func @_k7(%arg0: i32, %arg1: memref<256x1024xf32, #tpu.memory_space<vmem>>, %arg2: memref<256x1024xbf16, #tpu.memory_space<vmem>>, %arg3: memref<256x1024xbf16, #tpu.memory_space<vmem>>, %arg4: memref<256x2xf32, #tpu.memory_space<vmem>>, %arg5: memref<1x1024xf32, #tpu.memory_space<vmem>>, %arg6: memref<256x1024xf32, #tpu.memory_space<vmem>>) attributes {dimension_semantics = [#tpu.dimension_semantics<arbitrary>], iteration_bounds = array<i64: 8>, scalar_prefetch = 0 : i64, scratch_operands = 0 : i64, tpu.core_type = #tpu.core_type<tc>, window_params = [{transform_indices = @transform_0, window_bounds = array<i64: 256, 1024>}, {transform_indices = @transform_1, window_bounds = array<i64: 256, 1024>}, {transform_indices = @transform_2, window_bounds = array<i64: 256, 1024>}, {transform_indices = @transform_3, window_bounds = array<i64: 256, 2>}, {pipeline_mode = #tpu.pipeline_mode<synchronous>, transform_indices = @transform_4, window_bounds = array<i64: 1, 1024>}, {transform_indices = @transform_5, window_bounds = array<i64: 256, 1024>}]} {
    %get3A = arith.constant 0 : index
    %get3A_0 = arith.constant 0 : index
    %get3A_1 = vector.load %arg4[%get3A, %get3A_0] : memref<256x2xf32, #tpu.memory_space<vmem>>, vector<256x2xf32>
    %slice3A = vector.extract_strided_slice %get3A_1 {offsets = [0, 0], sizes = [256, 1], strides = [1, 1]} : vector<256x2xf32> to vector<256x1xf32>
    %get3A_2 = arith.constant 0 : index
    %get3A_3 = arith.constant 0 : index
    %get3A_4 = vector.load %arg2[%get3A_2, %get3A_3] : memref<256x1024xbf16, #tpu.memory_space<vmem>>, vector<256x1024xbf16>
    %convert_element_type3A = arith.extf %get3A_4 : vector<256x1024xbf16> to vector<256x1024xf32>
    %mul3A = vector.broadcast %slice3A : vector<256x1xf32> to vector<256x1024xf32>
    %mul3A_5 = arith.mulf %mul3A, %convert_element_type3A : vector<256x1024xf32>
    %slice3A_6 = vector.extract_strided_slice %get3A_1 {offsets = [0, 1], sizes = [256, 1], strides = [1, 1]} : vector<256x2xf32> to vector<256x1xf32>
    %get3A_7 = arith.constant 0 : index
    %get3A_8 = arith.constant 0 : index
    %get3A_9 = vector.load %arg3[%get3A_7, %get3A_8] : memref<256x1024xbf16, #tpu.memory_space<vmem>>, vector<256x1024xbf16>
    %convert_element_type3A_10 = arith.extf %get3A_9 : vector<256x1024xbf16> to vector<256x1024xf32>
    %mul3A_11 = vector.broadcast %slice3A_6 : vector<256x1xf32> to vector<256x1024xf32>
    %mul3A_12 = arith.mulf %mul3A_11, %convert_element_type3A_10 : vector<256x1024xf32>
    %add3A = arith.addf %mul3A_5, %mul3A_12 : vector<256x1024xf32>
    %get3A_13 = arith.constant 0 : index
    %get3A_14 = arith.constant 0 : index
    %get3A_15 = vector.load %arg1[%get3A_13, %get3A_14] : memref<256x1024xf32, #tpu.memory_space<vmem>>, vector<256x1024xf32>
    %get3A_16 = arith.constant 0 : index
    %get3A_17 = arith.constant 0 : index
    %get3A_18 = vector.load %arg5[%get3A_16, %get3A_17] : memref<1x1024xf32, #tpu.memory_space<vmem>>, vector<1x1024xf32>
    %mul3A_19 = vector.broadcast %get3A_18 : vector<1x1024xf32> to vector<256x1024xf32>
    %mul3A_20 = arith.mulf %mul3A_19, %add3A : vector<256x1024xf32>
    %add3A_21 = arith.addf %get3A_15, %mul3A_20 : vector<256x1024xf32>
    %swap3A = arith.constant 0 : index
    %swap3A_22 = arith.constant 0 : index
    %swap3A_23 = vector.load %arg6[%swap3A, %swap3A_22] : memref<256x1024xf32, #tpu.memory_space<vmem>>, vector<256x1024xf32>
    tpu.vector_store %arg6[%swap3A, %swap3A_22], %add3A_21 {strides = array<i32>} : memref<256x1024xf32, #tpu.memory_space<vmem>>, vector<256x1024xf32>,
    return
  }
  func.func @transform_0(%arg0: i32) -> (i32, i32) {
    %c0_i32 = arith.constant 0 : i32
    %c0_i32_0 = arith.constant 0 : i32
    return %arg0, %c0_i32 : i32, i32
  }
  func.func @transform_1(%arg0: i32) -> (i32, i32) {
    %c0_i32 = arith.constant 0 : i32
    %c0_i32_0 = arith.constant 0 : i32
    return %arg0, %c0_i32 : i32, i32
  }
  func.func @transform_2(%arg0: i32) -> (i32, i32) {
    %c0_i32 = arith.constant 0 : i32
    %c0_i32_0 = arith.constant 0 : i32
    return %arg0, %c0_i32 : i32, i32
  }
  func.func @transform_3(%arg0: i32) -> (i32, i32) {
    %c0_i32 = arith.constant 0 : i32
    %c0_i32_0 = arith.constant 0 : i32
    return %arg0, %c0_i32 : i32, i32
  }
  func.func @transform_4(%arg0: i32) -> (i32, i32) {
    %c0_i32 = arith.constant 0 : i32
    %c0_i32_0 = arith.constant 0 : i32
    %c0_i32_1 = arith.constant 0 : i32
    return %c0_i32, %c0_i32_0 : i32, i32
  }
  func.func @transform_5(%arg0: i32) -> (i32, i32) {
    %c0_i32 = arith.constant 0 : i32
    %c0_i32_0 = arith.constant 0 : i32
    return %arg0, %c0_i32 : i32, i32
  }
}

</mosaic_0001>

<sc_bundles>
// kernel: kernel.11.cloned.1.call-start
scs
__scs_entry_jumppad:
0x0: {  	(pc) =	sbr.rel $0x88, $3  }
0x1: {  	(tag) =	ssettag $0x0;
	lr =	simm.s32 $0x1  }
0x2: {  	[smem:$0x3F8E] =	sst lr;
	_ =	strace $0xD0000000  }
0x3: {  	_ = 	snop  }
0x4: {  	_ = 	snop  }
0x5: {  	_ = 	snop  }
0x6: {  	_ = 	snop  }
0x7: {  	_ = 	snop  }
__scs_overlays_trampoline_lowered:
0x8: {  	[smem:$0x3F9D] =	sst s0  }
0x9: {  	[smem:$0x3F9E] =	sst s1  }
0xa: {  	[smem:$0x3F9F] =	sst s2  }
0xb: {  	[smem:$0x3FA0] =	sst s3  }
0xc: {  	[smem:$0x3FA1] =	sst s4  }
0xd: {  	[smem:$0x3FA2] =	sst s5  }
0xe: {  	[smem:$0x3FA3] =	sst s6  }
0xf: {  	[smem:$0x3FA4] =	sst s7  }
0x10: {  	[smem:$0x3FA5] =	sst s8  }
0x11: {  	[smem:$0x3FA6] =	sst s9;
	s0 =	simm.s32 @!p0 $0x0  }
0x12: {  	s1 =	sld [smem:$0x3F8C];
	s0 =	simm.s32 @p0 $0x1  }
0x13: {  	[smem:$0x3FA7] =	sst s0;
	s0 =	simm.s32 @!p1 $0x0  }
0x14: {  	s2 =	sld [smem:$0x3F8B];
	s0 =	simm.s32 @p1 $0x1  }
0x15: {  	[smem:$0x3FA8] =	sst s0;
	s0 =	simm.s32 @!p2 $0x0  }
0x16: {  	s3 =	sld [smem:$0x3FDB];
	s0 =	simm.s32 @p2 $0x1  }
0x17: {  	s4 =	simm.s32 $0x1BF5;
	[smem:$0x3FAA] =	sst s0  }
0x18: {  	s0 =	sld [smem:$0x3F8D];
	_ =	swait.ge [sflag:s4], $0x0  }
0x19: {  	s7 =	sld [smem:$0x3F8E]  }
0x1a: {  	s8 =	sadd.s32 $0xFFFFE003, lr  }
0x1b: {  	s9 =	sadd.s32 $0xFFFFFEF7, lr;
	s5 =	simm.s32 $0xFFFFFFFF;
	p2 =	slt.u32 s8, $0xFFFFF086  }
0x1c: {  	p1 =	slt.u32 s9, $0xF7A;
	s5 =	simm.s32 @!p2 $0x0  }
0x1d: {  	s5 =	simm.s32 @p1 $0x1;
	p0 =	seq.s32 s7, s2  }
0x1e: {  	s7 =	smul.u32 @!p0 $0xF7A, s2;
	p2 =	seq.s32 @!p0 s5, $0x0  }
0x1f: {  	s9 =	smul.u32 $0xF7A, s1;
	s8 =	simm.s32 @!p0 $0x1BF5;
	p2 =	por !p2, p0  }
0x20: {  	[sflag:s8] =	ssyncset.s32 @!p0 $0xFFFFF086;
	s6 =	sadd.s32 @!p0 s3, s7;
	s7 =	simm.s32 @!p0 $0x108  }
0x21: {  	s3 =	sadd.s32 s3, s9;
	s6 =	sadd.s32 @!p0 $0x88, s6;
	s7 =	simm.s32 @p2 $0x1082  }
0x22: {  	[simem:s7], [sflag:s8] =	dma.local @!p0 [hbm:s6], $0xF7A  }
0x23: {  	s9 =	sor.u32 $0xD0000000, s2;
	s6 =	simm.s32 $0x108;
	_ =	swait.ge @!p0 [sflag:s8], $0x0  }
0x24: {  	s3 =	sadd.s32 $0x88, s3;
	s6 =	simm.s32 @!p1 $0x1082;
	[sflag:s4] =	ssyncset.s32 $0xFFFFF086  }
0x25: {  	[simem:s6], [sflag:s4] =	dma.local [hbm:s3], $0xF7A  }
0x26: {  	[smem:$0x3F8E] =	sst s1;
	(tag) =	ssettag s2;
	_ =	strace s9  }
0x27: {  	s1 =	sld [smem:$0x3F9E]  }
0x28: {  	s2 =	sld [smem:$0x3F9F]  }
0x29: {  	s4 =	sld [smem:$0x3FA1]  }
0x2a: {  	p0 =	seq.s32 s5, $0x0;
	s5 =	sld [smem:$0x3FA2]  }
0x2b: {  	s6 =	sld [smem:$0x3FA3]  }
0x2c: {  	s7 =	sld [smem:$0x3FA4]  }
0x2d: {  	s3 =	simm.s32 $0x108;
	s8 =	sld [smem:$0x3FA5]  }
0x2e: {  	s3 =	simm.s32 @!p0 $0x1082;
	s9 =	sld [smem:$0x3FA6]  }
0x2f: {  	lr =	sadd.s32 s0, s3;
	s0 =	sld [smem:$0x3F9D]  }
0x30: {  	s3 =	sld [smem:$0x3FA0]  }
0x31: {  	[smem:$0x3FA9] =	sst s10  }
0x32: {  	s10 =	sld [smem:$0x3FA7];
	_ =	sdelay $0x3  }
0x33: {  	p0 =	seq.s32 s10, $0x1;
	s10 =	sld [smem:$0x3FA9];
	_ =	sdelay $0x3  }
0x34: {  	[smem:$0x3FA9] =	sst s10  }
0x35: {  	s10 =	sld [smem:$0x3FA8];
	_ =	sdelay $0x3  }
0x36: {  	p1 =	seq.s32 s10, $0x1;
	s10 =	sld [smem:$0x3FA9];
	_ =	sdelay $0x3  }
0x37: {  	[smem:$0x3FA9] =	sst s10  }
0x38: {  	s10 =	sld [smem:$0x3FAA]  }
0x39: {  	_ = 	snop;
	(pc) =	sbr.ind lr, $3  }
0x3a: {  	_ = 	snop  }
0x3b: {  	_ = 	snop  }
0x3c: {  	p2 =	seq.s32 s10, $0x1;
	s10 =	sld [smem:$0x3FA9]  }
0x3d: {  	_ =	shalt  }
0x3e: {  	_ =	shalt  }
0x3f: {  	_ =	shalt  }
0x40: {  	_ =	shalt  }
0x41: {  	_ =	shalt  }
0x42: {  	_ =	shalt  }
0x43: {  	_ =	shalt  }
0x44: {  	_ =	shalt  }
0x45: {  	_ =	shalt  }
0x46: {  	_ =	shalt  }
0x47: {  	_ =	shalt  }
0x48: {  	_ =	shalt  }
0x49: {  	_ =	shalt  }
0x4a: {  	_ =	shalt  }
0x4b: {  	_ =	shalt  }
0x4c: {  	_ =	shalt  }
0x4d: {  	_ =	shalt  }
0x4e: {  	_ =	shalt  }
0x4f: {  	_ =	shalt  }
0x50: {  	_ =	shalt  }
0x51: {  	_ =	shalt  }
0x52: {  	_ =	shalt  }
0x53: {  	_ =	shalt  }
0x54: {  	_ =	shalt  }
0x55: {  	_ =	shalt  }
0x56: {  	_ =	shalt  }
0x57: {  	_ =	shalt  }
0x58: {  	_ =	shalt  }
0x59: {  	_ =	shalt  }
0x5a: {  	_ =	shalt  }
0x5b: {  	_ =	shalt  }
0x5c: {  	_ =	shalt  }
0x5d: {  	_ =	shalt  }
0x5e: {  	_ =	shalt  }
0x5f: {  	_ =	shalt  }
0x60: {  	_ =	shalt  }
0x61: {  	_ =	shalt  }
0x62: {  	_ =	shalt  }
0x63: {  	_ =	shalt  }
0x64: {  	_ =	shalt  }
0x65: {  	_ =	shalt  }
0x66: {  	_ =	shalt  }
0x67: {  	_ =	shalt  }
0x68: {  	_ =	shalt  }
0x69: {  	_ =	shalt  }
0x6a: {  	_ =	shalt  }
0x6b: {  	_ =	shalt  }
0x6c: {  	_ =	shalt  }
0x6d: {  	_ =	shalt  }
0x6e: {  	_ =	shalt  }
0x6f: {  	_ =	shalt  }
0x70: {  	_ =	shalt  }
0x71: {  	_ =	shalt  }
0x72: {  	_ =	shalt  }
0x73: {  	_ =	shalt  }
0x74: {  	_ =	shalt  }
0x75: {  	_ =	shalt  }
0x76: {  	_ =	shalt  }
0x77: {  	_ =	shalt  }
0x78: {  	_ =	shalt  }
0x79: {  	_ =	shalt  }
0x7a: {  	_ =	shalt  }
0x7b: {  	_ =	shalt  }
0x7c: {  	_ =	shalt  }
0x7d: {  	_ =	shalt  }
0x7e: {  	_ =	shalt  }
0x7f: {  	_ =	shalt  }
0x80: {  	_ =	shalt  }
0x81: {  	_ =	shalt  }
0x82: {  	_ =	shalt  }
0x83: {  	_ =	shalt  }
0x84: {  	_ =	shalt  }
0x85: {  	_ =	shalt  }
0x86: {  	_ =	shalt  }
0x87: {  	_ =	shalt  }
.Lfunc_end0:
.L_simem_size_0:
called_computation_lowered:
.L_overlay_start_0:
0x88: {  	s2 =	sld [smem:$0x3FD9]  }
0x89: {  	s3 =	sld [smem:$0x3FFE];
	_ =	sdelay $0x1  }
0x8a: {  	s1 =	srdreg.scid  }
0x8b: {  	s0 =	sand.u32 $0x1, s1  }
0x8c: {  	s16 =	sshll.u32 s0, $0xA;
	s2 =	sadd.s32 s3, s2  }
0x8d: {  	s2 =	sadd.s32 s2, s16  }
0x8e: {  	[smem:$0x3FB5] =	sst s2  }
0x8f: {  	_ = 	snop  }
0x90: {  	(tm) =	ssettm $0x1  }
0x91: {  	s17 =	sld [smem:$0x3FFB];
	_ =	sdelay $0x3  }
0x92: {  	_ =	strace s17  }
0x93: {  	s2 =	sld [smem:$0x3FFC];
	_ =	sdelay $0x3  }
0x94: {  	_ =	strace s2  }
0x95: {  	s2 =	sld [smem:$0x3FFD];
	_ =	sdelay $0x3  }
0x96: {  	_ =	strace s2  }
0x97: {  	_ =	strace $0x8FFFFFFF  }
0x98: {  	s18 =	sld [smem:$0x3FDB];
	_ =	sdelay $0x1  }
0x99: {  	s19 =	simm.s32 $_scs_section_size  }
0x9a: {  	s4 =	simm.s32 $_size__tile_overlayer_lowered;
	s5 =	simm.s32 $_tile_overlayer_lowered  }
0x9b: {  	s22 =	simm.s32 $0x1BFF;
	s21 =	sshll.u32 s5, $0x1;
	s2 =	sadd.s32 s19, s18  }
0x9c: {  	s6 =	simm.s32 $0x0;
	s20 =	sshll.u32 s4, $0x1;
	s4 =	sadd.s32 s21, s2  }
0x9d: {  	[timem:s6], [sflag:s22] =	dma.local [hbm:s4], s20  }
0x9e: {  	_ =	swait.ge [sflag:s22], s20  }
0x9f: {  	s3 =	ssub.s32 $0x0, s20;
	[sflag:s22] =	ssyncset.done $0x0  }
0xa0: {  	[sflag:s22] =	ssyncadd.s32 s3;
	_ =	sdelay $0x1  }
0xa1: {  	s23 =	simm.s32 $0x1B8B  }
0xa2: {  	_ =	swait.ge [sflag:s23], $0x1  }
0xa3: {  	[sflag:s23] =	ssyncset.done $0x0  }
0xa4: {  	s25 =	simm.s32 $0x1B8E;
	s24 =	sld [smem:$0x3FFE];
	[sflag:s23] =	ssyncadd.s32 $0xFFFFFFFF  }
0xa5: {  	s26 =	simm.s32 $execute0_lowered;
	[smem:$0x3FD2] =	sst s25  }
0xa6: {  	s4 =	sshll.u32 s26, $0x1;
	_ =	strace $0x80000046;
	[dreg:$0x1] =	wrdreg $0xFFFFFFFF  }
0xa7: {  	s28 =	simm.s32 $_size_execute0_lowered;
	s2 =	sadd.s32 s2, s4;
	[dreg:$0x0] =	wrdreg $0x0  }
0xa8: {  	s4 =	sshll.u32 s28, $0x1;
	[dreg:$0x2] =	wrdreg s2  }
0xa9: {  	[dreg:$0x3] =	wrdreg s4  }
0xaa: {  	[dreg:$0x4] =	wrdreg $0xC0  }
0xab: {  	_ =	task [dreg:s6], $0x5FFFF  }
0xac: {  	[dreg:$0x1] =	wrdreg $0xFFFFFFFF  }
0xad: {  	[dreg:$0x0] =	wrdreg $0x60  }
0xae: {  	[dreg:$0x2] =	wrdreg s24  }
0xaf: {  	[dreg:$0x3] =	wrdreg $0x9  }
0xb0: {  	_ =	task.clear_ibuf [dreg:s6], $0x4FFFF;
	_ =	strace $0x90000046  }
0xb1: {  	s29 =	simm.s32 $0x9;
	_ =	strace $0x80000048  }
0xb2: {  	_ =	swait.ge [sflag:s29], $0x1  }
0xb3: {  	[sflag:s29] =	ssyncadd.s32 $0xFFFFFFFF  }
0xb4: {  	_ =	strace $0x90000048  }
0xb5: {  	_ =	sfence  }
0xb6: {  	s30 =	sld [smem:$0x0];
	_ =	sdelay $0x2  }
0xb7: {  	s31 =	sshll.u32 s1, $0xD;
	s1 =	sshrl.u32 s1, $0x2  }
0xb8: {  	s3 =	sand.u32 $0x4000, s31;
	s1 =	sadd.s32 s1, s30  }
0xb9: {  	s0 =	sor.u32 s3, s0;
	s1 =	sshll.u32 s1, $0x11  }
0xba: {  	s0 =	sor.u32 s1, s0  }
0xbb: {  	s0 =	sadd.s32 $0x8F2B, s0  }
0xbc: {  	[sflag:s0] =	ssyncadd.remote.s32 $0x1  }
0xbd: {  	_ =	sfence.sel $0xFFFF  }
0xbe: {  	[dreg:$0x0] =	wrdreg $0xFFFFFFFF;
	(pc) =	sbr.abs _section_cstart, $3  }
0xbf: {  	[dreg:$0x1] =	wrdreg $0xFFFFFFFF  }
0xc0: {  	_ =	task.clear_ibuf [dreg:s6], $0x2FFFF;
	_ =	strace $0x9FFFFFFF  }
0xc1: {  	(tm) =	ssettm $0x7FFFFFFF  }
tec
execute0_lowered:
.L_overlay_start_1:
0x0: {  	(tag) =	ssettag $0x1  }
0x1: {  	s1 =	srdreg.scid  }
0x2: {  	s0 =	stileid.u32;
	s10 =	sand.u32 $0x1, s1  }
0x3: {  	s3 =	sshll.u32 s0, $0x7;
	s4 =	sshll.u32 s10, $0x6  }
0x4: {  	s7 =	rddreg [dreg:$0x0];
	s6 =	sor.u32 s4, s3  }
0x5: {  	s2 =	simm.s32 $0x0;
	s1 =	rddreg [dreg:$0x1];
	s3 =	sshll.u32 s6, $0x6  }
0x6: {  	s5 =	simm.s32 $0x2;
	[smem:$0x7FF] =	sst s2;
	s3 =	sadd.s32 s3, s7  }
0x7: {  	_ =	strace $0x80000047;
	s4 =	simm.s32 $0x80;
	s3 =	sadd.s32 $0xD800, s3  }
0x8: {  	[tilespmem:s4], [sflag:$0x2] =	stream.linear.gather [hbm4b:s3+s2], $0x8000, $0x38;
	[tilespmem:$0x8080] =	vst v63  }
0x9: {  	s6 =	sshrl.u32 s6, $0x3;
	_ =	swait.ge [sflag:s5], $0x8000  }
0xa: {  	s11 =	sadd.s32 s6, s7;
	[sflag:s5] =	ssyncset.done $0x0  }
0xb: {  	s6 =	sadd.s32 $0xD600, s11;
	[sflag:s5] =	ssyncadd.s32 $0xFFFF8000  }
0xc: {  	[tilespmem:s2], [sflag:$0x2] =	stream.linear.gather [hbm4b:s6+s2], $0x40, $0x38;
	[tilespmem:$0x8080] =	vst v63  }
0xd: {  	_ =	swait.ge [sflag:s5], $0x40  }
0xe: {  	s9 =	simm.s32 $0x40;
	s8 =	simm.s32 $0x1;
	[sflag:s5] =	ssyncset.done $0x0  }
0xf: {  	s12 =	ssub.s32 $0x2, s10;
	s7 =	sadd.s32 $0x2D800, s7;
	[sflag:s5] =	ssyncadd.s32 $0xFFFFFFC0  }
0x10: {  	[hbm4b:s7+s9] =	stream.indirect.scatter [tilespmem:s4], [sflag:$0x1], $0x200, s2, s9, $0xb8;
	[tilespmem:$0x8080] =	vst v63  }
0x11: {  	s31 =	sshrl.u32 s12, $0x1;
	_ =	swait.ge [sflag:s8], $0x8000  }
0x12: {  	s10 =	sadd.s32 $0xD400, s11;
	s11 =	ssub.s32 s12, s31;
	[sflag:s8] =	ssyncset.done $0x0  }
0x13: {  	s11 =	smax.u32 s11, $0x1;
	[sflag:s8] =	ssyncadd.s32 $0xFFFF8000  }
0x14: {  	[tilespmem:s2], [sflag:$0x2] =	stream.linear.gather [hbm4b:s10+s2], $0x40, $0x38;
	[tilespmem:$0x8080] =	vst v63  }
0x15: {  	p0 =	sne.s32 s11, $0x1;
	_ =	swait.ge [sflag:s5], $0x40  }
.Ltmp0:
0x16: {  	[sflag:s5] =	ssyncset.done $0x0;
	(pc) =	sbr.rel @!p0 .LBB2_2-.Ltmp0, $4  }
0x17: {  	[sflag:s5] =	ssyncadd.s32 $0xFFFFFFC0  }
0x18: {  	[hbm4b:s7+s9] =	stream.indirect.scatter [tilespmem:s4], [sflag:$0x1], $0x200, s2, s9, $0xb8;
	[tilespmem:$0x8080] =	vst v63  }
0x19: {  	_ =	swait.ge [sflag:s8], $0x8000  }
0x1a: {  	s11 =	sadd.s32 $0xFFFFFFFF, s11;
	[sflag:s8] =	ssyncset.done $0x0  }
.LBB2_1:
0x1b: {  	p0 =	sne.s32 s11, $0x1;
	s11 =	sadd.s32 $0xFFFFFFFF, s11;
	[sflag:s8] =	ssyncadd.s32 $0xFFFF8000  }
0x1c: {  	[tilespmem:s4], [sflag:$0x2] =	stream.linear.gather [hbm4b:s3+s2], $0x8000, $0x38;
	[tilespmem:$0x8080] =	vst v63  }
0x1d: {  	_ =	swait.ge [sflag:s5], $0x8000  }
0x1e: {  	[sflag:s5] =	ssyncset.done $0x0  }
0x1f: {  	[sflag:s5] =	ssyncadd.s32 $0xFFFF8000  }
0x20: {  	[tilespmem:s2], [sflag:$0x2] =	stream.linear.gather [hbm4b:s6+s2], $0x40, $0x38;
	[tilespmem:$0x8080] =	vst v63  }
0x21: {  	_ =	swait.ge [sflag:s5], $0x40  }
0x22: {  	[sflag:s5] =	ssyncset.done $0x0  }
0x23: {  	[sflag:s5] =	ssyncadd.s32 $0xFFFFFFC0  }
0x24: {  	[hbm4b:s7+s9] =	stream.indirect.scatter [tilespmem:s4], [sflag:$0x1], $0x200, s2, s9, $0xb8;
	[tilespmem:$0x8080] =	vst v63  }
0x25: {  	_ =	swait.ge [sflag:s8], $0x8000  }
0x26: {  	[sflag:s8] =	ssyncset.done $0x0  }
0x27: {  	[sflag:s8] =	ssyncadd.s32 $0xFFFF8000  }
0x28: {  	[tilespmem:s2], [sflag:$0x2] =	stream.linear.gather [hbm4b:s10+s2], $0x40, $0x38;
	[tilespmem:$0x8080] =	vst v63  }
0x29: {  	_ =	swait.ge [sflag:s5], $0x40  }
.Ltmp1:
0x2a: {  	[sflag:s5] =	ssyncset.done $0x0;
	(pc) =	sbr.rel @p0 .LBB2_1-.Ltmp1, $4  }
0x2b: {  	[sflag:s5] =	ssyncadd.s32 $0xFFFFFFC0  }
0x2c: {  	[hbm4b:s7+s9] =	stream.indirect.scatter [tilespmem:s4], [sflag:$0x1], $0x200, s2, s9, $0xb8;
	[tilespmem:$0x8080] =	vst v63  }
0x2d: {  	_ =	swait.ge [sflag:s8], $0x8000  }
0x2e: {  	[sflag:s8] =	ssyncset.done $0x0  }
.LBB2_2:
0x2f: {  	[sflag:s8] =	ssyncadd.s32 $0xFFFF8000  }
0x30: {  	_ =	sfence.sel $0x180000  }
0x31: {  	[bflag:$0x0] =	sbarrier.arrive $0xFFFF  }
0x32: {  	p0 =	sne.s32 s0, $0x0;
	_ =	strace $0x90000047  }
0x33: {  	s0 =	sadd.s32 @!p0 $0x100000, s1;
	[bflag:$0x2] =	sbarrier.arrive $0xFFFF  }
0x34: {  	[sflag:s0] =	ssyncadd.tile.s32 @!p0 $0x1;
	_ =	shalt  }
.Lfunc_end2:
_tile_overlayer_lowered:
.L_overlay_start_2:
0x35: {  	(tag) =	ssettag $0x2  }
0x36: {  	s0 =	rddreg [dreg:$0x0];
	s2 =	stileid.u32  }
0x37: {  	s1 =	rddreg [dreg:$0x1];
	p0 =	sne.s32 s2, $0x0  }
0x38: {  	s3 =	rddreg [dreg:$0x2];
	[bflag:$0x3] =	sbarrier.arrive $0xFFFF;
	s2 =	simm.s32 @!p0 $0x1C02  }
0x39: {  	[timem:s3], [sflag:s2] =	dma.local @!p0 [hbm:s0], s1  }
0x3a: {  	s0 =	simm.s32 @!p0 $0x2  }
0x3b: {  	_ =	swait.ge @!p0 [sflag:s0], s1  }
0x3c: {  	s1 =	ssub.s32 @!p0 $0x0, s1;
	[sflag:s0] =	ssyncset.done @!p0 $0x0  }
0x3d: {  	[sflag:s0] =	ssyncadd.s32 @!p0 s1  }
0x3e: {  	[bflag:$0x3] =	sbarrier.arrive $0xFFFF  }
0x3f: {  	_ =	shalt  }

// kernel: kernel.14.cloned.1.call-start
scs
__scs_entry_jumppad:
0x0: {  	(pc) =	sbr.rel $0x88, $3  }
0x1: {  	(tag) =	ssettag $0x0;
	lr =	simm.s32 $0x1  }
0x2: {  	[smem:$0x3F8E] =	sst lr;
	_ =	strace $0xD0000000  }
0x3: {  	_ = 	snop  }
0x4: {  	_ = 	snop  }
0x5: {  	_ = 	snop  }
0x6: {  	_ = 	snop  }
0x7: {  	_ = 	snop  }
__scs_overlays_trampoline_lowered:
0x8: {  	[smem:$0x3F9D] =	sst s0  }
0x9: {  	[smem:$0x3F9E] =	sst s1  }
0xa: {  	[smem:$0x3F9F] =	sst s2  }
0xb: {  	[smem:$0x3FA0] =	sst s3  }
0xc: {  	[smem:$0x3FA1] =	sst s4  }
0xd: {  	[smem:$0x3FA2] =	sst s5  }
0xe: {  	[smem:$0x3FA3] =	sst s6  }
0xf: {  	[smem:$0x3FA4] =	sst s7  }
0x10: {  	[smem:$0x3FA5] =	sst s8  }
0x11: {  	[smem:$0x3FA6] =	sst s9;
	s0 =	simm.s32 @!p0 $0x0  }
0x12: {  	s1 =	sld [smem:$0x3F8C];
	s0 =	simm.s32 @p0 $0x1  }
0x13: {  	[smem:$0x3FA7] =	sst s0;
	s0 =	simm.s32 @!p1 $0x0  }
0x14: {  	s2 =	sld [smem:$0x3F8B];
	s0 =	simm.s32 @p1 $0x1  }
0x15: {  	[smem:$0x3FA8] =	sst s0;
	s0 =	simm.s32 @!p2 $0x0  }
0x16: {  	s3 =	sld [smem:$0x3FDB];
	s0 =	simm.s32 @p2 $0x1  }
0x17: {  	s4 =	simm.s32 $0x1BF5;
	[smem:$0x3FAA] =	sst s0  }
0x18: {  	s0 =	sld [smem:$0x3F8D];
	_ =	swait.ge [sflag:s4], $0x0  }
0x19: {  	s7 =	sld [smem:$0x3F8E]  }
0x1a: {  	s8 =	sadd.s32 $0xFFFFE003, lr  }
0x1b: {  	s9 =	sadd.s32 $0xFFFFFEF7, lr;
	s5 =	simm.s32 $0xFFFFFFFF;
	p2 =	slt.u32 s8, $0xFFFFF086  }
0x1c: {  	p1 =	slt.u32 s9, $0xF7A;
	s5 =	simm.s32 @!p2 $0x0  }
0x1d: {  	s5 =	simm.s32 @p1 $0x1;
	p0 =	seq.s32 s7, s2  }
0x1e: {  	s7 =	smul.u32 @!p0 $0xF7A, s2;
	p2 =	seq.s32 @!p0 s5, $0x0  }
0x1f: {  	s9 =	smul.u32 $0xF7A, s1;
	s8 =	simm.s32 @!p0 $0x1BF5;
	p2 =	por !p2, p0  }
0x20: {  	[sflag:s8] =	ssyncset.s32 @!p0 $0xFFFFF086;
	s6 =	sadd.s32 @!p0 s3, s7;
	s7 =	simm.s32 @!p0 $0x108  }
0x21: {  	s3 =	sadd.s32 s3, s9;
	s6 =	sadd.s32 @!p0 $0x88, s6;
	s7 =	simm.s32 @p2 $0x1082  }
0x22: {  	[simem:s7], [sflag:s8] =	dma.local @!p0 [hbm:s6], $0xF7A  }
0x23: {  	s9 =	sor.u32 $0xD0000000, s2;
	s6 =	simm.s32 $0x108;
	_ =	swait.ge @!p0 [sflag:s8], $0x0  }
0x24: {  	s3 =	sadd.s32 $0x88, s3;
	s6 =	simm.s32 @!p1 $0x1082;
	[sflag:s4] =	ssyncset.s32 $0xFFFFF086  }
0x25: {  	[simem:s6], [sflag:s4] =	dma.local [hbm:s3], $0xF7A  }
0x26: {  	[smem:$0x3F8E] =	sst s1;
	(tag) =	ssettag s2;
	_ =	strace s9  }
0x27: {  	s1 =	sld [smem:$0x3F9E]  }
0x28: {  	s2 =	sld [smem:$0x3F9F]  }
0x29: {  	s4 =	sld [smem:$0x3FA1]  }
0x2a: {  	p0 =	seq.s32 s5, $0x0;
	s5 =	sld [smem:$0x3FA2]  }
0x2b: {  	s6 =	sld [smem:$0x3FA3]  }
0x2c: {  	s7 =	sld [smem:$0x3FA4]  }
0x2d: {  	s3 =	simm.s32 $0x108;
	s8 =	sld [smem:$0x3FA5]  }
0x2e: {  	s3 =	simm.s32 @!p0 $0x1082;
	s9 =	sld [smem:$0x3FA6]  }
0x2f: {  	lr =	sadd.s32 s0, s3;
	s0 =	sld [smem:$0x3F9D]  }
0x30: {  	s3 =	sld [smem:$0x3FA0]  }
0x31: {  	[smem:$0x3FA9] =	sst s10  }
0x32: {  	s10 =	sld [smem:$0x3FA7];
	_ =	sdelay $0x3  }
0x33: {  	p0 =	seq.s32 s10, $0x1;
	s10 =	sld [smem:$0x3FA9];
	_ =	sdelay $0x3  }
0x34: {  	[smem:$0x3FA9] =	sst s10  }
0x35: {  	s10 =	sld [smem:$0x3FA8];
	_ =	sdelay $0x3  }
0x36: {  	p1 =	seq.s32 s10, $0x1;
	s10 =	sld [smem:$0x3FA9];
	_ =	sdelay $0x3  }
0x37: {  	[smem:$0x3FA9] =	sst s10  }
0x38: {  	s10 =	sld [smem:$0x3FAA]  }
0x39: {  	_ = 	snop;
	(pc) =	sbr.ind lr, $3  }
0x3a: {  	_ = 	snop  }
0x3b: {  	_ = 	snop  }
0x3c: {  	p2 =	seq.s32 s10, $0x1;
	s10 =	sld [smem:$0x3FA9]  }
0x3d: {  	_ =	shalt  }
0x3e: {  	_ =	shalt  }
0x3f: {  	_ =	shalt  }
0x40: {  	_ =	shalt  }
0x41: {  	_ =	shalt  }
0x42: {  	_ =	shalt  }
0x43: {  	_ =	shalt  }
0x44: {  	_ =	shalt  }
0x45: {  	_ =	shalt  }
0x46: {  	_ =	shalt  }
0x47: {  	_ =	shalt  }
0x48: {  	_ =	shalt  }
0x49: {  	_ =	shalt  }
0x4a: {  	_ =	shalt  }
0x4b: {  	_ =	shalt  }
0x4c: {  	_ =	shalt  }
0x4d: {  	_ =	shalt  }
0x4e: {  	_ =	shalt  }
0x4f: {  	_ =	shalt  }
0x50: {  	_ =	shalt  }
0x51: {  	_ =	shalt  }
0x52: {  	_ =	shalt  }
0x53: {  	_ =	shalt  }
0x54: {  	_ =	shalt  }
0x55: {  	_ =	shalt  }
0x56: {  	_ =	shalt  }
0x57: {  	_ =	shalt  }
0x58: {  	_ =	shalt  }
0x59: {  	_ =	shalt  }
0x5a: {  	_ =	shalt  }
0x5b: {  	_ =	shalt  }
0x5c: {  	_ =	shalt  }
0x5d: {  	_ =	shalt  }
0x5e: {  	_ =	shalt  }
0x5f: {  	_ =	shalt  }
0x60: {  	_ =	shalt  }
0x61: {  	_ =	shalt  }
0x62: {  	_ =	shalt  }
0x63: {  	_ =	shalt  }
0x64: {  	_ =	shalt  }
0x65: {  	_ =	shalt  }
0x66: {  	_ =	shalt  }
0x67: {  	_ =	shalt  }
0x68: {  	_ =	shalt  }
0x69: {  	_ =	shalt  }
0x6a: {  	_ =	shalt  }
0x6b: {  	_ =	shalt  }
0x6c: {  	_ =	shalt  }
0x6d: {  	_ =	shalt  }
0x6e: {  	_ =	shalt  }
0x6f: {  	_ =	shalt  }
0x70: {  	_ =	shalt  }
0x71: {  	_ =	shalt  }
0x72: {  	_ =	shalt  }
0x73: {  	_ =	shalt  }
0x74: {  	_ =	shalt  }
0x75: {  	_ =	shalt  }
0x76: {  	_ =	shalt  }
0x77: {  	_ =	shalt  }
0x78: {  	_ =	shalt  }
0x79: {  	_ =	shalt  }
0x7a: {  	_ =	shalt  }
0x7b: {  	_ =	shalt  }
0x7c: {  	_ =	shalt  }
0x7d: {  	_ =	shalt  }
0x7e: {  	_ =	shalt  }
0x7f: {  	_ =	shalt  }
0x80: {  	_ =	shalt  }
0x81: {  	_ =	shalt  }
0x82: {  	_ =	shalt  }
0x83: {  	_ =	shalt  }
0x84: {  	_ =	shalt  }
0x85: {  	_ =	shalt  }
0x86: {  	_ =	shalt  }
0x87: {  	_ =	shalt  }
.Lfunc_end0:
.L_simem_size_0:
called_computation.1_lowered:
.L_overlay_start_0:
0x88: {  	s2 =	sld [smem:$0x3FD9]  }
0x89: {  	s3 =	sld [smem:$0x3FFE];
	_ =	sdelay $0x1  }
0x8a: {  	s1 =	srdreg.scid  }
0x8b: {  	s0 =	sand.u32 $0x1, s1  }
0x8c: {  	s16 =	sshll.u32 s0, $0xA;
	s2 =	sadd.s32 s3, s2  }
0x8d: {  	s2 =	sadd.s32 s2, s16  }
0x8e: {  	[smem:$0x3FB5] =	sst s2  }
0x8f: {  	_ = 	snop  }
0x90: {  	(tm) =	ssettm $0x1  }
0x91: {  	s17 =	sld [smem:$0x3FFB];
	_ =	sdelay $0x3  }
0x92: {  	_ =	strace s17  }
0x93: {  	s2 =	sld [smem:$0x3FFC];
	_ =	sdelay $0x3  }
0x94: {  	_ =	strace s2  }
0x95: {  	s2 =	sld [smem:$0x3FFD];
	_ =	sdelay $0x3  }
0x96: {  	_ =	strace s2  }
0x97: {  	_ =	strace $0x8FFFFFFF  }
0x98: {  	s18 =	sld [smem:$0x3FDB];
	_ =	sdelay $0x1  }
0x99: {  	s19 =	simm.s32 $_scs_section_size  }
0x9a: {  	s4 =	simm.s32 $_size__tile_overlayer_lowered;
	s5 =	simm.s32 $_tile_overlayer_lowered  }
0x9b: {  	s22 =	simm.s32 $0x1BFF;
	s21 =	sshll.u32 s5, $0x1;
	s2 =	sadd.s32 s19, s18  }
0x9c: {  	s6 =	simm.s32 $0x0;
	s20 =	sshll.u32 s4, $0x1;
	s4 =	sadd.s32 s21, s2  }
0x9d: {  	[timem:s6], [sflag:s22] =	dma.local [hbm:s4], s20  }
0x9e: {  	_ =	swait.ge [sflag:s22], s20  }
0x9f: {  	s3 =	ssub.s32 $0x0, s20;
	[sflag:s22] =	ssyncset.done $0x0  }
0xa0: {  	[sflag:s22] =	ssyncadd.s32 s3;
	_ =	sdelay $0x1  }
0xa1: {  	s23 =	simm.s32 $0x1B8B  }
0xa2: {  	_ =	swait.ge [sflag:s23], $0x1  }
0xa3: {  	[sflag:s23] =	ssyncset.done $0x0  }
0xa4: {  	s25 =	simm.s32 $0x1B8E;
	s24 =	sld [smem:$0x3FFE];
	[sflag:s23] =	ssyncadd.s32 $0xFFFFFFFF  }
0xa5: {  	s26 =	simm.s32 $execute0_lowered;
	[smem:$0x3FD2] =	sst s25  }
0xa6: {  	s4 =	sshll.u32 s26, $0x1;
	_ =	strace $0x80000049;
	[dreg:$0x1] =	wrdreg $0xFFFFFFFF  }
0xa7: {  	s28 =	simm.s32 $_size_execute0_lowered;
	s2 =	sadd.s32 s2, s4;
	[dreg:$0x0] =	wrdreg $0x0  }
0xa8: {  	s4 =	sshll.u32 s28, $0x1;
	[dreg:$0x2] =	wrdreg s2  }
0xa9: {  	[dreg:$0x3] =	wrdreg s4  }
0xaa: {  	[dreg:$0x4] =	wrdreg $0xC0  }
0xab: {  	_ =	task [dreg:s6], $0x5FFFF  }
0xac: {  	[dreg:$0x1] =	wrdreg $0xFFFFFFFF  }
0xad: {  	[dreg:$0x0] =	wrdreg $0x60  }
0xae: {  	[dreg:$0x2] =	wrdreg s24  }
0xaf: {  	[dreg:$0x3] =	wrdreg $0x9  }
0xb0: {  	_ =	task.clear_ibuf [dreg:s6], $0x4FFFF;
	_ =	strace $0x90000049  }
0xb1: {  	s29 =	simm.s32 $0x9;
	_ =	strace $0x8000004B  }
0xb2: {  	_ =	swait.ge [sflag:s29], $0x1  }
0xb3: {  	[sflag:s29] =	ssyncadd.s32 $0xFFFFFFFF  }
0xb4: {  	_ =	strace $0x9000004B  }
0xb5: {  	_ =	sfence  }
0xb6: {  	s30 =	sld [smem:$0x0];
	_ =	sdelay $0x2  }
0xb7: {  	s31 =	sshll.u32 s1, $0xD;
	s1 =	sshrl.u32 s1, $0x2  }
0xb8: {  	s3 =	sand.u32 $0x4000, s31;
	s1 =	sadd.s32 s1, s30  }
0xb9: {  	s0 =	sor.u32 s3, s0;
	s1 =	sshll.u32 s1, $0x11  }
0xba: {  	s0 =	sor.u32 s1, s0  }
0xbb: {  	s0 =	sadd.s32 $0x8F2B, s0  }
0xbc: {  	[sflag:s0] =	ssyncadd.remote.s32 $0x1  }
0xbd: {  	_ =	sfence.sel $0xFFFF  }
0xbe: {  	[dreg:$0x0] =	wrdreg $0xFFFFFFFF;
	(pc) =	sbr.abs _section_cstart, $3  }
0xbf: {  	[dreg:$0x1] =	wrdreg $0xFFFFFFFF  }
0xc0: {  	_ =	task.clear_ibuf [dreg:s6], $0x2FFFF;
	_ =	strace $0x9FFFFFFF  }
0xc1: {  	(tm) =	ssettm $0x7FFFFFFF  }
tec
execute0_lowered:
.L_overlay_start_1:
0x0: {  	(tag) =	ssettag $0x1  }
0x1: {  	s1 =	srdreg.scid  }
0x2: {  	s0 =	stileid.u32;
	s11 =	sand.u32 $0x1, s1  }
0x3: {  	s30 =	sshll.u32 s0, $0x7;
	s2 =	sshll.u32 s11, $0x6  }
0x4: {  	s9 =	rddreg [dreg:$0x0];
	s10 =	sor.u32 s2, s30  }
0x5: {  	s1 =	rddreg [dreg:$0x1];
	s2 =	simm.s32 $0x0;
	s3 =	sshrl.u32 s10, $0x3  }
0x6: {  	[smem:$0x7FF] =	sst s2;
	s12 =	sadd.s32 s3, s9  }
0x7: {  	_ =	strace $0x8000004A;
	s3 =	simm.s32 $0x2;
	s4 =	sadd.s32 $0xD600, s12  }
0x8: {  	[tilespmem:s2], [sflag:$0x2] =	stream.linear.gather [hbm4b:s4+s2], $0x40, $0x38;
	[tilespmem:$0x8080] =	vst v63  }
0x9: {  	_ =	swait.ge [sflag:s3], $0x40  }
0xa: {  	s6 =	simm.s32 $0x40;
	s7 =	simm.s32 $0x80;
	[sflag:s3] =	ssyncset.done $0x0  }
0xb: {  	s8 =	simm.s32 $0x1;
	s5 =	sadd.s32 $0xD800, s9;
	[sflag:s3] =	ssyncadd.s32 $0xFFFFFFC0  }
0xc: {  	[tilespmem:s7], [sflag:$0x1] =	stream.indirect.gather [hbm4b:s5+s6], $0x200, s2, s6, $0xb8;
	[tilespmem:$0x8080] =	vst v63  }
0xd: {  	s10 =	sshll.u32 s10, $0x6;
	_ =	swait.ge [sflag:s8], $0x8000  }
0xe: {  	s13 =	sadd.s32 s10, s9;
	[sflag:s8] =	ssyncset.done $0x0  }
0xf: {  	s9 =	sadd.s32 $0x4D800, s13;
	[sflag:s8] =	ssyncadd.s32 $0xFFFF8000  }
0x10: {  	[hbm4b:s9+s2] =	stream.linear.scatter [tilespmem:s7], [sflag:$0x2], $0x8000, $0x38;
	[tilespmem:$0x8080] =	vst v63  }
0x11: {  	_ =	swait.ge [sflag:s3], $0x8000  }
0x12: {  	[sflag:s3] =	ssyncset.done $0x0  }
0x13: {  	s11 =	ssub.s32 $0x2, s11;
	s10 =	sadd.s32 $0xD400, s12;
	[sflag:s3] =	ssyncadd.s32 $0xFFFF8000  }
0x14: {  	[tilespmem:s2], [sflag:$0x2] =	stream.linear.gather [hbm4b:s10+s2], $0x40, $0x38;
	[tilespmem:$0x8080] =	vst v63  }
0x15: {  	s31 =	sshrl.u32 s11, $0x1;
	_ =	swait.ge [sflag:s3], $0x40  }
0x16: {  	s12 =	ssub.s32 s11, s31;
	[sflag:s3] =	ssyncset.done $0x0  }
0x17: {  	s12 =	smax.u32 s12, $0x1;
	[sflag:s3] =	ssyncadd.s32 $0xFFFFFFC0  }
0x18: {  	[tilespmem:s7], [sflag:$0x1] =	stream.indirect.gather [hbm4b:s5+s6], $0x200, s2, s6, $0xb8;
	[tilespmem:$0x8080] =	vst v63  }
0x19: {  	p0 =	sne.s32 s12, $0x1;
	_ =	swait.ge [sflag:s8], $0x8000  }
.Ltmp0:
0x1a: {  	[sflag:s8] =	ssyncset.done $0x0;
	(pc) =	sbr.rel @!p0 .LBB2_2-.Ltmp0, $4  }
0x1b: {  	s11 =	sadd.s32 $0x6D800, s13;
	[sflag:s8] =	ssyncadd.s32 $0xFFFF8000  }
0x1c: {  	[hbm4b:s11+s2] =	stream.linear.scatter [tilespmem:s7], [sflag:$0x2], $0x8000, $0x38;
	[tilespmem:$0x8080] =	vst v63  }
0x1d: {  	_ =	swait.ge [sflag:s3], $0x8000  }
0x1e: {  	s12 =	sadd.s32 $0xFFFFFFFF, s12;
	[sflag:s3] =	ssyncset.done $0x0  }
.LBB2_1:
0x1f: {  	p0 =	sne.s32 s12, $0x1;
	s12 =	sadd.s32 $0xFFFFFFFF, s12;
	[sflag:s3] =	ssyncadd.s32 $0xFFFF8000  }
0x20: {  	[tilespmem:s2], [sflag:$0x2] =	stream.linear.gather [hbm4b:s4+s2], $0x40, $0x38;
	[tilespmem:$0x8080] =	vst v63  }
0x21: {  	_ =	swait.ge [sflag:s3], $0x40  }
0x22: {  	[sflag:s3] =	ssyncset.done $0x0  }
0x23: {  	[sflag:s3] =	ssyncadd.s32 $0xFFFFFFC0  }
0x24: {  	[tilespmem:s7], [sflag:$0x1] =	stream.indirect.gather [hbm4b:s5+s6], $0x200, s2, s6, $0xb8;
	[tilespmem:$0x8080] =	vst v63  }
0x25: {  	_ =	swait.ge [sflag:s8], $0x8000  }
0x26: {  	[sflag:s8] =	ssyncset.done $0x0  }
0x27: {  	[sflag:s8] =	ssyncadd.s32 $0xFFFF8000  }
0x28: {  	[hbm4b:s9+s2] =	stream.linear.scatter [tilespmem:s7], [sflag:$0x2], $0x8000, $0x38;
	[tilespmem:$0x8080] =	vst v63  }
0x29: {  	_ =	swait.ge [sflag:s3], $0x8000  }
0x2a: {  	[sflag:s3] =	ssyncset.done $0x0  }
0x2b: {  	[sflag:s3] =	ssyncadd.s32 $0xFFFF8000  }
0x2c: {  	[tilespmem:s2], [sflag:$0x2] =	stream.linear.gather [hbm4b:s10+s2], $0x40, $0x38;
	[tilespmem:$0x8080] =	vst v63  }
0x2d: {  	_ =	swait.ge [sflag:s3], $0x40  }
0x2e: {  	[sflag:s3] =	ssyncset.done $0x0  }
0x2f: {  	[sflag:s3] =	ssyncadd.s32 $0xFFFFFFC0  }
0x30: {  	[tilespmem:s7], [sflag:$0x1] =	stream.indirect.gather [hbm4b:s5+s6], $0x200, s2, s6, $0xb8;
	[tilespmem:$0x8080] =	vst v63  }
0x31: {  	_ =	swait.ge [sflag:s8], $0x8000  }
.Ltmp1:
0x32: {  	[sflag:s8] =	ssyncset.done $0x0;
	(pc) =	sbr.rel @p0 .LBB2_1-.Ltmp1, $4  }
0x33: {  	[sflag:s8] =	ssyncadd.s32 $0xFFFF8000  }
0x34: {  	[hbm4b:s11+s2] =	stream.linear.scatter [tilespmem:s7], [sflag:$0x2], $0x8000, $0x38;
	[tilespmem:$0x8080] =	vst v63  }
0x35: {  	_ =	swait.ge [sflag:s3], $0x8000  }
0x36: {  	[sflag:s3] =	ssyncset.done $0x0  }
.LBB2_2:
0x37: {  	[sflag:s3] =	ssyncadd.s32 $0xFFFF8000  }
0x38: {  	_ =	sfence.sel $0x180000  }
0x39: {  	[bflag:$0x0] =	sbarrier.arrive $0xFFFF  }
0x3a: {  	p0 =	sne.s32 s0, $0x0;
	_ =	strace $0x9000004A  }
0x3b: {  	s0 =	sadd.s32 @!p0 $0x100000, s1;
	[bflag:$0x2] =	sbarrier.arrive $0xFFFF  }
0x3c: {  	[sflag:s0] =	ssyncadd.tile.s32 @!p0 $0x1;
	_ =	shalt  }
.Lfunc_end2:
_tile_overlayer_lowered:
.L_overlay_start_2:
0x3d: {  	(tag) =	ssettag $0x2  }
0x3e: {  	s0 =	rddreg [dreg:$0x0];
	s2 =	stileid.u32  }
0x3f: {  	s1 =	rddreg [dreg:$0x1];
	p0 =	sne.s32 s2, $0x0  }
0x40: {  	s3 =	rddreg [dreg:$0x2];
	[bflag:$0x3] =	sbarrier.arrive $0xFFFF;
	s2 =	simm.s32 @!p0 $0x1C02  }
0x41: {  	[timem:s3], [sflag:s2] =	dma.local @!p0 [hbm:s0], s1  }
0x42: {  	s0 =	simm.s32 @!p0 $0x2  }
0x43: {  	_ =	swait.ge @!p0 [sflag:s0], s1  }
0x44: {  	s1 =	ssub.s32 @!p0 $0x0, s1;
	[sflag:s0] =	ssyncset.done @!p0 $0x0  }
0x45: {  	[sflag:s0] =	ssyncadd.s32 @!p0 s1  }
0x46: {  	[bflag:$0x3] =	sbarrier.arrive $0xFFFF  }
0x47: {  	_ =	shalt  }

</sc_bundles>
